<compile_context>
chip_gen: v7x
topology: tpu7x:2x2x1
jax: 0.10.2.dev20260603
libtpu: 0.0.44.dev20260713+nightly
codegen_flags: <defaults>
</compile_context>

<pallas_src>
import functools

import jax
import jax.numpy as jnp
from jax.experimental import pallas as pl
from jax.experimental.pallas import tpu as pltpu
from jax.experimental.pallas import tpu_sc as plsc

_N = 10000
_E = 320000
_NUM_GRAPHS = 100
_NUM_CLASSES = 6

_NC = 2
_NS = 16
_NTILES = _NC * _NS
_K = 128
_TOT_CHUNKS = _E // _K
_CHUNKS_BASE = _TOT_CHUNKS // _NTILES
_EXTRA_TILES = _TOT_CHUNKS % _NTILES
_ACC_N = 10240
_ROWS_PER_SUB = _ACC_N // _NS

_BLK = 5000
_NBLK = _N // _BLK


def _elu(v):
    return jnp.where(v > 0, v, jnp.exp(v) - 1.0)


@functools.lru_cache(maxsize=None)
def _make_sc_aggregate(D):
    mesh = plsc.VectorSubcoreMesh(core_axis_name="c", subcore_axis_name="s")
    n_halves = 1 if D == 64 else 2
    half_n = _CHUNKS_BASE // n_halves

    @functools.partial(
        pl.kernel,
        out_type=jax.ShapeDtypeStruct((_NC, _ACC_N, D), jnp.float32),
        mesh=mesh,
        compiler_params=pltpu.CompilerParams(use_tc_tiling_on_sc=False),
        scratch_types=[
            pltpu.VMEM((half_n, _K), jnp.int32),
            pltpu.VMEM((half_n, _K), jnp.int32),
            pltpu.VMEM((1, _K), jnp.int32),
            pltpu.VMEM((1, _K), jnp.int32),
            pltpu.VMEM((_K, D), jnp.float32),
            pltpu.VMEM((_K, D), jnp.float32),
            pltpu.VMEM_SHARED((_ACC_N, D), jnp.float32),
            pltpu.SemaphoreType.DMA,
            pltpu.SemaphoreType.DMA,
            pltpu.SemaphoreType.DMA,
            pltpu.SemaphoreType.DMA,
        ],
    )
    def agg_kernel(h_hbm, src_hbm, dst_hbm, zero_hbm, out_hbm,
                   src_v, dst_v, src_x, dst_x, rows_a, rows_b, acc_sh,
                   gsa, gsb, ssa, ssb):
        rows = (rows_a, rows_b)
        gsem = (gsa, gsb)
        ssem = (ssa, ssb)
        c = jax.lax.axis_index("c")
        s = jax.lax.axis_index("s")
        wid = c * _NS + s
        start_chunk = wid * _CHUNKS_BASE + jnp.minimum(wid, _EXTRA_TILES)
        has_extra = wid < _EXTRA_TILES

        def preload(half):
            pltpu.async_copy(
                src_hbm.at[pl.ds(start_chunk + half * half_n, half_n)],
                src_v, gsa)
            pltpu.async_copy(
                dst_hbm.at[pl.ds(start_chunk + half * half_n, half_n)],
                dst_v, gsb)

        def preload_wait(half):
            pltpu.make_async_copy(
                src_hbm.at[pl.ds(start_chunk + half * half_n, half_n)],
                src_v, gsa).wait()
            pltpu.make_async_copy(
                dst_hbm.at[pl.ds(start_chunk + half * half_n, half_n)],
                dst_v, gsb).wait()

        def g_start(ci, j):
            pltpu.async_copy(h_hbm.at[src_v.at[ci]], rows[j], gsem[j])

        def g_wait(ci, j):
            pltpu.make_async_copy(h_hbm.at[src_v.at[ci]], rows[j],
                                  gsem[j]).wait()

        def s_start(ci, j):
            pltpu.async_copy(rows[j], acc_sh.at[dst_v.at[ci]], ssem[j],
                             add=True)

        def s_wait(ci, j):
            pltpu.make_async_copy(rows[j], acc_sh.at[dst_v.at[ci]],
                                  ssem[j]).wait()

        def step(ci, j, lookahead):
            g_wait(ci, j)
            s_start(ci, j)
            s_wait(ci, j)
            if lookahead is not None:
                g_start(lookahead, j)

        def process(n):
            g_start(0, 0)
            g_start(1, 1)
            n_full_pairs = (n - 2) // 2 if n % 2 == 0 else (n - 3) // 2

            @pl.loop(0, n_full_pairs)
            def _(p):
                step(2 * p, 0, 2 * p + 2)
                step(2 * p + 1, 1, 2 * p + 3)

            if n % 2 == 0:
                step(n - 2, 0, None)
                step(n - 1, 1, None)
            else:
                step(n - 3, 0, n - 1)
                step(n - 2, 1, None)
                step(n - 1, 0, None)

        preload(0)
        pltpu.sync_copy(zero_hbm,
                        acc_sh.at[pl.ds(s * _ROWS_PER_SUB, _ROWS_PER_SUB)])
        preload_wait(0)
        plsc.subcore_barrier()

        process(half_n)
        for half in range(1, n_halves):
            preload(half)
            preload_wait(half)
            process(half_n)

        @pl.when(has_extra)
        def _():
            xc = start_chunk + _CHUNKS_BASE
            pltpu.sync_copy(src_hbm.at[pl.ds(xc, 1)], src_x)
            pltpu.sync_copy(dst_hbm.at[pl.ds(xc, 1)], dst_x)
            pltpu.async_copy(h_hbm.at[src_x.at[0]], rows_a, gsa).wait()
            pltpu.async_copy(rows_a, acc_sh.at[dst_x.at[0]], ssa,
                             add=True).wait()

        plsc.subcore_barrier()
        pltpu.sync_copy(acc_sh.at[pl.ds(s * _ROWS_PER_SUB, _ROWS_PER_SUB)],
                        out_hbm.at[c, pl.ds(s * _ROWS_PER_SUB, _ROWS_PER_SUB)])

    return agg_kernel


def _sc_segment_partials(h, src_p, dst_p, zero_rows):
    return _make_sc_aggregate(h.shape[1])(h, src_p, dst_p, zero_rows)


def _row_spec(d):
    return pl.BlockSpec((_BLK, d), lambda i: (i, 0))


def _agg_spec(core, d):
    return pl.BlockSpec((1, _BLK, d), lambda i: (core, i, 0))


def _full_spec(shape):
    return pl.BlockSpec(shape, lambda i: tuple(0 for _ in shape))


def _edges_body(e_ref, s_ref, d_ref):
    s_ref[...] = e_ref[0].reshape(_TOT_CHUNKS, _K)
    d_ref[...] = e_ref[1].reshape(_TOT_CHUNKS, _K)


def _edges(edge_index):
    return pl.pallas_call(
        _edges_body,
        out_shape=[jax.ShapeDtypeStruct((_TOT_CHUNKS, _K), jnp.int32)] * 2,
    )(edge_index)


def _tc1_body(x_ref, w_ref, xr_ref, xo_ref):
    cat = jnp.dot(x_ref[...], w_ref[...], preferred_element_type=jnp.float32)
    xr_ref[...] = cat[:, :64]
    xo_ref[...] = cat[:, 64:]


def _tc1(x, wcat):
    return pl.pallas_call(
        _tc1_body,
        grid=(_NBLK,),
        in_specs=[_row_spec(128), _full_spec((128, 128))],
        out_specs=[_row_spec(64), _row_spec(64)],
        out_shape=[jax.ShapeDtypeStruct((_N, 64), jnp.float32),
                   jax.ShapeDtypeStruct((_N, 64), jnp.float32)],
    )(x, wcat)


def _tc2_body(agg0_ref, agg1_ref, b1_ref, xo1_ref, w2_ref, h1_ref, xo2_ref):
    h1 = _elu(agg0_ref[0] + agg1_ref[0] + b1_ref[...] + xo1_ref[...])
    h1_ref[...] = h1
    xo2_ref[...] = jnp.dot(h1, w2_ref[...], preferred_element_type=jnp.float32)


def _tc2(agg, b1, xo1, wroot2t):
    return pl.pallas_call(
        _tc2_body,
        grid=(_NBLK,),
        in_specs=[_agg_spec(0, 64), _agg_spec(1, 64), _full_spec((1, 64)),
                  _row_spec(64), _full_spec((64, 128))],
        out_specs=[_row_spec(64), _row_spec(128)],
        out_shape=[jax.ShapeDtypeStruct((_N, 64), jnp.float32),
                   jax.ShapeDtypeStruct((_N, 128), jnp.float32)],
    )(agg, agg, b1, xo1, wroot2t)


def _tc3_body(agg0_ref, agg1_ref, b2_ref, xo2_ref, wrel2_ref, wroot3_ref,
              h2_ref, xo3_ref):
    a = agg0_ref[0] + agg1_ref[0]
    h2 = _elu(jnp.dot(a, wrel2_ref[...], preferred_element_type=jnp.float32)
              + b2_ref[...] + xo2_ref[...])
    h2_ref[...] = h2
    xo3_ref[...] = jnp.dot(h2, wroot3_ref[...],
                           preferred_element_type=jnp.float32)


def _tc3(agg, b2, xo2, wrel2t, wroot3t):
    return pl.pallas_call(
        _tc3_body,
        grid=(_NBLK,),
        in_specs=[_agg_spec(0, 64), _agg_spec(1, 64), _full_spec((1, 128)),
                  _row_spec(128), _full_spec((64, 128)),
                  _full_spec((128, 256))],
        out_specs=[_row_spec(128), _row_spec(256)],
        out_shape=[jax.ShapeDtypeStruct((_N, 128), jnp.float32),
                   jax.ShapeDtypeStruct((_N, 256), jnp.float32)],
    )(agg, agg, b2, xo2, wrel2t, wroot3t)


def _tc4_body(agg0_ref, agg1_ref, b3_ref, xo3_ref, wrel3_ref, batch_ref,
              wfc1_ref, bfc1_ref, wfc3_ref, bfc3_ref, o_ref,
              pooled_ref, cnt_ref):
    a = agg0_ref[0] + agg1_ref[0]
    h3 = _elu(jnp.dot(a, wrel3_ref[...], preferred_element_type=jnp.float32)
              + b3_ref[...] + xo3_ref[...])
    b = batch_ref[0, 0, :]
    gids = jax.lax.broadcasted_iota(jnp.int32, (128, _BLK), 0)
    maskt = (gids == b[None, :]).astype(jnp.float32)
    pooled_blk = jnp.dot(maskt, h3, preferred_element_type=jnp.float32)
    cnt_blk = jnp.sum(maskt, axis=1, keepdims=True)

    @pl.when(pl.program_id(0) == 0)
    def _():
        pooled_ref[...] = jnp.zeros_like(pooled_ref)
        cnt_ref[...] = jnp.zeros_like(cnt_ref)

    pooled_ref[...] += pooled_blk
    cnt_ref[...] += cnt_blk

    @pl.when(pl.program_id(0) == _NBLK - 1)
    def _():
        cnt = jnp.maximum(cnt_ref[...], 1.0)
        mean = pooled_ref[...] / cnt
        z = _elu(jnp.dot(mean, wfc1_ref[...],
                         preferred_element_type=jnp.float32)
                 + bfc1_ref[...])
        z2 = (jnp.dot(z, wfc3_ref[...], preferred_element_type=jnp.float32)
              + bfc3_ref[...])
        m = jnp.max(z2, axis=1, keepdims=True)
        ssum = jnp.sum(jnp.exp(z2 - m), axis=1, keepdims=True)
        o_ref[...] = z2 - m - jnp.log(ssum)


def _tc4(agg, b3, xo3, wrel3t, batch3d, wfc1t, bfc1, wfc3t_pad, bfc3_pad):
    return pl.pallas_call(
        _tc4_body,
        grid=(_NBLK,),
        in_specs=[_agg_spec(0, 128), _agg_spec(1, 128), _full_spec((1, 256)),
                  _row_spec(256), _full_spec((128, 256)),
                  pl.BlockSpec((1, 1, _BLK), lambda i: (i, 0, 0)),
                  _full_spec((256, 128)), _full_spec((1, 128)),
                  _full_spec((128, 128)), _full_spec((1, 128))],
        out_specs=_full_spec((128, 128)),
        out_shape=jax.ShapeDtypeStruct((128, 128), jnp.float32),
        scratch_shapes=[pltpu.VMEM((128, 256), jnp.float32),
                        pltpu.VMEM((128, 1), jnp.float32)],
    )(agg, agg, b3, xo3, wrel3t, batch3d, wfc1t, bfc1, wfc3t_pad, bfc3_pad)


def kernel(x, edge_index, batch, W_rel1, b_rel1, W_root1, W_rel2, b_rel2,
           W_root2, W_rel3, b_rel3, W_root3, W_fc1, b_fc1, W_fc3, b_fc3):
    src_p, dst_p = _edges(edge_index.astype(jnp.int32))

    zeros64 = jnp.zeros((_ROWS_PER_SUB, 64), jnp.float32)
    zeros128 = jnp.zeros((_ROWS_PER_SUB, 128), jnp.float32)

    wcat1 = jnp.concatenate([W_rel1.T, W_root1.T], axis=1)
    b1 = b_rel1.reshape(1, 64)
    b2 = b_rel2.reshape(1, 128)
    b3 = b_rel3.reshape(1, 256)
    batch3d = batch.astype(jnp.int32).reshape(_NBLK, 1, _BLK)

    wfc3t_pad = jnp.zeros((128, 128), jnp.float32).at[:, :_NUM_CLASSES].set(
        W_fc3.T)
    bfc3_pad = jnp.full((1, 128), -1e9, jnp.float32).at[0, :_NUM_CLASSES].set(
        b_fc3)

    xr1, xo1 = _tc1(x, wcat1)
    agg1 = _sc_segment_partials(xr1, src_p, dst_p, zeros64)
    h1, xo2 = _tc2(agg1, b1, xo1, W_root2.T)

    agg2 = _sc_segment_partials(h1, src_p, dst_p, zeros64)
    h2, xo3 = _tc3(agg2, b2, xo2, W_rel2.T, W_root3.T)

    agg3 = _sc_segment_partials(h2, src_p, dst_p, zeros128)
    out = _tc4(agg3, b3, xo3, W_rel3.T, batch3d, W_fc1.T,
               b_fc1.reshape(1, 128), wfc3t_pad, bfc3_pad)
    return out[:_NUM_GRAPHS, :_NUM_CLASSES]

# --- scband reference (transcript-rebuilt; emitter-appended) ---
"""Pipeline reference for scband-net-47313359732961 (READ-ONLY COPY).

The authoritative reference and input builder live on the scoring server;
editing this copy changes nothing except your own understanding.
"""

import jax, jax.numpy as jnp
import numpy as np

N = 10000
E = 320000
D_IN = 128
NUM_GRAPHS = 100
NUM_CLASSES = 6


def _init_lin(key, out_f, in_f):
    k1, k2 = jax.random.split(key)
    s = 1.0 / np.sqrt(in_f)
    W = jax.random.uniform(k1, (out_f, in_f), minval=-s, maxval=s, dtype=jnp.float32)
    b = jax.random.uniform(k2, (out_f,), minval=-s, maxval=s, dtype=jnp.float32)
    return W, b


def setup_inputs(seed: int = 0) -> dict:
    key = jax.random.key(seed)
    ks = jax.random.split(key, 12)
    x = jax.random.normal(ks[0], (N, D_IN), dtype=jnp.float32)
    edge_index = jax.random.randint(ks[1], (2, E), 0, N, dtype=jnp.int64)
    batch = jnp.sort(jax.random.randint(ks[2], (N,), 0, NUM_GRAPHS, dtype=jnp.int64))
    W_rel1, b_rel1 = _init_lin(ks[3], 64, D_IN)
    W_root1, _ = _init_lin(ks[4], 64, D_IN)
    W_rel2, b_rel2 = _init_lin(ks[5], 128, 64)
    W_root2, _ = _init_lin(ks[6], 128, 64)
    W_rel3, b_rel3 = _init_lin(ks[7], 256, 128)
    W_root3, _ = _init_lin(ks[8], 256, 128)
    W_fc1, b_fc1 = _init_lin(ks[9], 128, 256)
    W_fc3, b_fc3 = _init_lin(ks[10], NUM_CLASSES, 128)
    return {"x": x, "edge_index": edge_index, "batch": batch,
            "W_rel1": W_rel1, "b_rel1": b_rel1, "W_root1": W_root1,
            "W_rel2": W_rel2, "b_rel2": b_rel2, "W_root2": W_root2,
            "W_rel3": W_rel3, "b_rel3": b_rel3, "W_root3": W_root3,
            "W_fc1": W_fc1, "b_fc1": b_fc1, "W_fc3": W_fc3, "b_fc3": b_fc3}


def _graph_conv(x, edge_index, W_rel, b_rel, W_root):
    # torch_geometric GraphConv (aggr='add'):
    # out_i = W_rel @ (sum_{j in N(i)} x_j) + b_rel + W_root @ x_i
    src = edge_index[0]
    dst = edge_index[1]
    msgs = jnp.take(x, src, axis=0)
    agg = jax.ops.segment_sum(msgs, dst, num_segments=x.shape[0])
    return agg @ W_rel.T + b_rel + x @ W_root.T


def reference(x, edge_index, batch, W_rel1, b_rel1, W_root1, W_rel2, b_rel2, W_root2,
              W_rel3, b_rel3, W_root3, W_fc1, b_fc1, W_fc3, b_fc3):
    h = jax.nn.elu(_graph_conv(x, edge_index, W_rel1, b_rel1, W_root1))
    h = jax.nn.elu(_graph_conv(h, edge_index, W_rel2, b_rel2, W_root2))
    h = jax.nn.elu(_graph_conv(h, edge_index, W_rel3, b_rel3, W_root3))
    # scatter_mean over graph ids
    sums = jax.ops.segment_sum(h, batch, num_segments=NUM_GRAPHS)
    counts = jax.ops.segment_sum(jnp.ones((h.shape[0],), dtype=jnp.float32), batch, num_segments=NUM_GRAPHS)
    pooled = sums / jnp.maximum(counts, 1.0)[:, None]
    z = jax.nn.elu(pooled @ W_fc1.T + b_fc1)
    z = z @ W_fc3.T + b_fc3
    return jax.nn.log_softmax(z, axis=1)

if __name__ == "__main__":
    import jax
    _d = setup_inputs()
    print(jax.jit(kernel)(*tuple(_d.values())))

</pallas_src>

<mosaic_0001>
#map = affine_map<(d0, d1) -> (0, 0)>
#map1 = affine_map<(d0, d1) -> (0, 0, 0)>
module attributes {stable_mosaic.version = 14 : i64} {
  func.func @agg_kernel(%arg0: i32, %arg1: i32, %arg2: memref<10000x64xf32, #tpu.memory_space<hbm>>, %arg3: memref<2500x128xi32, #tpu.memory_space<hbm>>, %arg4: memref<2500x128xi32, #tpu.memory_space<hbm>>, %arg5: memref<640x64xf32, #tpu.memory_space<hbm>>, %arg6: memref<2x10240x64xf32, #tpu.memory_space<hbm>>, %arg7: memref<78x128xi32, #tpu.memory_space<vmem>>, %arg8: memref<78x128xi32, #tpu.memory_space<vmem>>, %arg9: memref<1x128xi32, #tpu.memory_space<vmem>>, %arg10: memref<1x128xi32, #tpu.memory_space<vmem>>, %arg11: memref<128x64xf32, #tpu.memory_space<vmem>>, %arg12: memref<128x64xf32, #tpu.memory_space<vmem>>, %arg13: memref<10240x64xf32, #tpu.memory_space<vmem_shared>>, %arg14: memref<!tpu.dma_semaphore, #tpu.memory_space<semaphore_mem>>, %arg15: memref<!tpu.dma_semaphore, #tpu.memory_space<semaphore_mem>>, %arg16: memref<!tpu.dma_semaphore, #tpu.memory_space<semaphore_mem>>, %arg17: memref<!tpu.dma_semaphore, #tpu.memory_space<semaphore_mem>>) attributes {dimension_semantics = [#tpu.dimension_semantics<core_parallel>, #tpu.dimension_semantics<subcore_parallel>], iteration_bounds = array<i64: 2, 16>, scalar_prefetch = 0 : i64, scratch_operands = 11 : i64, tpu.core_type = #tpu.core_type<sc_vector_subcore>, window_params = [{transform_indices = #map}, {transform_indices = #map}, {transform_indices = #map}, {transform_indices = #map}, {transform_indices = #map1}]} {
    %mul3A = arith.constant 16 : i32
    %mul3A_0 = arith.muli %arg0, %mul3A : i32
    %add3A = arith.addi %mul3A_0, %arg1 : i32
    %mul3A_1 = arith.constant 78 : i32
    %mul3A_2 = arith.muli %add3A, %mul3A_1 : i32
    %min3A = arith.constant 4 : i32
    %min3A_3 = arith.minsi %add3A, %min3A : i32
    %add3A_4 = arith.addi %mul3A_2, %min3A_3 : i32
    %lt3A = arith.constant 4 : i32
    %lt3A_5 = arith.cmpi slt, %add3A, %lt3A : i32
    %add3A_6 = arith.constant 0 : i32
    %add3A_7 = arith.addi %add3A_4, %add3A_6 : i32
    %dma_start3A = arith.constant 0 : i32
    %dma_start3A_8 = tpu.memref_slice %arg3[%add3A_7, %dma_start3A] : memref<2500x128xi32, #tpu.memory_space<hbm>> -> memref<78x128xi32, #tpu.memory_space<hbm>>
    %dma_start3A_9 = arith.constant 0 : i32
    %dma_start3A_10 = tpu.memref_slice %arg3[%add3A_7, %dma_start3A_9] : memref<2500x128xi32, #tpu.memory_space<hbm>> -> memref<78x128xi32, #tpu.memory_space<hbm>>
    tpu.enqueue_dma source(%dma_start3A_10 : memref<78x128xi32, #tpu.memory_space<hbm>>) target(%arg7 : memref<78x128xi32, #tpu.memory_space<vmem>>) target_semaphore(%arg14 : memref<!tpu.dma_semaphore, #tpu.memory_space<semaphore_mem>>)
    %add3A_11 = arith.constant 0 : i32
    %add3A_12 = arith.addi %add3A_4, %add3A_11 : i32
    %dma_start3A_13 = arith.constant 0 : i32
    %dma_start3A_14 = tpu.memref_slice %arg4[%add3A_12, %dma_start3A_13] : memref<2500x128xi32, #tpu.memory_space<hbm>> -> memref<78x128xi32, #tpu.memory_space<hbm>>
    %dma_start3A_15 = arith.constant 0 : i32
    %dma_start3A_16 = tpu.memref_slice %arg4[%add3A_12, %dma_start3A_15] : memref<2500x128xi32, #tpu.memory_space<hbm>> -> memref<78x128xi32, #tpu.memory_space<hbm>>
    tpu.enqueue_dma source(%dma_start3A_16 : memref<78x128xi32, #tpu.memory_space<hbm>>) target(%arg8 : memref<78x128xi32, #tpu.memory_space<vmem>>) target_semaphore(%arg15 : memref<!tpu.dma_semaphore, #tpu.memory_space<semaphore_mem>>)
    %mul3A_17 = arith.constant 640 : i32
    %mul3A_18 = arith.muli %arg1, %mul3A_17 : i32
    "tpu.region"() ({
      %run_scoped3A = tpu.sem_alloc : memref<!tpu.dma_semaphore, #tpu.memory_space<semaphore_mem>>
      %dma_start3A_96 = arith.constant 0 : i32
      %dma_start3A_97 = tpu.memref_slice %arg13[%mul3A_18, %dma_start3A_96] : memref<10240x64xf32, #tpu.memory_space<vmem_shared>> -> memref<640x64xf32, #tpu.memory_space<vmem_shared>>
      tpu.enqueue_dma source(%arg5 : memref<640x64xf32, #tpu.memory_space<hbm>>) target(%dma_start3A_97 : memref<640x64xf32, #tpu.memory_space<vmem_shared>>) target_semaphore(%run_scoped3A : memref<!tpu.dma_semaphore, #tpu.memory_space<semaphore_mem>>)
      %dma_wait3A_98 = arith.constant 0 : i32
      %dma_wait3A_99 = tpu.memref_slice %arg13[%mul3A_18, %dma_wait3A_98] : memref<10240x64xf32, #tpu.memory_space<vmem_shared>> -> memref<640x64xf32, #tpu.memory_space<vmem_shared>>
      tpu.wait_dma2 semaphore(%run_scoped3A : memref<!tpu.dma_semaphore, #tpu.memory_space<semaphore_mem>>) src(%arg5 : memref<640x64xf32, #tpu.memory_space<hbm>>) dst(%dma_wait3A_99 : memref<640x64xf32, #tpu.memory_space<vmem_shared>>)
      tpu.yield
    }) : () -> ()
    %add3A_19 = arith.constant 0 : i32
    %add3A_20 = arith.addi %add3A_4, %add3A_19 : i32
    %dma_wait3A = arith.constant 0 : i32
    %dma_wait3A_21 = tpu.memref_slice %arg3[%add3A_20, %dma_wait3A] : memref<2500x128xi32, #tpu.memory_space<hbm>> -> memref<78x128xi32, #tpu.memory_space<hbm>>
    %dma_wait3A_22 = arith.constant 0 : i32
    %dma_wait3A_23 = tpu.memref_slice %arg3[%add3A_20, %dma_wait3A_22] : memref<2500x128xi32, #tpu.memory_space<hbm>> -> memref<78x128xi32, #tpu.memory_space<hbm>>
    tpu.wait_dma2 semaphore(%arg14 : memref<!tpu.dma_semaphore, #tpu.memory_space<semaphore_mem>>) src(%dma_wait3A_23 : memref<78x128xi32, #tpu.memory_space<hbm>>) dst(%arg7 : memref<78x128xi32, #tpu.memory_space<vmem>>)
    %add3A_24 = arith.constant 0 : i32
    %add3A_25 = arith.addi %add3A_4, %add3A_24 : i32
    %dma_wait3A_26 = arith.constant 0 : i32
    %dma_wait3A_27 = tpu.memref_slice %arg4[%add3A_25, %dma_wait3A_26] : memref<2500x128xi32, #tpu.memory_space<hbm>> -> memref<78x128xi32, #tpu.memory_space<hbm>>
    %dma_wait3A_28 = arith.constant 0 : i32
    %dma_wait3A_29 = tpu.memref_slice %arg4[%add3A_25, %dma_wait3A_28] : memref<2500x128xi32, #tpu.memory_space<hbm>> -> memref<78x128xi32, #tpu.memory_space<hbm>>
    tpu.wait_dma2 semaphore(%arg15 : memref<!tpu.dma_semaphore, #tpu.memory_space<semaphore_mem>>) src(%dma_wait3A_29 : memref<78x128xi32, #tpu.memory_space<hbm>>) dst(%arg8 : memref<78x128xi32, #tpu.memory_space<vmem>>)
    %barrier3A = arith.constant 0 : index
    tpu.barrier barrier_id(%barrier3A)
    %dma_start3A_30 = arith.constant 0 : i32
    %dma_start3A_31 = arith.constant 0 : i32
    %dma_start3A_32 = tpu.memref_slice %arg7[%dma_start3A_30, %dma_start3A_31] : memref<78x128xi32, #tpu.memory_space<vmem>> -> memref<1x128xi32, #tpu.memory_space<vmem>>
    %dma_start3A_33 = tpu.memref_squeeze %dma_start3A_32 : memref<1x128xi32, #tpu.memory_space<vmem>> -> memref<128xi32, #tpu.memory_space<vmem>>
    %dma_start3A_34 = arith.constant 0 : i32
    %dma_start3A_35 = arith.constant 0 : i32
    %dma_start3A_36 = tpu.memref_slice %arg2[%dma_start3A_34, %dma_start3A_35] : memref<10000x64xf32, #tpu.memory_space<hbm>> -> memref<10000x64xf32, #tpu.memory_space<hbm>>
    tpu.enqueue_indirect_dma source(%dma_start3A_36 : memref<10000x64xf32, #tpu.memory_space<hbm>>) target(%arg11 : memref<128x64xf32, #tpu.memory_space<vmem>>) offsets(%dma_start3A_33 : memref<128xi32, #tpu.memory_space<vmem>>) semaphore(%arg14 : memref<!tpu.dma_semaphore, #tpu.memory_space<semaphore_mem>>)
    %dma_start3A_37 = arith.constant 1 : i32
    %dma_start3A_38 = arith.constant 0 : i32
    %dma_start3A_39 = tpu.memref_slice %arg7[%dma_start3A_37, %dma_start3A_38] : memref<78x128xi32, #tpu.memory_space<vmem>> -> memref<1x128xi32, #tpu.memory_space<vmem>>
    %dma_start3A_40 = tpu.memref_squeeze %dma_start3A_39 : memref<1x128xi32, #tpu.memory_space<vmem>> -> memref<128xi32, #tpu.memory_space<vmem>>
    %dma_start3A_41 = arith.constant 0 : i32
    %dma_start3A_42 = arith.constant 0 : i32
    %dma_start3A_43 = tpu.memref_slice %arg2[%dma_start3A_41, %dma_start3A_42] : memref<10000x64xf32, #tpu.memory_space<hbm>> -> memref<10000x64xf32, #tpu.memory_space<hbm>>
    tpu.enqueue_indirect_dma source(%dma_start3A_43 : memref<10000x64xf32, #tpu.memory_space<hbm>>) target(%arg12 : memref<128x64xf32, #tpu.memory_space<vmem>>) offsets(%dma_start3A_40 : memref<128xi32, #tpu.memory_space<vmem>>) semaphore(%arg15 : memref<!tpu.dma_semaphore, #tpu.memory_space<semaphore_mem>>)
    %scan3A = arith.constant 0 : i32
    %scan3A_44 = arith.constant 38 : i32
    %scan3A_45 = arith.addi %scan3A, %scan3A_44 : i32
    %scan3A_46 = arith.constant 1 : i32
    scf.for %scan3A_96 = %scan3A to %scan3A_45 step %scan3A_46  : i32 {
      %mul3A_97 = arith.constant 1 : i32
      %mul3A_98 = arith.muli %scan3A_96, %mul3A_97 : i32
      %add3A_99 = arith.constant 0 : i32
      %add3A_100 = arith.addi %add3A_99, %mul3A_98 : i32
      %mul3A_101 = arith.constant 2 : i32
      %mul3A_102 = arith.muli %mul3A_101, %add3A_100 : i32
      %mul3A_103 = arith.constant 2 : i32
      %mul3A_104 = arith.muli %mul3A_103, %add3A_100 : i32
      %add3A_105 = arith.constant 2 : i32
      %add3A_106 = arith.addi %mul3A_104, %add3A_105 : i32
      %dma_wait3A_107 = arith.constant 0 : i32
      %dma_wait3A_108 = tpu.memref_slice %arg7[%mul3A_102, %dma_wait3A_107] : memref<78x128xi32, #tpu.memory_space<vmem>> -> memref<1x128xi32, #tpu.memory_space<vmem>>
      %dma_wait3A_109 = tpu.memref_squeeze %dma_wait3A_108 : memref<1x128xi32, #tpu.memory_space<vmem>> -> memref<128xi32, #tpu.memory_space<vmem>>
      %dma_wait3A_110 = arith.constant 0 : i32
      %dma_wait3A_111 = arith.constant 0 : i32
      %dma_wait3A_112 = tpu.memref_slice %arg2[%dma_wait3A_110, %dma_wait3A_111] : memref<10000x64xf32, #tpu.memory_space<hbm>> -> memref<10000x64xf32, #tpu.memory_space<hbm>>
      tpu.wait_indirect_dma semaphore(%arg14 : memref<!tpu.dma_semaphore, #tpu.memory_space<semaphore_mem>>) src(%dma_wait3A_112 : memref<10000x64xf32, #tpu.memory_space<hbm>>) dst(%arg11 : memref<128x64xf32, #tpu.memory_space<vmem>>)
      %dma_start3A_113 = arith.constant 0 : i32
      %dma_start3A_114 = tpu.memref_slice %arg8[%mul3A_102, %dma_start3A_113] : memref<78x128xi32, #tpu.memory_space<vmem>> -> memref<1x128xi32, #tpu.memory_space<vmem>>
      %dma_start3A_115 = tpu.memref_squeeze %dma_start3A_114 : memref<1x128xi32, #tpu.memory_space<vmem>> -> memref<128xi32, #tpu.memory_space<vmem>>
      %dma_start3A_116 = arith.constant 0 : i32
      %dma_start3A_117 = arith.constant 0 : i32
      %dma_start3A_118 = tpu.memref_slice %arg13[%dma_start3A_116, %dma_start3A_117] : memref<10240x64xf32, #tpu.memory_space<vmem_shared>> -> memref<10240x64xf32, #tpu.memory_space<vmem_shared>>
      tpu.enqueue_indirect_dma source(%arg11 : memref<128x64xf32, #tpu.memory_space<vmem>>) target(%dma_start3A_118 : memref<10240x64xf32, #tpu.memory_space<vmem_shared>>) offsets(%dma_start3A_115 : memref<128xi32, #tpu.memory_space<vmem>>) semaphore(%arg16 : memref<!tpu.dma_semaphore, #tpu.memory_space<semaphore_mem>>) {add = true}
      %dma_wait3A_119 = arith.constant 0 : i32
      %dma_wait3A_120 = tpu.memref_slice %arg8[%mul3A_102, %dma_wait3A_119] : memref<78x128xi32, #tpu.memory_space<vmem>> -> memref<1x128xi32, #tpu.memory_space<vmem>>
      %dma_wait3A_121 = tpu.memref_squeeze %dma_wait3A_120 : memref<1x128xi32, #tpu.memory_space<vmem>> -> memref<128xi32, #tpu.memory_space<vmem>>
      %dma_wait3A_122 = arith.constant 0 : i32
      %dma_wait3A_123 = arith.constant 0 : i32
      %dma_wait3A_124 = tpu.memref_slice %arg13[%dma_wait3A_122, %dma_wait3A_123] : memref<10240x64xf32, #tpu.memory_space<vmem_shared>> -> memref<10240x64xf32, #tpu.memory_space<vmem_shared>>
      tpu.wait_indirect_dma semaphore(%arg16 : memref<!tpu.dma_semaphore, #tpu.memory_space<semaphore_mem>>) src(%arg11 : memref<128x64xf32, #tpu.memory_space<vmem>>) dst(%dma_wait3A_124 : memref<10240x64xf32, #tpu.memory_space<vmem_shared>>)
      %dma_start3A_125 = arith.constant 0 : i32
      %dma_start3A_126 = tpu.memref_slice %arg7[%add3A_106, %dma_start3A_125] : memref<78x128xi32, #tpu.memory_space<vmem>> -> memref<1x128xi32, #tpu.memory_space<vmem>>
      %dma_start3A_127 = tpu.memref_squeeze %dma_start3A_126 : memref<1x128xi32, #tpu.memory_space<vmem>> -> memref<128xi32, #tpu.memory_space<vmem>>
      %dma_start3A_128 = arith.constant 0 : i32
      %dma_start3A_129 = arith.constant 0 : i32
      %dma_start3A_130 = tpu.memref_slice %arg2[%dma_start3A_128, %dma_start3A_129] : memref<10000x64xf32, #tpu.memory_space<hbm>> -> memref<10000x64xf32, #tpu.memory_space<hbm>>
      tpu.enqueue_indirect_dma source(%dma_start3A_130 : memref<10000x64xf32, #tpu.memory_space<hbm>>) target(%arg11 : memref<128x64xf32, #tpu.memory_space<vmem>>) offsets(%dma_start3A_127 : memref<128xi32, #tpu.memory_space<vmem>>) semaphore(%arg14 : memref<!tpu.dma_semaphore, #tpu.memory_space<semaphore_mem>>)
      %mul3A_131 = arith.constant 2 : i32
      %mul3A_132 = arith.muli %mul3A_131, %add3A_100 : i32
      %add3A_133 = arith.constant 1 : i32
      %add3A_134 = arith.addi %mul3A_132, %add3A_133 : i32
      %mul3A_135 = arith.constant 2 : i32
      %mul3A_136 = arith.muli %mul3A_135, %add3A_100 : i32
      %add3A_137 = arith.constant 3 : i32
      %add3A_138 = arith.addi %mul3A_136, %add3A_137 : i32
      %dma_wait3A_139 = arith.constant 0 : i32
      %dma_wait3A_140 = tpu.memref_slice %arg7[%add3A_134, %dma_wait3A_139] : memref<78x128xi32, #tpu.memory_space<vmem>> -> memref<1x128xi32, #tpu.memory_space<vmem>>
      %dma_wait3A_141 = tpu.memref_squeeze %dma_wait3A_140 : memref<1x128xi32, #tpu.memory_space<vmem>> -> memref<128xi32, #tpu.memory_space<vmem>>
      %dma_wait3A_142 = arith.constant 0 : i32
      %dma_wait3A_143 = arith.constant 0 : i32
      %dma_wait3A_144 = tpu.memref_slice %arg2[%dma_wait3A_142, %dma_wait3A_143] : memref<10000x64xf32, #tpu.memory_space<hbm>> -> memref<10000x64xf32, #tpu.memory_space<hbm>>
      tpu.wait_indirect_dma semaphore(%arg15 : memref<!tpu.dma_semaphore, #tpu.memory_space<semaphore_mem>>) src(%dma_wait3A_144 : memref<10000x64xf32, #tpu.memory_space<hbm>>) dst(%arg12 : memref<128x64xf32, #tpu.memory_space<vmem>>)
      %dma_start3A_145 = arith.constant 0 : i32
      %dma_start3A_146 = tpu.memref_slice %arg8[%add3A_134, %dma_start3A_145] : memref<78x128xi32, #tpu.memory_space<vmem>> -> memref<1x128xi32, #tpu.memory_space<vmem>>
      %dma_start3A_147 = tpu.memref_squeeze %dma_start3A_146 : memref<1x128xi32, #tpu.memory_space<vmem>> -> memref<128xi32, #tpu.memory_space<vmem>>
      %dma_start3A_148 = arith.constant 0 : i32
      %dma_start3A_149 = arith.constant 0 : i32
      %dma_start3A_150 = tpu.memref_slice %arg13[%dma_start3A_148, %dma_start3A_149] : memref<10240x64xf32, #tpu.memory_space<vmem_shared>> -> memref<10240x64xf32, #tpu.memory_space<vmem_shared>>
      tpu.enqueue_indirect_dma source(%arg12 : memref<128x64xf32, #tpu.memory_space<vmem>>) target(%dma_start3A_150 : memref<10240x64xf32, #tpu.memory_space<vmem_shared>>) offsets(%dma_start3A_147 : memref<128xi32, #tpu.memory_space<vmem>>) semaphore(%arg17 : memref<!tpu.dma_semaphore, #tpu.memory_space<semaphore_mem>>) {add = true}
      %dma_wait3A_151 = arith.constant 0 : i32
      %dma_wait3A_152 = tpu.memref_slice %arg8[%add3A_134, %dma_wait3A_151] : memref<78x128xi32, #tpu.memory_space<vmem>> -> memref<1x128xi32, #tpu.memory_space<vmem>>
      %dma_wait3A_153 = tpu.memref_squeeze %dma_wait3A_152 : memref<1x128xi32, #tpu.memory_space<vmem>> -> memref<128xi32, #tpu.memory_space<vmem>>
      %dma_wait3A_154 = arith.constant 0 : i32
      %dma_wait3A_155 = arith.constant 0 : i32
      %dma_wait3A_156 = tpu.memref_slice %arg13[%dma_wait3A_154, %dma_wait3A_155] : memref<10240x64xf32, #tpu.memory_space<vmem_shared>> -> memref<10240x64xf32, #tpu.memory_space<vmem_shared>>
      tpu.wait_indirect_dma semaphore(%arg17 : memref<!tpu.dma_semaphore, #tpu.memory_space<semaphore_mem>>) src(%arg12 : memref<128x64xf32, #tpu.memory_space<vmem>>) dst(%dma_wait3A_156 : memref<10240x64xf32, #tpu.memory_space<vmem_shared>>)
      %dma_start3A_157 = arith.constant 0 : i32
      %dma_start3A_158 = tpu.memref_slice %arg7[%add3A_138, %dma_start3A_157] : memref<78x128xi32, #tpu.memory_space<vmem>> -> memref<1x128xi32, #tpu.memory_space<vmem>>
      %dma_start3A_159 = tpu.memref_squeeze %dma_start3A_158 : memref<1x128xi32, #tpu.memory_space<vmem>> -> memref<128xi32, #tpu.memory_space<vmem>>
      %dma_start3A_160 = arith.constant 0 : i32
      %dma_start3A_161 = arith.constant 0 : i32
      %dma_start3A_162 = tpu.memref_slice %arg2[%dma_start3A_160, %dma_start3A_161] : memref<10000x64xf32, #tpu.memory_space<hbm>> -> memref<10000x64xf32, #tpu.memory_space<hbm>>
      tpu.enqueue_indirect_dma source(%dma_start3A_162 : memref<10000x64xf32, #tpu.memory_space<hbm>>) target(%arg12 : memref<128x64xf32, #tpu.memory_space<vmem>>) offsets(%dma_start3A_159 : memref<128xi32, #tpu.memory_space<vmem>>) semaphore(%arg15 : memref<!tpu.dma_semaphore, #tpu.memory_space<semaphore_mem>>)
    }
    %scan3A_47 = arith.constant 38 : i32
    %dma_wait3A_48 = arith.constant 76 : i32
    %dma_wait3A_49 = arith.constant 0 : i32
    %dma_wait3A_50 = tpu.memref_slice %arg7[%dma_wait3A_48, %dma_wait3A_49] : memref<78x128xi32, #tpu.memory_space<vmem>> -> memref<1x128xi32, #tpu.memory_space<vmem>>
    %dma_wait3A_51 = tpu.memref_squeeze %dma_wait3A_50 : memref<1x128xi32, #tpu.memory_space<vmem>> -> memref<128xi32, #tpu.memory_space<vmem>>
    %dma_wait3A_52 = arith.constant 0 : i32
    %dma_wait3A_53 = arith.constant 0 : i32
    %dma_wait3A_54 = tpu.memref_slice %arg2[%dma_wait3A_52, %dma_wait3A_53] : memref<10000x64xf32, #tpu.memory_space<hbm>> -> memref<10000x64xf32, #tpu.memory_space<hbm>>
    tpu.wait_indirect_dma semaphore(%arg14 : memref<!tpu.dma_semaphore, #tpu.memory_space<semaphore_mem>>) src(%dma_wait3A_54 : memref<10000x64xf32, #tpu.memory_space<hbm>>) dst(%arg11 : memref<128x64xf32, #tpu.memory_space<vmem>>)
    %dma_start3A_55 = arith.constant 76 : i32
    %dma_start3A_56 = arith.constant 0 : i32
    %dma_start3A_57 = tpu.memref_slice %arg8[%dma_start3A_55, %dma_start3A_56] : memref<78x128xi32, #tpu.memory_space<vmem>> -> memref<1x128xi32, #tpu.memory_space<vmem>>
    %dma_start3A_58 = tpu.memref_squeeze %dma_start3A_57 : memref<1x128xi32, #tpu.memory_space<vmem>> -> memref<128xi32, #tpu.memory_space<vmem>>
    %dma_start3A_59 = arith.constant 0 : i32
    %dma_start3A_60 = arith.constant 0 : i32
    %dma_start3A_61 = tpu.memref_slice %arg13[%dma_start3A_59, %dma_start3A_60] : memref<10240x64xf32, #tpu.memory_space<vmem_shared>> -> memref<10240x64xf32, #tpu.memory_space<vmem_shared>>
    tpu.enqueue_indirect_dma source(%arg11 : memref<128x64xf32, #tpu.memory_space<vmem>>) target(%dma_start3A_61 : memref<10240x64xf32, #tpu.memory_space<vmem_shared>>) offsets(%dma_start3A_58 : memref<128xi32, #tpu.memory_space<vmem>>) semaphore(%arg16 : memref<!tpu.dma_semaphore, #tpu.memory_space<semaphore_mem>>) {add = true}
    %dma_wait3A_62 = arith.constant 76 : i32
    %dma_wait3A_63 = arith.constant 0 : i32
    %dma_wait3A_64 = tpu.memref_slice %arg8[%dma_wait3A_62, %dma_wait3A_63] : memref<78x128xi32, #tpu.memory_space<vmem>> -> memref<1x128xi32, #tpu.memory_space<vmem>>
    %dma_wait3A_65 = tpu.memref_squeeze %dma_wait3A_64 : memref<1x128xi32, #tpu.memory_space<vmem>> -> memref<128xi32, #tpu.memory_space<vmem>>
    %dma_wait3A_66 = arith.constant 0 : i32
    %dma_wait3A_67 = arith.constant 0 : i32
    %dma_wait3A_68 = tpu.memref_slice %arg13[%dma_wait3A_66, %dma_wait3A_67] : memref<10240x64xf32, #tpu.memory_space<vmem_shared>> -> memref<10240x64xf32, #tpu.memory_space<vmem_shared>>
    tpu.wait_indirect_dma semaphore(%arg16 : memref<!tpu.dma_semaphore, #tpu.memory_space<semaphore_mem>>) src(%arg11 : memref<128x64xf32, #tpu.memory_space<vmem>>) dst(%dma_wait3A_68 : memref<10240x64xf32, #tpu.memory_space<vmem_shared>>)
    %dma_wait3A_69 = arith.constant 77 : i32
    %dma_wait3A_70 = arith.constant 0 : i32
    %dma_wait3A_71 = tpu.memref_slice %arg7[%dma_wait3A_69, %dma_wait3A_70] : memref<78x128xi32, #tpu.memory_space<vmem>> -> memref<1x128xi32, #tpu.memory_space<vmem>>
    %dma_wait3A_72 = tpu.memref_squeeze %dma_wait3A_71 : memref<1x128xi32, #tpu.memory_space<vmem>> -> memref<128xi32, #tpu.memory_space<vmem>>
    %dma_wait3A_73 = arith.constant 0 : i32
    %dma_wait3A_74 = arith.constant 0 : i32
    %dma_wait3A_75 = tpu.memref_slice %arg2[%dma_wait3A_73, %dma_wait3A_74] : memref<10000x64xf32, #tpu.memory_space<hbm>> -> memref<10000x64xf32, #tpu.memory_space<hbm>>
    tpu.wait_indirect_dma semaphore(%arg15 : memref<!tpu.dma_semaphore, #tpu.memory_space<semaphore_mem>>) src(%dma_wait3A_75 : memref<10000x64xf32, #tpu.memory_space<hbm>>) dst(%arg12 : memref<128x64xf32, #tpu.memory_space<vmem>>)
    %dma_start3A_76 = arith.constant 77 : i32
    %dma_start3A_77 = arith.constant 0 : i32
    %dma_start3A_78 = tpu.memref_slice %arg8[%dma_start3A_76, %dma_start3A_77] : memref<78x128xi32, #tpu.memory_space<vmem>> -> memref<1x128xi32, #tpu.memory_space<vmem>>
    %dma_start3A_79 = tpu.memref_squeeze %dma_start3A_78 : memref<1x128xi32, #tpu.memory_space<vmem>> -> memref<128xi32, #tpu.memory_space<vmem>>
    %dma_start3A_80 = arith.constant 0 : i32
    %dma_start3A_81 = arith.constant 0 : i32
    %dma_start3A_82 = tpu.memref_slice %arg13[%dma_start3A_80, %dma_start3A_81] : memref<10240x64xf32, #tpu.memory_space<vmem_shared>> -> memref<10240x64xf32, #tpu.memory_space<vmem_shared>>
    tpu.enqueue_indirect_dma source(%arg12 : memref<128x64xf32, #tpu.memory_space<vmem>>) target(%dma_start3A_82 : memref<10240x64xf32, #tpu.memory_space<vmem_shared>>) offsets(%dma_start3A_79 : memref<128xi32, #tpu.memory_space<vmem>>) semaphore(%arg17 : memref<!tpu.dma_semaphore, #tpu.memory_space<semaphore_mem>>) {add = true}
    %dma_wait3A_83 = arith.constant 77 : i32
    %dma_wait3A_84 = arith.constant 0 : i32
    %dma_wait3A_85 = tpu.memref_slice %arg8[%dma_wait3A_83, %dma_wait3A_84] : memref<78x128xi32, #tpu.memory_space<vmem>> -> memref<1x128xi32, #tpu.memory_space<vmem>>
    %dma_wait3A_86 = tpu.memref_squeeze %dma_wait3A_85 : memref<1x128xi32, #tpu.memory_space<vmem>> -> memref<128xi32, #tpu.memory_space<vmem>>
    %dma_wait3A_87 = arith.constant 0 : i32
    %dma_wait3A_88 = arith.constant 0 : i32
    %dma_wait3A_89 = tpu.memref_slice %arg13[%dma_wait3A_87, %dma_wait3A_88] : memref<10240x64xf32, #tpu.memory_space<vmem_shared>> -> memref<10240x64xf32, #tpu.memory_space<vmem_shared>>
    tpu.wait_indirect_dma semaphore(%arg17 : memref<!tpu.dma_semaphore, #tpu.memory_space<semaphore_mem>>) src(%arg12 : memref<128x64xf32, #tpu.memory_space<vmem>>) dst(%dma_wait3A_89 : memref<10240x64xf32, #tpu.memory_space<vmem_shared>>)
    %convert_element_type3A = arith.extui %lt3A_5 : i1 to i32
    %cond3A = arith.constant 0 : i32
    %cond3A_90 = arith.cmpi ne, %convert_element_type3A, %cond3A : i32
    scf.if %cond3A_90 {
      %add3A_96 = arith.constant 78 : i32
      %add3A_97 = arith.addi %add3A_4, %add3A_96 : i32
      "tpu.region"() ({
        %run_scoped3A = tpu.sem_alloc : memref<!tpu.dma_semaphore, #tpu.memory_space<semaphore_mem>>
        %dma_start3A_126 = arith.constant 0 : i32
        %dma_start3A_127 = tpu.memref_slice %arg3[%add3A_97, %dma_start3A_126] : memref<2500x128xi32, #tpu.memory_space<hbm>> -> memref<1x128xi32, #tpu.memory_space<hbm>>
        %dma_start3A_128 = arith.constant 0 : i32
        %dma_start3A_129 = tpu.memref_slice %arg3[%add3A_97, %dma_start3A_128] : memref<2500x128xi32, #tpu.memory_space<hbm>> -> memref<1x128xi32, #tpu.memory_space<hbm>>
        tpu.enqueue_dma source(%dma_start3A_129 : memref<1x128xi32, #tpu.memory_space<hbm>>) target(%arg9 : memref<1x128xi32, #tpu.memory_space<vmem>>) target_semaphore(%run_scoped3A : memref<!tpu.dma_semaphore, #tpu.memory_space<semaphore_mem>>)
        %dma_wait3A_130 = arith.constant 0 : i32
        %dma_wait3A_131 = tpu.memref_slice %arg3[%add3A_97, %dma_wait3A_130] : memref<2500x128xi32, #tpu.memory_space<hbm>> -> memref<1x128xi32, #tpu.memory_space<hbm>>
        %dma_wait3A_132 = arith.constant 0 : i32
        %dma_wait3A_133 = tpu.memref_slice %arg3[%add3A_97, %dma_wait3A_132] : memref<2500x128xi32, #tpu.memory_space<hbm>> -> memref<1x128xi32, #tpu.memory_space<hbm>>
        tpu.wait_dma2 semaphore(%run_scoped3A : memref<!tpu.dma_semaphore, #tpu.memory_space<semaphore_mem>>) src(%dma_wait3A_133 : memref<1x128xi32, #tpu.memory_space<hbm>>) dst(%arg9 : memref<1x128xi32, #tpu.memory_space<vmem>>)
        tpu.yield
      }) : () -> ()
      "tpu.region"() ({
        %run_scoped3A = tpu.sem_alloc : memref<!tpu.dma_semaphore, #tpu.memory_space<semaphore_mem>>
        %dma_start3A_126 = arith.constant 0 : i32
        %dma_start3A_127 = tpu.memref_slice %arg4[%add3A_97, %dma_start3A_126] : memref<2500x128xi32, #tpu.memory_space<hbm>> -> memref<1x128xi32, #tpu.memory_space<hbm>>
        %dma_start3A_128 = arith.constant 0 : i32
        %dma_start3A_129 = tpu.memref_slice %arg4[%add3A_97, %dma_start3A_128] : memref<2500x128xi32, #tpu.memory_space<hbm>> -> memref<1x128xi32, #tpu.memory_space<hbm>>
        tpu.enqueue_dma source(%dma_start3A_129 : memref<1x128xi32, #tpu.memory_space<hbm>>) target(%arg10 : memref<1x128xi32, #tpu.memory_space<vmem>>) target_semaphore(%run_scoped3A : memref<!tpu.dma_semaphore, #tpu.memory_space<semaphore_mem>>)
        %dma_wait3A_130 = arith.constant 0 : i32
        %dma_wait3A_131 = tpu.memref_slice %arg4[%add3A_97, %dma_wait3A_130] : memref<2500x128xi32, #tpu.memory_space<hbm>> -> memref<1x128xi32, #tpu.memory_space<hbm>>
        %dma_wait3A_132 = arith.constant 0 : i32
        %dma_wait3A_133 = tpu.memref_slice %arg4[%add3A_97, %dma_wait3A_132] : memref<2500x128xi32, #tpu.memory_space<hbm>> -> memref<1x128xi32, #tpu.memory_space<hbm>>
        tpu.wait_dma2 semaphore(%run_scoped3A : memref<!tpu.dma_semaphore, #tpu.memory_space<semaphore_mem>>) src(%dma_wait3A_133 : memref<1x128xi32, #tpu.memory_space<hbm>>) dst(%arg10 : memref<1x128xi32, #tpu.memory_space<vmem>>)
        tpu.yield
      }) : () -> ()
      %dma_start3A_98 = arith.constant 0 : i32
      %dma_start3A_99 = arith.constant 0 : i32
      %dma_start3A_100 = tpu.memref_slice %arg9[%dma_start3A_98, %dma_start3A_99] : memref<1x128xi32, #tpu.memory_space<vmem>> -> memref<1x128xi32, #tpu.memory_space<vmem>>
      %dma_start3A_101 = tpu.memref_squeeze %dma_start3A_100 : memref<1x128xi32, #tpu.memory_space<vmem>> -> memref<128xi32, #tpu.memory_space<vmem>>
      %dma_start3A_102 = arith.constant 0 : i32
      %dma_start3A_103 = arith.constant 0 : i32
      %dma_start3A_104 = tpu.memref_slice %arg2[%dma_start3A_102, %dma_start3A_103] : memref<10000x64xf32, #tpu.memory_space<hbm>> -> memref<10000x64xf32, #tpu.memory_space<hbm>>
      tpu.enqueue_indirect_dma source(%dma_start3A_104 : memref<10000x64xf32, #tpu.memory_space<hbm>>) target(%arg11 : memref<128x64xf32, #tpu.memory_space<vmem>>) offsets(%dma_start3A_101 : memref<128xi32, #tpu.memory_space<vmem>>) semaphore(%arg14 : memref<!tpu.dma_semaphore, #tpu.memory_space<semaphore_mem>>)
      %dma_wait3A_105 = arith.constant 0 : i32
      %dma_wait3A_106 = arith.constant 0 : i32
      %dma_wait3A_107 = tpu.memref_slice %arg9[%dma_wait3A_105, %dma_wait3A_106] : memref<1x128xi32, #tpu.memory_space<vmem>> -> memref<1x128xi32, #tpu.memory_space<vmem>>
      %dma_wait3A_108 = tpu.memref_squeeze %dma_wait3A_107 : memref<1x128xi32, #tpu.memory_space<vmem>> -> memref<128xi32, #tpu.memory_space<vmem>>
      %dma_wait3A_109 = arith.constant 0 : i32
      %dma_wait3A_110 = arith.constant 0 : i32
      %dma_wait3A_111 = tpu.memref_slice %arg2[%dma_wait3A_109, %dma_wait3A_110] : memref<10000x64xf32, #tpu.memory_space<hbm>> -> memref<10000x64xf32, #tpu.memory_space<hbm>>
      tpu.wait_indirect_dma semaphore(%arg14 : memref<!tpu.dma_semaphore, #tpu.memory_space<semaphore_mem>>) src(%dma_wait3A_111 : memref<10000x64xf32, #tpu.memory_space<hbm>>) dst(%arg11 : memref<128x64xf32, #tpu.memory_space<vmem>>)
      %dma_start3A_112 = arith.constant 0 : i32
      %dma_start3A_113 = arith.constant 0 : i32
      %dma_start3A_114 = tpu.memref_slice %arg10[%dma_start3A_112, %dma_start3A_113] : memref<1x128xi32, #tpu.memory_space<vmem>> -> memref<1x128xi32, #tpu.memory_space<vmem>>
      %dma_start3A_115 = tpu.memref_squeeze %dma_start3A_114 : memref<1x128xi32, #tpu.memory_space<vmem>> -> memref<128xi32, #tpu.memory_space<vmem>>
      %dma_start3A_116 = arith.constant 0 : i32
      %dma_start3A_117 = arith.constant 0 : i32
      %dma_start3A_118 = tpu.memref_slice %arg13[%dma_start3A_116, %dma_start3A_117] : memref<10240x64xf32, #tpu.memory_space<vmem_shared>> -> memref<10240x64xf32, #tpu.memory_space<vmem_shared>>
      tpu.enqueue_indirect_dma source(%arg11 : memref<128x64xf32, #tpu.memory_space<vmem>>) target(%dma_start3A_118 : memref<10240x64xf32, #tpu.memory_space<vmem_shared>>) offsets(%dma_start3A_115 : memref<128xi32, #tpu.memory_space<vmem>>) semaphore(%arg16 : memref<!tpu.dma_semaphore, #tpu.memory_space<semaphore_mem>>) {add = true}
      %dma_wait3A_119 = arith.constant 0 : i32
      %dma_wait3A_120 = arith.constant 0 : i32
      %dma_wait3A_121 = tpu.memref_slice %arg10[%dma_wait3A_119, %dma_wait3A_120] : memref<1x128xi32, #tpu.memory_space<vmem>> -> memref<1x128xi32, #tpu.memory_space<vmem>>
      %dma_wait3A_122 = tpu.memref_squeeze %dma_wait3A_121 : memref<1x128xi32, #tpu.memory_space<vmem>> -> memref<128xi32, #tpu.memory_space<vmem>>
      %dma_wait3A_123 = arith.constant 0 : i32
      %dma_wait3A_124 = arith.constant 0 : i32
      %dma_wait3A_125 = tpu.memref_slice %arg13[%dma_wait3A_123, %dma_wait3A_124] : memref<10240x64xf32, #tpu.memory_space<vmem_shared>> -> memref<10240x64xf32, #tpu.memory_space<vmem_shared>>
      tpu.wait_indirect_dma semaphore(%arg16 : memref<!tpu.dma_semaphore, #tpu.memory_space<semaphore_mem>>) src(%arg11 : memref<128x64xf32, #tpu.memory_space<vmem>>) dst(%dma_wait3A_125 : memref<10240x64xf32, #tpu.memory_space<vmem_shared>>)
    } else {
    }
    %barrier3A_91 = arith.constant 0 : index
    tpu.barrier barrier_id(%barrier3A_91)
    %mul3A_92 = arith.constant 640 : i32
    %mul3A_93 = arith.muli %arg1, %mul3A_92 : i32
    %mul3A_94 = arith.constant 640 : i32
    %mul3A_95 = arith.muli %arg1, %mul3A_94 : i32
    "tpu.region"() ({
      %run_scoped3A = tpu.sem_alloc : memref<!tpu.dma_semaphore, #tpu.memory_space<semaphore_mem>>
      %dma_start3A_96 = arith.constant 0 : i32
      %dma_start3A_97 = tpu.memref_slice %arg6[%arg0, %mul3A_95, %dma_start3A_96] : memref<2x10240x64xf32, #tpu.memory_space<hbm>> -> memref<1x640x64xf32, #tpu.memory_space<hbm>>
      %dma_start3A_98 = tpu.memref_squeeze %dma_start3A_97 : memref<1x640x64xf32, #tpu.memory_space<hbm>> -> memref<640x64xf32, #tpu.memory_space<hbm>>
      %dma_start3A_99 = arith.constant 0 : i32
      %dma_start3A_100 = tpu.memref_slice %arg13[%mul3A_93, %dma_start3A_99] : memref<10240x64xf32, #tpu.memory_space<vmem_shared>> -> memref<640x64xf32, #tpu.memory_space<vmem_shared>>
      tpu.enqueue_dma source(%dma_start3A_100 : memref<640x64xf32, #tpu.memory_space<vmem_shared>>) target(%dma_start3A_98 : memref<640x64xf32, #tpu.memory_space<hbm>>) target_semaphore(%run_scoped3A : memref<!tpu.dma_semaphore, #tpu.memory_space<semaphore_mem>>)
      %dma_wait3A_101 = arith.constant 0 : i32
      %dma_wait3A_102 = tpu.memref_slice %arg6[%arg0, %mul3A_95, %dma_wait3A_101] : memref<2x10240x64xf32, #tpu.memory_space<hbm>> -> memref<1x640x64xf32, #tpu.memory_space<hbm>>
      %dma_wait3A_103 = tpu.memref_squeeze %dma_wait3A_102 : memref<1x640x64xf32, #tpu.memory_space<hbm>> -> memref<640x64xf32, #tpu.memory_space<hbm>>
      %dma_wait3A_104 = arith.constant 0 : i32
      %dma_wait3A_105 = tpu.memref_slice %arg13[%mul3A_93, %dma_wait3A_104] : memref<10240x64xf32, #tpu.memory_space<vmem_shared>> -> memref<640x64xf32, #tpu.memory_space<vmem_shared>>
      tpu.wait_dma2 semaphore(%run_scoped3A : memref<!tpu.dma_semaphore, #tpu.memory_space<semaphore_mem>>) src(%dma_wait3A_105 : memref<640x64xf32, #tpu.memory_space<vmem_shared>>) dst(%dma_wait3A_103 : memref<640x64xf32, #tpu.memory_space<hbm>>)
      tpu.yield
    }) : () -> ()
    return
  }
}

#map = affine_map<(d0, d1) -> (0, 0)>
#map1 = affine_map<(d0, d1) -> (0, 0, 0)>
module attributes {stable_mosaic.version = 14 : i64} {
  func.func @agg_kernel(%arg0: i32, %arg1: i32, %arg2: memref<10000x64xf32, #tpu.memory_space<hbm>>, %arg3: memref<2500x128xi32, #tpu.memory_space<hbm>>, %arg4: memref<2500x128xi32, #tpu.memory_space<hbm>>, %arg5: memref<640x64xf32, #tpu.memory_space<hbm>>, %arg6: memref<2x10240x64xf32, #tpu.memory_space<hbm>>, %arg7: memref<78x128xi32, #tpu.memory_space<vmem>>, %arg8: memref<78x128xi32, #tpu.memory_space<vmem>>, %arg9: memref<1x128xi32, #tpu.memory_space<vmem>>, %arg10: memref<1x128xi32, #tpu.memory_space<vmem>>, %arg11: memref<128x64xf32, #tpu.memory_space<vmem>>, %arg12: memref<128x64xf32, #tpu.memory_space<vmem>>, %arg13: memref<10240x64xf32, #tpu.memory_space<vmem_shared>>, %arg14: memref<!tpu.dma_semaphore, #tpu.memory_space<semaphore_mem>>, %arg15: memref<!tpu.dma_semaphore, #tpu.memory_space<semaphore_mem>>, %arg16: memref<!tpu.dma_semaphore, #tpu.memory_space<semaphore_mem>>, %arg17: memref<!tpu.dma_semaphore, #tpu.memory_space<semaphore_mem>>) attributes {dimension_semantics = [#tpu.dimension_semantics<core_parallel>, #tpu.dimension_semantics<subcore_parallel>], iteration_bounds = array<i64: 2, 16>, scalar_prefetch = 0 : i64, scratch_operands = 11 : i64, tpu.core_type = #tpu.core_type<sc_vector_subcore>, window_params = [{transform_indices = #map}, {transform_indices = #map}, {transform_indices = #map}, {transform_indices = #map}, {transform_indices = #map1}]} {
    %mul3A = arith.constant 16 : i32
    %mul3A_0 = arith.muli %arg0, %mul3A : i32
    %add3A = arith.addi %mul3A_0, %arg1 : i32
    %mul3A_1 = arith.constant 78 : i32
    %mul3A_2 = arith.muli %add3A, %mul3A_1 : i32
    %min3A = arith.constant 4 : i32
    %min3A_3 = arith.minsi %add3A, %min3A : i32
    %add3A_4 = arith.addi %mul3A_2, %min3A_3 : i32
    %lt3A = arith.constant 4 : i32
    %lt3A_5 = arith.cmpi slt, %add3A, %lt3A : i32
    %add3A_6 = arith.constant 0 : i32
    %add3A_7 = arith.addi %add3A_4, %add3A_6 : i32
    %dma_start3A = arith.constant 0 : i32
    %dma_start3A_8 = tpu.memref_slice %arg3[%add3A_7, %dma_start3A] : memref<2500x128xi32, #tpu.memory_space<hbm>> -> memref<78x128xi32, #tpu.memory_space<hbm>>
    %dma_start3A_9 = arith.constant 0 : i32
    %dma_start3A_10 = tpu.memref_slice %arg3[%add3A_7, %dma_start3A_9] : memref<2500x128xi32, #tpu.memory_space<hbm>> -> memref<78x128xi32, #tpu.memory_space<hbm>>
    tpu.enqueue_dma source(%dma_start3A_10 : memref<78x128xi32, #tpu.memory_space<hbm>>) target(%arg7 : memref<78x128xi32, #tpu.memory_space<vmem>>) target_semaphore(%arg14 : memref<!tpu.dma_semaphore, #tpu.memory_space<semaphore_mem>>)
    %add3A_11 = arith.constant 0 : i32
    %add3A_12 = arith.addi %add3A_4, %add3A_11 : i32
    %dma_start3A_13 = arith.constant 0 : i32
    %dma_start3A_14 = tpu.memref_slice %arg4[%add3A_12, %dma_start3A_13] : memref<2500x128xi32, #tpu.memory_space<hbm>> -> memref<78x128xi32, #tpu.memory_space<hbm>>
    %dma_start3A_15 = arith.constant 0 : i32
    %dma_start3A_16 = tpu.memref_slice %arg4[%add3A_12, %dma_start3A_15] : memref<2500x128xi32, #tpu.memory_space<hbm>> -> memref<78x128xi32, #tpu.memory_space<hbm>>
    tpu.enqueue_dma source(%dma_start3A_16 : memref<78x128xi32, #tpu.memory_space<hbm>>) target(%arg8 : memref<78x128xi32, #tpu.memory_space<vmem>>) target_semaphore(%arg15 : memref<!tpu.dma_semaphore, #tpu.memory_space<semaphore_mem>>)
    %mul3A_17 = arith.constant 640 : i32
    %mul3A_18 = arith.muli %arg1, %mul3A_17 : i32
    "tpu.region"() ({
      %run_scoped3A = tpu.sem_alloc : memref<!tpu.dma_semaphore, #tpu.memory_space<semaphore_mem>>
      %dma_start3A_96 = arith.constant 0 : i32
      %dma_start3A_97 = tpu.memref_slice %arg13[%mul3A_18, %dma_start3A_96] : memref<10240x64xf32, #tpu.memory_space<vmem_shared>> -> memref<640x64xf32, #tpu.memory_space<vmem_shared>>
      tpu.enqueue_dma source(%arg5 : memref<640x64xf32, #tpu.memory_space<hbm>>) target(%dma_start3A_97 : memref<640x64xf32, #tpu.memory_space<vmem_shared>>) target_semaphore(%run_scoped3A : memref<!tpu.dma_semaphore, #tpu.memory_space<semaphore_mem>>)
      %dma_wait3A_98 = arith.constant 0 : i32
      %dma_wait3A_99 = tpu.memref_slice %arg13[%mul3A_18, %dma_wait3A_98] : memref<10240x64xf32, #tpu.memory_space<vmem_shared>> -> memref<640x64xf32, #tpu.memory_space<vmem_shared>>
      tpu.wait_dma2 semaphore(%run_scoped3A : memref<!tpu.dma_semaphore, #tpu.memory_space<semaphore_mem>>) src(%arg5 : memref<640x64xf32, #tpu.memory_space<hbm>>) dst(%dma_wait3A_99 : memref<640x64xf32, #tpu.memory_space<vmem_shared>>)
      tpu.yield
    }) : () -> ()
    %add3A_19 = arith.constant 0 : i32
    %add3A_20 = arith.addi %add3A_4, %add3A_19 : i32
    %dma_wait3A = arith.constant 0 : i32
    %dma_wait3A_21 = tpu.memref_slice %arg3[%add3A_20, %dma_wait3A] : memref<2500x128xi32, #tpu.memory_space<hbm>> -> memref<78x128xi32, #tpu.memory_space<hbm>>
    %dma_wait3A_22 = arith.constant 0 : i32
    %dma_wait3A_23 = tpu.memref_slice %arg3[%add3A_20, %dma_wait3A_22] : memref<2500x128xi32, #tpu.memory_space<hbm>> -> memref<78x128xi32, #tpu.memory_space<hbm>>
    tpu.wait_dma2 semaphore(%arg14 : memref<!tpu.dma_semaphore, #tpu.memory_space<semaphore_mem>>) src(%dma_wait3A_23 : memref<78x128xi32, #tpu.memory_space<hbm>>) dst(%arg7 : memref<78x128xi32, #tpu.memory_space<vmem>>)
    %add3A_24 = arith.constant 0 : i32
    %add3A_25 = arith.addi %add3A_4, %add3A_24 : i32
    %dma_wait3A_26 = arith.constant 0 : i32
    %dma_wait3A_27 = tpu.memref_slice %arg4[%add3A_25, %dma_wait3A_26] : memref<2500x128xi32, #tpu.memory_space<hbm>> -> memref<78x128xi32, #tpu.memory_space<hbm>>
    %dma_wait3A_28 = arith.constant 0 : i32
    %dma_wait3A_29 = tpu.memref_slice %arg4[%add3A_25, %dma_wait3A_28] : memref<2500x128xi32, #tpu.memory_space<hbm>> -> memref<78x128xi32, #tpu.memory_space<hbm>>
    tpu.wait_dma2 semaphore(%arg15 : memref<!tpu.dma_semaphore, #tpu.memory_space<semaphore_mem>>) src(%dma_wait3A_29 : memref<78x128xi32, #tpu.memory_space<hbm>>) dst(%arg8 : memref<78x128xi32, #tpu.memory_space<vmem>>)
    %barrier3A = arith.constant 0 : index
    tpu.barrier barrier_id(%barrier3A)
    %dma_start3A_30 = arith.constant 0 : i32
    %dma_start3A_31 = arith.constant 0 : i32
    %dma_start3A_32 = tpu.memref_slice %arg7[%dma_start3A_30, %dma_start3A_31] : memref<78x128xi32, #tpu.memory_space<vmem>> -> memref<1x128xi32, #tpu.memory_space<vmem>>
    %dma_start3A_33 = tpu.memref_squeeze %dma_start3A_32 : memref<1x128xi32, #tpu.memory_space<vmem>> -> memref<128xi32, #tpu.memory_space<vmem>>
    %dma_start3A_34 = arith.constant 0 : i32
    %dma_start3A_35 = arith.constant 0 : i32
    %dma_start3A_36 = tpu.memref_slice %arg2[%dma_start3A_34, %dma_start3A_35] : memref<10000x64xf32, #tpu.memory_space<hbm>> -> memref<10000x64xf32, #tpu.memory_space<hbm>>
    tpu.enqueue_indirect_dma source(%dma_start3A_36 : memref<10000x64xf32, #tpu.memory_space<hbm>>) target(%arg11 : memref<128x64xf32, #tpu.memory_space<vmem>>) offsets(%dma_start3A_33 : memref<128xi32, #tpu.memory_space<vmem>>) semaphore(%arg14 : memref<!tpu.dma_semaphore, #tpu.memory_space<semaphore_mem>>)
    %dma_start3A_37 = arith.constant 1 : i32
    %dma_start3A_38 = arith.constant 0 : i32
    %dma_start3A_39 = tpu.memref_slice %arg7[%dma_start3A_37, %dma_start3A_38] : memref<78x128xi32, #tpu.memory_space<vmem>> -> memref<1x128xi32, #tpu.memory_space<vmem>>
    %dma_start3A_40 = tpu.memref_squeeze %dma_start3A_39 : memref<1x128xi32, #tpu.memory_space<vmem>> -> memref<128xi32, #tpu.memory_space<vmem>>
    %dma_start3A_41 = arith.constant 0 : i32
    %dma_start3A_42 = arith.constant 0 : i32
    %dma_start3A_43 = tpu.memref_slice %arg2[%dma_start3A_41, %dma_start3A_42] : memref<10000x64xf32, #tpu.memory_space<hbm>> -> memref<10000x64xf32, #tpu.memory_space<hbm>>
    tpu.enqueue_indirect_dma source(%dma_start3A_43 : memref<10000x64xf32, #tpu.memory_space<hbm>>) target(%arg12 : memref<128x64xf32, #tpu.memory_space<vmem>>) offsets(%dma_start3A_40 : memref<128xi32, #tpu.memory_space<vmem>>) semaphore(%arg15 : memref<!tpu.dma_semaphore, #tpu.memory_space<semaphore_mem>>)
    %scan3A = arith.constant 0 : i32
    %scan3A_44 = arith.constant 38 : i32
    %scan3A_45 = arith.addi %scan3A, %scan3A_44 : i32
    %scan3A_46 = arith.constant 1 : i32
    scf.for %scan3A_96 = %scan3A to %scan3A_45 step %scan3A_46  : i32 {
      %mul3A_97 = arith.constant 1 : i32
      %mul3A_98 = arith.muli %scan3A_96, %mul3A_97 : i32
      %add3A_99 = arith.constant 0 : i32
      %add3A_100 = arith.addi %add3A_99, %mul3A_98 : i32
      %mul3A_101 = arith.constant 2 : i32
      %mul3A_102 = arith.muli %mul3A_101, %add3A_100 : i32
      %mul3A_103 = arith.constant 2 : i32
      %mul3A_104 = arith.muli %mul3A_103, %add3A_100 : i32
      %add3A_105 = arith.constant 2 : i32
      %add3A_106 = arith.addi %mul3A_104, %add3A_105 : i32
      %dma_wait3A_107 = arith.constant 0 : i32
      %dma_wait3A_108 = tpu.memref_slice %arg7[%mul3A_102, %dma_wait3A_107] : memref<78x128xi32, #tpu.memory_space<vmem>> -> memref<1x128xi32, #tpu.memory_space<vmem>>
      %dma_wait3A_109 = tpu.memref_squeeze %dma_wait3A_108 : memref<1x128xi32, #tpu.memory_space<vmem>> -> memref<128xi32, #tpu.memory_space<vmem>>
      %dma_wait3A_110 = arith.constant 0 : i32
      %dma_wait3A_111 = arith.constant 0 : i32
      %dma_wait3A_112 = tpu.memref_slice %arg2[%dma_wait3A_110, %dma_wait3A_111] : memref<10000x64xf32, #tpu.memory_space<hbm>> -> memref<10000x64xf32, #tpu.memory_space<hbm>>
      tpu.wait_indirect_dma semaphore(%arg14 : memref<!tpu.dma_semaphore, #tpu.memory_space<semaphore_mem>>) src(%dma_wait3A_112 : memref<10000x64xf32, #tpu.memory_space<hbm>>) dst(%arg11 : memref<128x64xf32, #tpu.memory_space<vmem>>)
      %dma_start3A_113 = arith.constant 0 : i32
      %dma_start3A_114 = tpu.memref_slice %arg8[%mul3A_102, %dma_start3A_113] : memref<78x128xi32, #tpu.memory_space<vmem>> -> memref<1x128xi32, #tpu.memory_space<vmem>>
      %dma_start3A_115 = tpu.memref_squeeze %dma_start3A_114 : memref<1x128xi32, #tpu.memory_space<vmem>> -> memref<128xi32, #tpu.memory_space<vmem>>
      %dma_start3A_116 = arith.constant 0 : i32
      %dma_start3A_117 = arith.constant 0 : i32
      %dma_start3A_118 = tpu.memref_slice %arg13[%dma_start3A_116, %dma_start3A_117] : memref<10240x64xf32, #tpu.memory_space<vmem_shared>> -> memref<10240x64xf32, #tpu.memory_space<vmem_shared>>
      tpu.enqueue_indirect_dma source(%arg11 : memref<128x64xf32, #tpu.memory_space<vmem>>) target(%dma_start3A_118 : memref<10240x64xf32, #tpu.memory_space<vmem_shared>>) offsets(%dma_start3A_115 : memref<128xi32, #tpu.memory_space<vmem>>) semaphore(%arg16 : memref<!tpu.dma_semaphore, #tpu.memory_space<semaphore_mem>>) {add = true}
      %dma_wait3A_119 = arith.constant 0 : i32
      %dma_wait3A_120 = tpu.memref_slice %arg8[%mul3A_102, %dma_wait3A_119] : memref<78x128xi32, #tpu.memory_space<vmem>> -> memref<1x128xi32, #tpu.memory_space<vmem>>
      %dma_wait3A_121 = tpu.memref_squeeze %dma_wait3A_120 : memref<1x128xi32, #tpu.memory_space<vmem>> -> memref<128xi32, #tpu.memory_space<vmem>>
      %dma_wait3A_122 = arith.constant 0 : i32
      %dma_wait3A_123 = arith.constant 0 : i32
      %dma_wait3A_124 = tpu.memref_slice %arg13[%dma_wait3A_122, %dma_wait3A_123] : memref<10240x64xf32, #tpu.memory_space<vmem_shared>> -> memref<10240x64xf32, #tpu.memory_space<vmem_shared>>
      tpu.wait_indirect_dma semaphore(%arg16 : memref<!tpu.dma_semaphore, #tpu.memory_space<semaphore_mem>>) src(%arg11 : memref<128x64xf32, #tpu.memory_space<vmem>>) dst(%dma_wait3A_124 : memref<10240x64xf32, #tpu.memory_space<vmem_shared>>)
      %dma_start3A_125 = arith.constant 0 : i32
      %dma_start3A_126 = tpu.memref_slice %arg7[%add3A_106, %dma_start3A_125] : memref<78x128xi32, #tpu.memory_space<vmem>> -> memref<1x128xi32, #tpu.memory_space<vmem>>
      %dma_start3A_127 = tpu.memref_squeeze %dma_start3A_126 : memref<1x128xi32, #tpu.memory_space<vmem>> -> memref<128xi32, #tpu.memory_space<vmem>>
      %dma_start3A_128 = arith.constant 0 : i32
      %dma_start3A_129 = arith.constant 0 : i32
      %dma_start3A_130 = tpu.memref_slice %arg2[%dma_start3A_128, %dma_start3A_129] : memref<10000x64xf32, #tpu.memory_space<hbm>> -> memref<10000x64xf32, #tpu.memory_space<hbm>>
      tpu.enqueue_indirect_dma source(%dma_start3A_130 : memref<10000x64xf32, #tpu.memory_space<hbm>>) target(%arg11 : memref<128x64xf32, #tpu.memory_space<vmem>>) offsets(%dma_start3A_127 : memref<128xi32, #tpu.memory_space<vmem>>) semaphore(%arg14 : memref<!tpu.dma_semaphore, #tpu.memory_space<semaphore_mem>>)
      %mul3A_131 = arith.constant 2 : i32
      %mul3A_132 = arith.muli %mul3A_131, %add3A_100 : i32
      %add3A_133 = arith.constant 1 : i32
      %add3A_134 = arith.addi %mul3A_132, %add3A_133 : i32
      %mul3A_135 = arith.constant 2 : i32
      %mul3A_136 = arith.muli %mul3A_135, %add3A_100 : i32
      %add3A_137 = arith.constant 3 : i32
      %add3A_138 = arith.addi %mul3A_136, %add3A_137 : i32
      %dma_wait3A_139 = arith.constant 0 : i32
      %dma_wait3A_140 = tpu.memref_slice %arg7[%add3A_134, %dma_wait3A_139] : memref<78x128xi32, #tpu.memory_space<vmem>> -> memref<1x128xi32, #tpu.memory_space<vmem>>
      %dma_wait3A_141 = tpu.memref_squeeze %dma_wait3A_140 : memref<1x128xi32, #tpu.memory_space<vmem>> -> memref<128xi32, #tpu.memory_space<vmem>>
      %dma_wait3A_142 = arith.constant 0 : i32
      %dma_wait3A_143 = arith.constant 0 : i32
      %dma_wait3A_144 = tpu.memref_slice %arg2[%dma_wait3A_142, %dma_wait3A_143] : memref<10000x64xf32, #tpu.memory_space<hbm>> -> memref<10000x64xf32, #tpu.memory_space<hbm>>
      tpu.wait_indirect_dma semaphore(%arg15 : memref<!tpu.dma_semaphore, #tpu.memory_space<semaphore_mem>>) src(%dma_wait3A_144 : memref<10000x64xf32, #tpu.memory_space<hbm>>) dst(%arg12 : memref<128x64xf32, #tpu.memory_space<vmem>>)
      %dma_start3A_145 = arith.constant 0 : i32
      %dma_start3A_146 = tpu.memref_slice %arg8[%add3A_134, %dma_start3A_145] : memref<78x128xi32, #tpu.memory_space<vmem>> -> memref<1x128xi32, #tpu.memory_space<vmem>>
      %dma_start3A_147 = tpu.memref_squeeze %dma_start3A_146 : memref<1x128xi32, #tpu.memory_space<vmem>> -> memref<128xi32, #tpu.memory_space<vmem>>
      %dma_start3A_148 = arith.constant 0 : i32
      %dma_start3A_149 = arith.constant 0 : i32
      %dma_start3A_150 = tpu.memref_slice %arg13[%dma_start3A_148, %dma_start3A_149] : memref<10240x64xf32, #tpu.memory_space<vmem_shared>> -> memref<10240x64xf32, #tpu.memory_space<vmem_shared>>
      tpu.enqueue_indirect_dma source(%arg12 : memref<128x64xf32, #tpu.memory_space<vmem>>) target(%dma_start3A_150 : memref<10240x64xf32, #tpu.memory_space<vmem_shared>>) offsets(%dma_start3A_147 : memref<128xi32, #tpu.memory_space<vmem>>) semaphore(%arg17 : memref<!tpu.dma_semaphore, #tpu.memory_space<semaphore_mem>>) {add = true}
      %dma_wait3A_151 = arith.constant 0 : i32
      %dma_wait3A_152 = tpu.memref_slice %arg8[%add3A_134, %dma_wait3A_151] : memref<78x128xi32, #tpu.memory_space<vmem>> -> memref<1x128xi32, #tpu.memory_space<vmem>>
      %dma_wait3A_153 = tpu.memref_squeeze %dma_wait3A_152 : memref<1x128xi32, #tpu.memory_space<vmem>> -> memref<128xi32, #tpu.memory_space<vmem>>
      %dma_wait3A_154 = arith.constant 0 : i32
      %dma_wait3A_155 = arith.constant 0 : i32
      %dma_wait3A_156 = tpu.memref_slice %arg13[%dma_wait3A_154, %dma_wait3A_155] : memref<10240x64xf32, #tpu.memory_space<vmem_shared>> -> memref<10240x64xf32, #tpu.memory_space<vmem_shared>>
      tpu.wait_indirect_dma semaphore(%arg17 : memref<!tpu.dma_semaphore, #tpu.memory_space<semaphore_mem>>) src(%arg12 : memref<128x64xf32, #tpu.memory_space<vmem>>) dst(%dma_wait3A_156 : memref<10240x64xf32, #tpu.memory_space<vmem_shared>>)
      %dma_start3A_157 = arith.constant 0 : i32
      %dma_start3A_158 = tpu.memref_slice %arg7[%add3A_138, %dma_start3A_157] : memref<78x128xi32, #tpu.memory_space<vmem>> -> memref<1x128xi32, #tpu.memory_space<vmem>>
      %dma_start3A_159 = tpu.memref_squeeze %dma_start3A_158 : memref<1x128xi32, #tpu.memory_space<vmem>> -> memref<128xi32, #tpu.memory_space<vmem>>
      %dma_start3A_160 = arith.constant 0 : i32
      %dma_start3A_161 = arith.constant 0 : i32
      %dma_start3A_162 = tpu.memref_slice %arg2[%dma_start3A_160, %dma_start3A_161] : memref<10000x64xf32, #tpu.memory_space<hbm>> -> memref<10000x64xf32, #tpu.memory_space<hbm>>
      tpu.enqueue_indirect_dma source(%dma_start3A_162 : memref<10000x64xf32, #tpu.memory_space<hbm>>) target(%arg12 : memref<128x64xf32, #tpu.memory_space<vmem>>) offsets(%dma_start3A_159 : memref<128xi32, #tpu.memory_space<vmem>>) semaphore(%arg15 : memref<!tpu.dma_semaphore, #tpu.memory_space<semaphore_mem>>)
    }
    %scan3A_47 = arith.constant 38 : i32
    %dma_wait3A_48 = arith.constant 76 : i32
    %dma_wait3A_49 = arith.constant 0 : i32
    %dma_wait3A_50 = tpu.memref_slice %arg7[%dma_wait3A_48, %dma_wait3A_49] : memref<78x128xi32, #tpu.memory_space<vmem>> -> memref<1x128xi32, #tpu.memory_space<vmem>>
    %dma_wait3A_51 = tpu.memref_squeeze %dma_wait3A_50 : memref<1x128xi32, #tpu.memory_space<vmem>> -> memref<128xi32, #tpu.memory_space<vmem>>
    %dma_wait3A_52 = arith.constant 0 : i32
    %dma_wait3A_53 = arith.constant 0 : i32
    %dma_wait3A_54 = tpu.memref_slice %arg2[%dma_wait3A_52, %dma_wait3A_53] : memref<10000x64xf32, #tpu.memory_space<hbm>> -> memref<10000x64xf32, #tpu.memory_space<hbm>>
    tpu.wait_indirect_dma semaphore(%arg14 : memref<!tpu.dma_semaphore, #tpu.memory_space<semaphore_mem>>) src(%dma_wait3A_54 : memref<10000x64xf32, #tpu.memory_space<hbm>>) dst(%arg11 : memref<128x64xf32, #tpu.memory_space<vmem>>)
    %dma_start3A_55 = arith.constant 76 : i32
    %dma_start3A_56 = arith.constant 0 : i32
    %dma_start3A_57 = tpu.memref_slice %arg8[%dma_start3A_55, %dma_start3A_56] : memref<78x128xi32, #tpu.memory_space<vmem>> -> memref<1x128xi32, #tpu.memory_space<vmem>>
    %dma_start3A_58 = tpu.memref_squeeze %dma_start3A_57 : memref<1x128xi32, #tpu.memory_space<vmem>> -> memref<128xi32, #tpu.memory_space<vmem>>
    %dma_start3A_59 = arith.constant 0 : i32
    %dma_start3A_60 = arith.constant 0 : i32
    %dma_start3A_61 = tpu.memref_slice %arg13[%dma_start3A_59, %dma_start3A_60] : memref<10240x64xf32, #tpu.memory_space<vmem_shared>> -> memref<10240x64xf32, #tpu.memory_space<vmem_shared>>
    tpu.enqueue_indirect_dma source(%arg11 : memref<128x64xf32, #tpu.memory_space<vmem>>) target(%dma_start3A_61 : memref<10240x64xf32, #tpu.memory_space<vmem_shared>>) offsets(%dma_start3A_58 : memref<128xi32, #tpu.memory_space<vmem>>) semaphore(%arg16 : memref<!tpu.dma_semaphore, #tpu.memory_space<semaphore_mem>>) {add = true}
    %dma_wait3A_62 = arith.constant 76 : i32
    %dma_wait3A_63 = arith.constant 0 : i32
    %dma_wait3A_64 = tpu.memref_slice %arg8[%dma_wait3A_62, %dma_wait3A_63] : memref<78x128xi32, #tpu.memory_space<vmem>> -> memref<1x128xi32, #tpu.memory_space<vmem>>
    %dma_wait3A_65 = tpu.memref_squeeze %dma_wait3A_64 : memref<1x128xi32, #tpu.memory_space<vmem>> -> memref<128xi32, #tpu.memory_space<vmem>>
    %dma_wait3A_66 = arith.constant 0 : i32
    %dma_wait3A_67 = arith.constant 0 : i32
    %dma_wait3A_68 = tpu.memref_slice %arg13[%dma_wait3A_66, %dma_wait3A_67] : memref<10240x64xf32, #tpu.memory_space<vmem_shared>> -> memref<10240x64xf32, #tpu.memory_space<vmem_shared>>
    tpu.wait_indirect_dma semaphore(%arg16 : memref<!tpu.dma_semaphore, #tpu.memory_space<semaphore_mem>>) src(%arg11 : memref<128x64xf32, #tpu.memory_space<vmem>>) dst(%dma_wait3A_68 : memref<10240x64xf32, #tpu.memory_space<vmem_shared>>)
    %dma_wait3A_69 = arith.constant 77 : i32
    %dma_wait3A_70 = arith.constant 0 : i32
    %dma_wait3A_71 = tpu.memref_slice %arg7[%dma_wait3A_69, %dma_wait3A_70] : memref<78x128xi32, #tpu.memory_space<vmem>> -> memref<1x128xi32, #tpu.memory_space<vmem>>
    %dma_wait3A_72 = tpu.memref_squeeze %dma_wait3A_71 : memref<1x128xi32, #tpu.memory_space<vmem>> -> memref<128xi32, #tpu.memory_space<vmem>>
    %dma_wait3A_73 = arith.constant 0 : i32
    %dma_wait3A_74 = arith.constant 0 : i32
    %dma_wait3A_75 = tpu.memref_slice %arg2[%dma_wait3A_73, %dma_wait3A_74] : memref<10000x64xf32, #tpu.memory_space<hbm>> -> memref<10000x64xf32, #tpu.memory_space<hbm>>
    tpu.wait_indirect_dma semaphore(%arg15 : memref<!tpu.dma_semaphore, #tpu.memory_space<semaphore_mem>>) src(%dma_wait3A_75 : memref<10000x64xf32, #tpu.memory_space<hbm>>) dst(%arg12 : memref<128x64xf32, #tpu.memory_space<vmem>>)
    %dma_start3A_76 = arith.constant 77 : i32
    %dma_start3A_77 = arith.constant 0 : i32
    %dma_start3A_78 = tpu.memref_slice %arg8[%dma_start3A_76, %dma_start3A_77] : memref<78x128xi32, #tpu.memory_space<vmem>> -> memref<1x128xi32, #tpu.memory_space<vmem>>
    %dma_start3A_79 = tpu.memref_squeeze %dma_start3A_78 : memref<1x128xi32, #tpu.memory_space<vmem>> -> memref<128xi32, #tpu.memory_space<vmem>>
    %dma_start3A_80 = arith.constant 0 : i32
    %dma_start3A_81 = arith.constant 0 : i32
    %dma_start3A_82 = tpu.memref_slice %arg13[%dma_start3A_80, %dma_start3A_81] : memref<10240x64xf32, #tpu.memory_space<vmem_shared>> -> memref<10240x64xf32, #tpu.memory_space<vmem_shared>>
    tpu.enqueue_indirect_dma source(%arg12 : memref<128x64xf32, #tpu.memory_space<vmem>>) target(%dma_start3A_82 : memref<10240x64xf32, #tpu.memory_space<vmem_shared>>) offsets(%dma_start3A_79 : memref<128xi32, #tpu.memory_space<vmem>>) semaphore(%arg17 : memref<!tpu.dma_semaphore, #tpu.memory_space<semaphore_mem>>) {add = true}
    %dma_wait3A_83 = arith.constant 77 : i32
    %dma_wait3A_84 = arith.constant 0 : i32
    %dma_wait3A_85 = tpu.memref_slice %arg8[%dma_wait3A_83, %dma_wait3A_84] : memref<78x128xi32, #tpu.memory_space<vmem>> -> memref<1x128xi32, #tpu.memory_space<vmem>>
    %dma_wait3A_86 = tpu.memref_squeeze %dma_wait3A_85 : memref<1x128xi32, #tpu.memory_space<vmem>> -> memref<128xi32, #tpu.memory_space<vmem>>
    %dma_wait3A_87 = arith.constant 0 : i32
    %dma_wait3A_88 = arith.constant 0 : i32
    %dma_wait3A_89 = tpu.memref_slice %arg13[%dma_wait3A_87, %dma_wait3A_88] : memref<10240x64xf32, #tpu.memory_space<vmem_shared>> -> memref<10240x64xf32, #tpu.memory_space<vmem_shared>>
    tpu.wait_indirect_dma semaphore(%arg17 : memref<!tpu.dma_semaphore, #tpu.memory_space<semaphore_mem>>) src(%arg12 : memref<128x64xf32, #tpu.memory_space<vmem>>) dst(%dma_wait3A_89 : memref<10240x64xf32, #tpu.memory_space<vmem_shared>>)
    %convert_element_type3A = arith.extui %lt3A_5 : i1 to i32
    %cond3A = arith.constant 0 : i32
    %cond3A_90 = arith.cmpi ne, %convert_element_type3A, %cond3A : i32
    scf.if %cond3A_90 {
      %add3A_96 = arith.constant 78 : i32
      %add3A_97 = arith.addi %add3A_4, %add3A_96 : i32
      "tpu.region"() ({
        %run_scoped3A = tpu.sem_alloc : memref<!tpu.dma_semaphore, #tpu.memory_space<semaphore_mem>>
        %dma_start3A_126 = arith.constant 0 : i32
        %dma_start3A_127 = tpu.memref_slice %arg3[%add3A_97, %dma_start3A_126] : memref<2500x128xi32, #tpu.memory_space<hbm>> -> memref<1x128xi32, #tpu.memory_space<hbm>>
        %dma_start3A_128 = arith.constant 0 : i32
        %dma_start3A_129 = tpu.memref_slice %arg3[%add3A_97, %dma_start3A_128] : memref<2500x128xi32, #tpu.memory_space<hbm>> -> memref<1x128xi32, #tpu.memory_space<hbm>>
        tpu.enqueue_dma source(%dma_start3A_129 : memref<1x128xi32, #tpu.memory_space<hbm>>) target(%arg9 : memref<1x128xi32, #tpu.memory_space<vmem>>) target_semaphore(%run_scoped3A : memref<!tpu.dma_semaphore, #tpu.memory_space<semaphore_mem>>)
        %dma_wait3A_130 = arith.constant 0 : i32
        %dma_wait3A_131 = tpu.memref_slice %arg3[%add3A_97, %dma_wait3A_130] : memref<2500x128xi32, #tpu.memory_space<hbm>> -> memref<1x128xi32, #tpu.memory_space<hbm>>
        %dma_wait3A_132 = arith.constant 0 : i32
        %dma_wait3A_133 = tpu.memref_slice %arg3[%add3A_97, %dma_wait3A_132] : memref<2500x128xi32, #tpu.memory_space<hbm>> -> memref<1x128xi32, #tpu.memory_space<hbm>>
        tpu.wait_dma2 semaphore(%run_scoped3A : memref<!tpu.dma_semaphore, #tpu.memory_space<semaphore_mem>>) src(%dma_wait3A_133 : memref<1x128xi32, #tpu.memory_space<hbm>>) dst(%arg9 : memref<1x128xi32, #tpu.memory_space<vmem>>)
        tpu.yield
      }) : () -> ()
      "tpu.region"() ({
        %run_scoped3A = tpu.sem_alloc : memref<!tpu.dma_semaphore, #tpu.memory_space<semaphore_mem>>
        %dma_start3A_126 = arith.constant 0 : i32
        %dma_start3A_127 = tpu.memref_slice %arg4[%add3A_97, %dma_start3A_126] : memref<2500x128xi32, #tpu.memory_space<hbm>> -> memref<1x128xi32, #tpu.memory_space<hbm>>
        %dma_start3A_128 = arith.constant 0 : i32
        %dma_start3A_129 = tpu.memref_slice %arg4[%add3A_97, %dma_start3A_128] : memref<2500x128xi32, #tpu.memory_space<hbm>> -> memref<1x128xi32, #tpu.memory_space<hbm>>
        tpu.enqueue_dma source(%dma_start3A_129 : memref<1x128xi32, #tpu.memory_space<hbm>>) target(%arg10 : memref<1x128xi32, #tpu.memory_space<vmem>>) target_semaphore(%run_scoped3A : memref<!tpu.dma_semaphore, #tpu.memory_space<semaphore_mem>>)
        %dma_wait3A_130 = arith.constant 0 : i32
        %dma_wait3A_131 = tpu.memref_slice %arg4[%add3A_97, %dma_wait3A_130] : memref<2500x128xi32, #tpu.memory_space<hbm>> -> memref<1x128xi32, #tpu.memory_space<hbm>>
        %dma_wait3A_132 = arith.constant 0 : i32
        %dma_wait3A_133 = tpu.memref_slice %arg4[%add3A_97, %dma_wait3A_132] : memref<2500x128xi32, #tpu.memory_space<hbm>> -> memref<1x128xi32, #tpu.memory_space<hbm>>
        tpu.wait_dma2 semaphore(%run_scoped3A : memref<!tpu.dma_semaphore, #tpu.memory_space<semaphore_mem>>) src(%dma_wait3A_133 : memref<1x128xi32, #tpu.memory_space<hbm>>) dst(%arg10 : memref<1x128xi32, #tpu.memory_space<vmem>>)
        tpu.yield
      }) : () -> ()
      %dma_start3A_98 = arith.constant 0 : i32
      %dma_start3A_99 = arith.constant 0 : i32
      %dma_start3A_100 = tpu.memref_slice %arg9[%dma_start3A_98, %dma_start3A_99] : memref<1x128xi32, #tpu.memory_space<vmem>> -> memref<1x128xi32, #tpu.memory_space<vmem>>
      %dma_start3A_101 = tpu.memref_squeeze %dma_start3A_100 : memref<1x128xi32, #tpu.memory_space<vmem>> -> memref<128xi32, #tpu.memory_space<vmem>>
      %dma_start3A_102 = arith.constant 0 : i32
      %dma_start3A_103 = arith.constant 0 : i32
      %dma_start3A_104 = tpu.memref_slice %arg2[%dma_start3A_102, %dma_start3A_103] : memref<10000x64xf32, #tpu.memory_space<hbm>> -> memref<10000x64xf32, #tpu.memory_space<hbm>>
      tpu.enqueue_indirect_dma source(%dma_start3A_104 : memref<10000x64xf32, #tpu.memory_space<hbm>>) target(%arg11 : memref<128x64xf32, #tpu.memory_space<vmem>>) offsets(%dma_start3A_101 : memref<128xi32, #tpu.memory_space<vmem>>) semaphore(%arg14 : memref<!tpu.dma_semaphore, #tpu.memory_space<semaphore_mem>>)
      %dma_wait3A_105 = arith.constant 0 : i32
      %dma_wait3A_106 = arith.constant 0 : i32
      %dma_wait3A_107 = tpu.memref_slice %arg9[%dma_wait3A_105, %dma_wait3A_106] : memref<1x128xi32, #tpu.memory_space<vmem>> -> memref<1x128xi32, #tpu.memory_space<vmem>>
      %dma_wait3A_108 = tpu.memref_squeeze %dma_wait3A_107 : memref<1x128xi32, #tpu.memory_space<vmem>> -> memref<128xi32, #tpu.memory_space<vmem>>
      %dma_wait3A_109 = arith.constant 0 : i32
      %dma_wait3A_110 = arith.constant 0 : i32
      %dma_wait3A_111 = tpu.memref_slice %arg2[%dma_wait3A_109, %dma_wait3A_110] : memref<10000x64xf32, #tpu.memory_space<hbm>> -> memref<10000x64xf32, #tpu.memory_space<hbm>>
      tpu.wait_indirect_dma semaphore(%arg14 : memref<!tpu.dma_semaphore, #tpu.memory_space<semaphore_mem>>) src(%dma_wait3A_111 : memref<10000x64xf32, #tpu.memory_space<hbm>>) dst(%arg11 : memref<128x64xf32, #tpu.memory_space<vmem>>)
      %dma_start3A_112 = arith.constant 0 : i32
      %dma_start3A_113 = arith.constant 0 : i32
      %dma_start3A_114 = tpu.memref_slice %arg10[%dma_start3A_112, %dma_start3A_113] : memref<1x128xi32, #tpu.memory_space<vmem>> -> memref<1x128xi32, #tpu.memory_space<vmem>>
      %dma_start3A_115 = tpu.memref_squeeze %dma_start3A_114 : memref<1x128xi32, #tpu.memory_space<vmem>> -> memref<128xi32, #tpu.memory_space<vmem>>
      %dma_start3A_116 = arith.constant 0 : i32
      %dma_start3A_117 = arith.constant 0 : i32
      %dma_start3A_118 = tpu.memref_slice %arg13[%dma_start3A_116, %dma_start3A_117] : memref<10240x64xf32, #tpu.memory_space<vmem_shared>> -> memref<10240x64xf32, #tpu.memory_space<vmem_shared>>
      tpu.enqueue_indirect_dma source(%arg11 : memref<128x64xf32, #tpu.memory_space<vmem>>) target(%dma_start3A_118 : memref<10240x64xf32, #tpu.memory_space<vmem_shared>>) offsets(%dma_start3A_115 : memref<128xi32, #tpu.memory_space<vmem>>) semaphore(%arg16 : memref<!tpu.dma_semaphore, #tpu.memory_space<semaphore_mem>>) {add = true}
      %dma_wait3A_119 = arith.constant 0 : i32
      %dma_wait3A_120 = arith.constant 0 : i32
      %dma_wait3A_121 = tpu.memref_slice %arg10[%dma_wait3A_119, %dma_wait3A_120] : memref<1x128xi32, #tpu.memory_space<vmem>> -> memref<1x128xi32, #tpu.memory_space<vmem>>
      %dma_wait3A_122 = tpu.memref_squeeze %dma_wait3A_121 : memref<1x128xi32, #tpu.memory_space<vmem>> -> memref<128xi32, #tpu.memory_space<vmem>>
      %dma_wait3A_123 = arith.constant 0 : i32
      %dma_wait3A_124 = arith.constant 0 : i32
      %dma_wait3A_125 = tpu.memref_slice %arg13[%dma_wait3A_123, %dma_wait3A_124] : memref<10240x64xf32, #tpu.memory_space<vmem_shared>> -> memref<10240x64xf32, #tpu.memory_space<vmem_shared>>
      tpu.wait_indirect_dma semaphore(%arg16 : memref<!tpu.dma_semaphore, #tpu.memory_space<semaphore_mem>>) src(%arg11 : memref<128x64xf32, #tpu.memory_space<vmem>>) dst(%dma_wait3A_125 : memref<10240x64xf32, #tpu.memory_space<vmem_shared>>)
    } else {
    }
    %barrier3A_91 = arith.constant 0 : index
    tpu.barrier barrier_id(%barrier3A_91)
    %mul3A_92 = arith.constant 640 : i32
    %mul3A_93 = arith.muli %arg1, %mul3A_92 : i32
    %mul3A_94 = arith.constant 640 : i32
    %mul3A_95 = arith.muli %arg1, %mul3A_94 : i32
    "tpu.region"() ({
      %run_scoped3A = tpu.sem_alloc : memref<!tpu.dma_semaphore, #tpu.memory_space<semaphore_mem>>
      %dma_start3A_96 = arith.constant 0 : i32
      %dma_start3A_97 = tpu.memref_slice %arg6[%arg0, %mul3A_95, %dma_start3A_96] : memref<2x10240x64xf32, #tpu.memory_space<hbm>> -> memref<1x640x64xf32, #tpu.memory_space<hbm>>
      %dma_start3A_98 = tpu.memref_squeeze %dma_start3A_97 : memref<1x640x64xf32, #tpu.memory_space<hbm>> -> memref<640x64xf32, #tpu.memory_space<hbm>>
      %dma_start3A_99 = arith.constant 0 : i32
      %dma_start3A_100 = tpu.memref_slice %arg13[%mul3A_93, %dma_start3A_99] : memref<10240x64xf32, #tpu.memory_space<vmem_shared>> -> memref<640x64xf32, #tpu.memory_space<vmem_shared>>
      tpu.enqueue_dma source(%dma_start3A_100 : memref<640x64xf32, #tpu.memory_space<vmem_shared>>) target(%dma_start3A_98 : memref<640x64xf32, #tpu.memory_space<hbm>>) target_semaphore(%run_scoped3A : memref<!tpu.dma_semaphore, #tpu.memory_space<semaphore_mem>>)
      %dma_wait3A_101 = arith.constant 0 : i32
      %dma_wait3A_102 = tpu.memref_slice %arg6[%arg0, %mul3A_95, %dma_wait3A_101] : memref<2x10240x64xf32, #tpu.memory_space<hbm>> -> memref<1x640x64xf32, #tpu.memory_space<hbm>>
      %dma_wait3A_103 = tpu.memref_squeeze %dma_wait3A_102 : memref<1x640x64xf32, #tpu.memory_space<hbm>> -> memref<640x64xf32, #tpu.memory_space<hbm>>
      %dma_wait3A_104 = arith.constant 0 : i32
      %dma_wait3A_105 = tpu.memref_slice %arg13[%mul3A_93, %dma_wait3A_104] : memref<10240x64xf32, #tpu.memory_space<vmem_shared>> -> memref<640x64xf32, #tpu.memory_space<vmem_shared>>
      tpu.wait_dma2 semaphore(%run_scoped3A : memref<!tpu.dma_semaphore, #tpu.memory_space<semaphore_mem>>) src(%dma_wait3A_105 : memref<640x64xf32, #tpu.memory_space<vmem_shared>>) dst(%dma_wait3A_103 : memref<640x64xf32, #tpu.memory_space<hbm>>)
      tpu.yield
    }) : () -> ()
    return
  }
}

#map = affine_map<(d0, d1) -> (0, 0)>
#map1 = affine_map<(d0, d1) -> (0, 0, 0)>
module attributes {stable_mosaic.version = 14 : i64} {
  func.func @agg_kernel(%arg0: i32, %arg1: i32, %arg2: memref<10000x128xf32, #tpu.memory_space<hbm>>, %arg3: memref<2500x128xi32, #tpu.memory_space<hbm>>, %arg4: memref<2500x128xi32, #tpu.memory_space<hbm>>, %arg5: memref<640x128xf32, #tpu.memory_space<hbm>>, %arg6: memref<2x10240x128xf32, #tpu.memory_space<hbm>>, %arg7: memref<39x128xi32, #tpu.memory_space<vmem>>, %arg8: memref<39x128xi32, #tpu.memory_space<vmem>>, %arg9: memref<1x128xi32, #tpu.memory_space<vmem>>, %arg10: memref<1x128xi32, #tpu.memory_space<vmem>>, %arg11: memref<128x128xf32, #tpu.memory_space<vmem>>, %arg12: memref<128x128xf32, #tpu.memory_space<vmem>>, %arg13: memref<10240x128xf32, #tpu.memory_space<vmem_shared>>, %arg14: memref<!tpu.dma_semaphore, #tpu.memory_space<semaphore_mem>>, %arg15: memref<!tpu.dma_semaphore, #tpu.memory_space<semaphore_mem>>, %arg16: memref<!tpu.dma_semaphore, #tpu.memory_space<semaphore_mem>>, %arg17: memref<!tpu.dma_semaphore, #tpu.memory_space<semaphore_mem>>) attributes {dimension_semantics = [#tpu.dimension_semantics<core_parallel>, #tpu.dimension_semantics<subcore_parallel>], iteration_bounds = array<i64: 2, 16>, scalar_prefetch = 0 : i64, scratch_operands = 11 : i64, tpu.core_type = #tpu.core_type<sc_vector_subcore>, window_params = [{transform_indices = #map}, {transform_indices = #map}, {transform_indices = #map}, {transform_indices = #map}, {transform_indices = #map1}]} {
    %mul3A = arith.constant 16 : i32
    %mul3A_0 = arith.muli %arg0, %mul3A : i32
    %add3A = arith.addi %mul3A_0, %arg1 : i32
    %mul3A_1 = arith.constant 78 : i32
    %mul3A_2 = arith.muli %add3A, %mul3A_1 : i32
    %min3A = arith.constant 4 : i32
    %min3A_3 = arith.minsi %add3A, %min3A : i32
    %add3A_4 = arith.addi %mul3A_2, %min3A_3 : i32
    %lt3A = arith.constant 4 : i32
    %lt3A_5 = arith.cmpi slt, %add3A, %lt3A : i32
    %add3A_6 = arith.constant 0 : i32
    %add3A_7 = arith.addi %add3A_4, %add3A_6 : i32
    %dma_start3A = arith.constant 0 : i32
    %dma_start3A_8 = tpu.memref_slice %arg3[%add3A_7, %dma_start3A] : memref<2500x128xi32, #tpu.memory_space<hbm>> -> memref<39x128xi32, #tpu.memory_space<hbm>>
    %dma_start3A_9 = arith.constant 0 : i32
    %dma_start3A_10 = tpu.memref_slice %arg3[%add3A_7, %dma_start3A_9] : memref<2500x128xi32, #tpu.memory_space<hbm>> -> memref<39x128xi32, #tpu.memory_space<hbm>>
    tpu.enqueue_dma source(%dma_start3A_10 : memref<39x128xi32, #tpu.memory_space<hbm>>) target(%arg7 : memref<39x128xi32, #tpu.memory_space<vmem>>) target_semaphore(%arg14 : memref<!tpu.dma_semaphore, #tpu.memory_space<semaphore_mem>>)
    %add3A_11 = arith.constant 0 : i32
    %add3A_12 = arith.addi %add3A_4, %add3A_11 : i32
    %dma_start3A_13 = arith.constant 0 : i32
    %dma_start3A_14 = tpu.memref_slice %arg4[%add3A_12, %dma_start3A_13] : memref<2500x128xi32, #tpu.memory_space<hbm>> -> memref<39x128xi32, #tpu.memory_space<hbm>>
    %dma_start3A_15 = arith.constant 0 : i32
    %dma_start3A_16 = tpu.memref_slice %arg4[%add3A_12, %dma_start3A_15] : memref<2500x128xi32, #tpu.memory_space<hbm>> -> memref<39x128xi32, #tpu.memory_space<hbm>>
    tpu.enqueue_dma source(%dma_start3A_16 : memref<39x128xi32, #tpu.memory_space<hbm>>) target(%arg8 : memref<39x128xi32, #tpu.memory_space<vmem>>) target_semaphore(%arg15 : memref<!tpu.dma_semaphore, #tpu.memory_space<semaphore_mem>>)
    %mul3A_17 = arith.constant 640 : i32
    %mul3A_18 = arith.muli %arg1, %mul3A_17 : i32
    "tpu.region"() ({
      %run_scoped3A = tpu.sem_alloc : memref<!tpu.dma_semaphore, #tpu.memory_space<semaphore_mem>>
      %dma_start3A_237 = arith.constant 0 : i32
      %dma_start3A_238 = tpu.memref_slice %arg13[%mul3A_18, %dma_start3A_237] : memref<10240x128xf32, #tpu.memory_space<vmem_shared>> -> memref<640x128xf32, #tpu.memory_space<vmem_shared>>
      tpu.enqueue_dma source(%arg5 : memref<640x128xf32, #tpu.memory_space<hbm>>) target(%dma_start3A_238 : memref<640x128xf32, #tpu.memory_space<vmem_shared>>) target_semaphore(%run_scoped3A : memref<!tpu.dma_semaphore, #tpu.memory_space<semaphore_mem>>)
      %dma_wait3A_239 = arith.constant 0 : i32
      %dma_wait3A_240 = tpu.memref_slice %arg13[%mul3A_18, %dma_wait3A_239] : memref<10240x128xf32, #tpu.memory_space<vmem_shared>> -> memref<640x128xf32, #tpu.memory_space<vmem_shared>>
      tpu.wait_dma2 semaphore(%run_scoped3A : memref<!tpu.dma_semaphore, #tpu.memory_space<semaphore_mem>>) src(%arg5 : memref<640x128xf32, #tpu.memory_space<hbm>>) dst(%dma_wait3A_240 : memref<640x128xf32, #tpu.memory_space<vmem_shared>>)
      tpu.yield
    }) : () -> ()
    %add3A_19 = arith.constant 0 : i32
    %add3A_20 = arith.addi %add3A_4, %add3A_19 : i32
    %dma_wait3A = arith.constant 0 : i32
    %dma_wait3A_21 = tpu.memref_slice %arg3[%add3A_20, %dma_wait3A] : memref<2500x128xi32, #tpu.memory_space<hbm>> -> memref<39x128xi32, #tpu.memory_space<hbm>>
    %dma_wait3A_22 = arith.constant 0 : i32
    %dma_wait3A_23 = tpu.memref_slice %arg3[%add3A_20, %dma_wait3A_22] : memref<2500x128xi32, #tpu.memory_space<hbm>> -> memref<39x128xi32, #tpu.memory_space<hbm>>
    tpu.wait_dma2 semaphore(%arg14 : memref<!tpu.dma_semaphore, #tpu.memory_space<semaphore_mem>>) src(%dma_wait3A_23 : memref<39x128xi32, #tpu.memory_space<hbm>>) dst(%arg7 : memref<39x128xi32, #tpu.memory_space<vmem>>)
    %add3A_24 = arith.constant 0 : i32
    %add3A_25 = arith.addi %add3A_4, %add3A_24 : i32
    %dma_wait3A_26 = arith.constant 0 : i32
    %dma_wait3A_27 = tpu.memref_slice %arg4[%add3A_25, %dma_wait3A_26] : memref<2500x128xi32, #tpu.memory_space<hbm>> -> memref<39x128xi32, #tpu.memory_space<hbm>>
    %dma_wait3A_28 = arith.constant 0 : i32
    %dma_wait3A_29 = tpu.memref_slice %arg4[%add3A_25, %dma_wait3A_28] : memref<2500x128xi32, #tpu.memory_space<hbm>> -> memref<39x128xi32, #tpu.memory_space<hbm>>
    tpu.wait_dma2 semaphore(%arg15 : memref<!tpu.dma_semaphore, #tpu.memory_space<semaphore_mem>>) src(%dma_wait3A_29 : memref<39x128xi32, #tpu.memory_space<hbm>>) dst(%arg8 : memref<39x128xi32, #tpu.memory_space<vmem>>)
    %barrier3A = arith.constant 0 : index
    tpu.barrier barrier_id(%barrier3A)
    %dma_start3A_30 = arith.constant 0 : i32
    %dma_start3A_31 = arith.constant 0 : i32
    %dma_start3A_32 = tpu.memref_slice %arg7[%dma_start3A_30, %dma_start3A_31] : memref<39x128xi32, #tpu.memory_space<vmem>> -> memref<1x128xi32, #tpu.memory_space<vmem>>
    %dma_start3A_33 = tpu.memref_squeeze %dma_start3A_32 : memref<1x128xi32, #tpu.memory_space<vmem>> -> memref<128xi32, #tpu.memory_space<vmem>>
    %dma_start3A_34 = arith.constant 0 : i32
    %dma_start3A_35 = arith.constant 0 : i32
    %dma_start3A_36 = tpu.memref_slice %arg2[%dma_start3A_34, %dma_start3A_35] : memref<10000x128xf32, #tpu.memory_space<hbm>> -> memref<10000x128xf32, #tpu.memory_space<hbm>>
    tpu.enqueue_indirect_dma source(%dma_start3A_36 : memref<10000x128xf32, #tpu.memory_space<hbm>>) target(%arg11 : memref<128x128xf32, #tpu.memory_space<vmem>>) offsets(%dma_start3A_33 : memref<128xi32, #tpu.memory_space<vmem>>) semaphore(%arg14 : memref<!tpu.dma_semaphore, #tpu.memory_space<semaphore_mem>>)
    %dma_start3A_37 = arith.constant 1 : i32
    %dma_start3A_38 = arith.constant 0 : i32
    %dma_start3A_39 = tpu.memref_slice %arg7[%dma_start3A_37, %dma_start3A_38] : memref<39x128xi32, #tpu.memory_space<vmem>> -> memref<1x128xi32, #tpu.memory_space<vmem>>
    %dma_start3A_40 = tpu.memref_squeeze %dma_start3A_39 : memref<1x128xi32, #tpu.memory_space<vmem>> -> memref<128xi32, #tpu.memory_space<vmem>>
    %dma_start3A_41 = arith.constant 0 : i32
    %dma_start3A_42 = arith.constant 0 : i32
    %dma_start3A_43 = tpu.memref_slice %arg2[%dma_start3A_41, %dma_start3A_42] : memref<10000x128xf32, #tpu.memory_space<hbm>> -> memref<10000x128xf32, #tpu.memory_space<hbm>>
    tpu.enqueue_indirect_dma source(%dma_start3A_43 : memref<10000x128xf32, #tpu.memory_space<hbm>>) target(%arg12 : memref<128x128xf32, #tpu.memory_space<vmem>>) offsets(%dma_start3A_40 : memref<128xi32, #tpu.memory_space<vmem>>) semaphore(%arg15 : memref<!tpu.dma_semaphore, #tpu.memory_space<semaphore_mem>>)
    %scan3A = arith.constant 0 : i32
    %scan3A_44 = arith.constant 18 : i32
    %scan3A_45 = arith.addi %scan3A, %scan3A_44 : i32
    %scan3A_46 = arith.constant 1 : i32
    scf.for %scan3A_237 = %scan3A to %scan3A_45 step %scan3A_46  : i32 {
      %mul3A_238 = arith.constant 1 : i32
      %mul3A_239 = arith.muli %scan3A_237, %mul3A_238 : i32
      %add3A_240 = arith.constant 0 : i32
      %add3A_241 = arith.addi %add3A_240, %mul3A_239 : i32
      %mul3A_242 = arith.constant 2 : i32
      %mul3A_243 = arith.muli %mul3A_242, %add3A_241 : i32
      %mul3A_244 = arith.constant 2 : i32
      %mul3A_245 = arith.muli %mul3A_244, %add3A_241 : i32
      %add3A_246 = arith.constant 2 : i32
      %add3A_247 = arith.addi %mul3A_245, %add3A_246 : i32
      %dma_wait3A_248 = arith.constant 0 : i32
      %dma_wait3A_249 = tpu.memref_slice %arg7[%mul3A_243, %dma_wait3A_248] : memref<39x128xi32, #tpu.memory_space<vmem>> -> memref<1x128xi32, #tpu.memory_space<vmem>>
      %dma_wait3A_250 = tpu.memref_squeeze %dma_wait3A_249 : memref<1x128xi32, #tpu.memory_space<vmem>> -> memref<128xi32, #tpu.memory_space<vmem>>
      %dma_wait3A_251 = arith.constant 0 : i32
      %dma_wait3A_252 = arith.constant 0 : i32
      %dma_wait3A_253 = tpu.memref_slice %arg2[%dma_wait3A_251, %dma_wait3A_252] : memref<10000x128xf32, #tpu.memory_space<hbm>> -> memref<10000x128xf32, #tpu.memory_space<hbm>>
      tpu.wait_indirect_dma semaphore(%arg14 : memref<!tpu.dma_semaphore, #tpu.memory_space<semaphore_mem>>) src(%dma_wait3A_253 : memref<10000x128xf32, #tpu.memory_space<hbm>>) dst(%arg11 : memref<128x128xf32, #tpu.memory_space<vmem>>)
      %dma_start3A_254 = arith.constant 0 : i32
      %dma_start3A_255 = tpu.memref_slice %arg8[%mul3A_243, %dma_start3A_254] : memref<39x128xi32, #tpu.memory_space<vmem>> -> memref<1x128xi32, #tpu.memory_space<vmem>>
      %dma_start3A_256 = tpu.memref_squeeze %dma_start3A_255 : memref<1x128xi32, #tpu.memory_space<vmem>> -> memref<128xi32, #tpu.memory_space<vmem>>
      %dma_start3A_257 = arith.constant 0 : i32
      %dma_start3A_258 = arith.constant 0 : i32
      %dma_start3A_259 = tpu.memref_slice %arg13[%dma_start3A_257, %dma_start3A_258] : memref<10240x128xf32, #tpu.memory_space<vmem_shared>> -> memref<10240x128xf32, #tpu.memory_space<vmem_shared>>
      tpu.enqueue_indirect_dma source(%arg11 : memref<128x128xf32, #tpu.memory_space<vmem>>) target(%dma_start3A_259 : memref<10240x128xf32, #tpu.memory_space<vmem_shared>>) offsets(%dma_start3A_256 : memref<128xi32, #tpu.memory_space<vmem>>) semaphore(%arg16 : memref<!tpu.dma_semaphore, #tpu.memory_space<semaphore_mem>>) {add = true}
      %dma_wait3A_260 = arith.constant 0 : i32
      %dma_wait3A_261 = tpu.memref_slice %arg8[%mul3A_243, %dma_wait3A_260] : memref<39x128xi32, #tpu.memory_space<vmem>> -> memref<1x128xi32, #tpu.memory_space<vmem>>
      %dma_wait3A_262 = tpu.memref_squeeze %dma_wait3A_261 : memref<1x128xi32, #tpu.memory_space<vmem>> -> memref<128xi32, #tpu.memory_space<vmem>>
      %dma_wait3A_263 = arith.constant 0 : i32
      %dma_wait3A_264 = arith.constant 0 : i32
      %dma_wait3A_265 = tpu.memref_slice %arg13[%dma_wait3A_263, %dma_wait3A_264] : memref<10240x128xf32, #tpu.memory_space<vmem_shared>> -> memref<10240x128xf32, #tpu.memory_space<vmem_shared>>
      tpu.wait_indirect_dma semaphore(%arg16 : memref<!tpu.dma_semaphore, #tpu.memory_space<semaphore_mem>>) src(%arg11 : memref<128x128xf32, #tpu.memory_space<vmem>>) dst(%dma_wait3A_265 : memref<10240x128xf32, #tpu.memory_space<vmem_shared>>)
      %dma_start3A_266 = arith.constant 0 : i32
      %dma_start3A_267 = tpu.memref_slice %arg7[%add3A_247, %dma_start3A_266] : memref<39x128xi32, #tpu.memory_space<vmem>> -> memref<1x128xi32, #tpu.memory_space<vmem>>
      %dma_start3A_268 = tpu.memref_squeeze %dma_start3A_267 : memref<1x128xi32, #tpu.memory_space<vmem>> -> memref<128xi32, #tpu.memory_space<vmem>>
      %dma_start3A_269 = arith.constant 0 : i32
      %dma_start3A_270 = arith.constant 0 : i32
      %dma_start3A_271 = tpu.memref_slice %arg2[%dma_start3A_269, %dma_start3A_270] : memref<10000x128xf32, #tpu.memory_space<hbm>> -> memref<10000x128xf32, #tpu.memory_space<hbm>>
      tpu.enqueue_indirect_dma source(%dma_start3A_271 : memref<10000x128xf32, #tpu.memory_space<hbm>>) target(%arg11 : memref<128x128xf32, #tpu.memory_space<vmem>>) offsets(%dma_start3A_268 : memref<128xi32, #tpu.memory_space<vmem>>) semaphore(%arg14 : memref<!tpu.dma_semaphore, #tpu.memory_space<semaphore_mem>>)
      %mul3A_272 = arith.constant 2 : i32
      %mul3A_273 = arith.muli %mul3A_272, %add3A_241 : i32
      %add3A_274 = arith.constant 1 : i32
      %add3A_275 = arith.addi %mul3A_273, %add3A_274 : i32
      %mul3A_276 = arith.constant 2 : i32
      %mul3A_277 = arith.muli %mul3A_276, %add3A_241 : i32
      %add3A_278 = arith.constant 3 : i32
      %add3A_279 = arith.addi %mul3A_277, %add3A_278 : i32
      %dma_wait3A_280 = arith.constant 0 : i32
      %dma_wait3A_281 = tpu.memref_slice %arg7[%add3A_275, %dma_wait3A_280] : memref<39x128xi32, #tpu.memory_space<vmem>> -> memref<1x128xi32, #tpu.memory_space<vmem>>
      %dma_wait3A_282 = tpu.memref_squeeze %dma_wait3A_281 : memref<1x128xi32, #tpu.memory_space<vmem>> -> memref<128xi32, #tpu.memory_space<vmem>>
      %dma_wait3A_283 = arith.constant 0 : i32
      %dma_wait3A_284 = arith.constant 0 : i32
      %dma_wait3A_285 = tpu.memref_slice %arg2[%dma_wait3A_283, %dma_wait3A_284] : memref<10000x128xf32, #tpu.memory_space<hbm>> -> memref<10000x128xf32, #tpu.memory_space<hbm>>
      tpu.wait_indirect_dma semaphore(%arg15 : memref<!tpu.dma_semaphore, #tpu.memory_space<semaphore_mem>>) src(%dma_wait3A_285 : memref<10000x128xf32, #tpu.memory_space<hbm>>) dst(%arg12 : memref<128x128xf32, #tpu.memory_space<vmem>>)
      %dma_start3A_286 = arith.constant 0 : i32
      %dma_start3A_287 = tpu.memref_slice %arg8[%add3A_275, %dma_start3A_286] : memref<39x128xi32, #tpu.memory_space<vmem>> -> memref<1x128xi32, #tpu.memory_space<vmem>>
      %dma_start3A_288 = tpu.memref_squeeze %dma_start3A_287 : memref<1x128xi32, #tpu.memory_space<vmem>> -> memref<128xi32, #tpu.memory_space<vmem>>
      %dma_start3A_289 = arith.constant 0 : i32
      %dma_start3A_290 = arith.constant 0 : i32
      %dma_start3A_291 = tpu.memref_slice %arg13[%dma_start3A_289, %dma_start3A_290] : memref<10240x128xf32, #tpu.memory_space<vmem_shared>> -> memref<10240x128xf32, #tpu.memory_space<vmem_shared>>
      tpu.enqueue_indirect_dma source(%arg12 : memref<128x128xf32, #tpu.memory_space<vmem>>) target(%dma_start3A_291 : memref<10240x128xf32, #tpu.memory_space<vmem_shared>>) offsets(%dma_start3A_288 : memref<128xi32, #tpu.memory_space<vmem>>) semaphore(%arg17 : memref<!tpu.dma_semaphore, #tpu.memory_space<semaphore_mem>>) {add = true}
      %dma_wait3A_292 = arith.constant 0 : i32
      %dma_wait3A_293 = tpu.memref_slice %arg8[%add3A_275, %dma_wait3A_292] : memref<39x128xi32, #tpu.memory_space<vmem>> -> memref<1x128xi32, #tpu.memory_space<vmem>>
      %dma_wait3A_294 = tpu.memref_squeeze %dma_wait3A_293 : memref<1x128xi32, #tpu.memory_space<vmem>> -> memref<128xi32, #tpu.memory_space<vmem>>
      %dma_wait3A_295 = arith.constant 0 : i32
      %dma_wait3A_296 = arith.constant 0 : i32
      %dma_wait3A_297 = tpu.memref_slice %arg13[%dma_wait3A_295, %dma_wait3A_296] : memref<10240x128xf32, #tpu.memory_space<vmem_shared>> -> memref<10240x128xf32, #tpu.memory_space<vmem_shared>>
      tpu.wait_indirect_dma semaphore(%arg17 : memref<!tpu.dma_semaphore, #tpu.memory_space<semaphore_mem>>) src(%arg12 : memref<128x128xf32, #tpu.memory_space<vmem>>) dst(%dma_wait3A_297 : memref<10240x128xf32, #tpu.memory_space<vmem_shared>>)
      %dma_start3A_298 = arith.constant 0 : i32
      %dma_start3A_299 = tpu.memref_slice %arg7[%add3A_279, %dma_start3A_298] : memref<39x128xi32, #tpu.memory_space<vmem>> -> memref<1x128xi32, #tpu.memory_space<vmem>>
      %dma_start3A_300 = tpu.memref_squeeze %dma_start3A_299 : memref<1x128xi32, #tpu.memory_space<vmem>> -> memref<128xi32, #tpu.memory_space<vmem>>
      %dma_start3A_301 = arith.constant 0 : i32
      %dma_start3A_302 = arith.constant 0 : i32
      %dma_start3A_303 = tpu.memref_slice %arg2[%dma_start3A_301, %dma_start3A_302] : memref<10000x128xf32, #tpu.memory_space<hbm>> -> memref<10000x128xf32, #tpu.memory_space<hbm>>
      tpu.enqueue_indirect_dma source(%dma_start3A_303 : memref<10000x128xf32, #tpu.memory_space<hbm>>) target(%arg12 : memref<128x128xf32, #tpu.memory_space<vmem>>) offsets(%dma_start3A_300 : memref<128xi32, #tpu.memory_space<vmem>>) semaphore(%arg15 : memref<!tpu.dma_semaphore, #tpu.memory_space<semaphore_mem>>)
    }
    %scan3A_47 = arith.constant 18 : i32
    %dma_wait3A_48 = arith.constant 36 : i32
    %dma_wait3A_49 = arith.constant 0 : i32
    %dma_wait3A_50 = tpu.memref_slice %arg7[%dma_wait3A_48, %dma_wait3A_49] : memref<39x128xi32, #tpu.memory_space<vmem>> -> memref<1x128xi32, #tpu.memory_space<vmem>>
    %dma_wait3A_51 = tpu.memref_squeeze %dma_wait3A_50 : memref<1x128xi32, #tpu.memory_space<vmem>> -> memref<128xi32, #tpu.memory_space<vmem>>
    %dma_wait3A_52 = arith.constant 0 : i32
    %dma_wait3A_53 = arith.constant 0 : i32
    %dma_wait3A_54 = tpu.memref_slice %arg2[%dma_wait3A_52, %dma_wait3A_53] : memref<10000x128xf32, #tpu.memory_space<hbm>> -> memref<10000x128xf32, #tpu.memory_space<hbm>>
    tpu.wait_indirect_dma semaphore(%arg14 : memref<!tpu.dma_semaphore, #tpu.memory_space<semaphore_mem>>) src(%dma_wait3A_54 : memref<10000x128xf32, #tpu.memory_space<hbm>>) dst(%arg11 : memref<128x128xf32, #tpu.memory_space<vmem>>)
    %dma_start3A_55 = arith.constant 36 : i32
    %dma_start3A_56 = arith.constant 0 : i32
    %dma_start3A_57 = tpu.memref_slice %arg8[%dma_start3A_55, %dma_start3A_56] : memref<39x128xi32, #tpu.memory_space<vmem>> -> memref<1x128xi32, #tpu.memory_space<vmem>>
    %dma_start3A_58 = tpu.memref_squeeze %dma_start3A_57 : memref<1x128xi32, #tpu.memory_space<vmem>> -> memref<128xi32, #tpu.memory_space<vmem>>
    %dma_start3A_59 = arith.constant 0 : i32
    %dma_start3A_60 = arith.constant 0 : i32
    %dma_start3A_61 = tpu.memref_slice %arg13[%dma_start3A_59, %dma_start3A_60] : memref<10240x128xf32, #tpu.memory_space<vmem_shared>> -> memref<10240x128xf32, #tpu.memory_space<vmem_shared>>
    tpu.enqueue_indirect_dma source(%arg11 : memref<128x128xf32, #tpu.memory_space<vmem>>) target(%dma_start3A_61 : memref<10240x128xf32, #tpu.memory_space<vmem_shared>>) offsets(%dma_start3A_58 : memref<128xi32, #tpu.memory_space<vmem>>) semaphore(%arg16 : memref<!tpu.dma_semaphore, #tpu.memory_space<semaphore_mem>>) {add = true}
    %dma_wait3A_62 = arith.constant 36 : i32
    %dma_wait3A_63 = arith.constant 0 : i32
    %dma_wait3A_64 = tpu.memref_slice %arg8[%dma_wait3A_62, %dma_wait3A_63] : memref<39x128xi32, #tpu.memory_space<vmem>> -> memref<1x128xi32, #tpu.memory_space<vmem>>
    %dma_wait3A_65 = tpu.memref_squeeze %dma_wait3A_64 : memref<1x128xi32, #tpu.memory_space<vmem>> -> memref<128xi32, #tpu.memory_space<vmem>>
    %dma_wait3A_66 = arith.constant 0 : i32
    %dma_wait3A_67 = arith.constant 0 : i32
    %dma_wait3A_68 = tpu.memref_slice %arg13[%dma_wait3A_66, %dma_wait3A_67] : memref<10240x128xf32, #tpu.memory_space<vmem_shared>> -> memref<10240x128xf32, #tpu.memory_space<vmem_shared>>
    tpu.wait_indirect_dma semaphore(%arg16 : memref<!tpu.dma_semaphore, #tpu.memory_space<semaphore_mem>>) src(%arg11 : memref<128x128xf32, #tpu.memory_space<vmem>>) dst(%dma_wait3A_68 : memref<10240x128xf32, #tpu.memory_space<vmem_shared>>)
    %dma_start3A_69 = arith.constant 38 : i32
    %dma_start3A_70 = arith.constant 0 : i32
    %dma_start3A_71 = tpu.memref_slice %arg7[%dma_start3A_69, %dma_start3A_70] : memref<39x128xi32, #tpu.memory_space<vmem>> -> memref<1x128xi32, #tpu.memory_space<vmem>>
    %dma_start3A_72 = tpu.memref_squeeze %dma_start3A_71 : memref<1x128xi32, #tpu.memory_space<vmem>> -> memref<128xi32, #tpu.memory_space<vmem>>
    %dma_start3A_73 = arith.constant 0 : i32
    %dma_start3A_74 = arith.constant 0 : i32
    %dma_start3A_75 = tpu.memref_slice %arg2[%dma_start3A_73, %dma_start3A_74] : memref<10000x128xf32, #tpu.memory_space<hbm>> -> memref<10000x128xf32, #tpu.memory_space<hbm>>
    tpu.enqueue_indirect_dma source(%dma_start3A_75 : memref<10000x128xf32, #tpu.memory_space<hbm>>) target(%arg11 : memref<128x128xf32, #tpu.memory_space<vmem>>) offsets(%dma_start3A_72 : memref<128xi32, #tpu.memory_space<vmem>>) semaphore(%arg14 : memref<!tpu.dma_semaphore, #tpu.memory_space<semaphore_mem>>)
    %dma_wait3A_76 = arith.constant 37 : i32
    %dma_wait3A_77 = arith.constant 0 : i32
    %dma_wait3A_78 = tpu.memref_slice %arg7[%dma_wait3A_76, %dma_wait3A_77] : memref<39x128xi32, #tpu.memory_space<vmem>> -> memref<1x128xi32, #tpu.memory_space<vmem>>
    %dma_wait3A_79 = tpu.memref_squeeze %dma_wait3A_78 : memref<1x128xi32, #tpu.memory_space<vmem>> -> memref<128xi32, #tpu.memory_space<vmem>>
    %dma_wait3A_80 = arith.constant 0 : i32
    %dma_wait3A_81 = arith.constant 0 : i32
    %dma_wait3A_82 = tpu.memref_slice %arg2[%dma_wait3A_80, %dma_wait3A_81] : memref<10000x128xf32, #tpu.memory_space<hbm>> -> memref<10000x128xf32, #tpu.memory_space<hbm>>
    tpu.wait_indirect_dma semaphore(%arg15 : memref<!tpu.dma_semaphore, #tpu.memory_space<semaphore_mem>>) src(%dma_wait3A_82 : memref<10000x128xf32, #tpu.memory_space<hbm>>) dst(%arg12 : memref<128x128xf32, #tpu.memory_space<vmem>>)
    %dma_start3A_83 = arith.constant 37 : i32
    %dma_start3A_84 = arith.constant 0 : i32
    %dma_start3A_85 = tpu.memref_slice %arg8[%dma_start3A_83, %dma_start3A_84] : memref<39x128xi32, #tpu.memory_space<vmem>> -> memref<1x128xi32, #tpu.memory_space<vmem>>
    %dma_start3A_86 = tpu.memref_squeeze %dma_start3A_85 : memref<1x128xi32, #tpu.memory_space<vmem>> -> memref<128xi32, #tpu.memory_space<vmem>>
    %dma_start3A_87 = arith.constant 0 : i32
    %dma_start3A_88 = arith.constant 0 : i32
    %dma_start3A_89 = tpu.memref_slice %arg13[%dma_start3A_87, %dma_start3A_88] : memref<10240x128xf32, #tpu.memory_space<vmem_shared>> -> memref<10240x128xf32, #tpu.memory_space<vmem_shared>>
    tpu.enqueue_indirect_dma source(%arg12 : memref<128x128xf32, #tpu.memory_space<vmem>>) target(%dma_start3A_89 : memref<10240x128xf32, #tpu.memory_space<vmem_shared>>) offsets(%dma_start3A_86 : memref<128xi32, #tpu.memory_space<vmem>>) semaphore(%arg17 : memref<!tpu.dma_semaphore, #tpu.memory_space<semaphore_mem>>) {add = true}
    %dma_wait3A_90 = arith.constant 37 : i32
    %dma_wait3A_91 = arith.constant 0 : i32
    %dma_wait3A_92 = tpu.memref_slice %arg8[%dma_wait3A_90, %dma_wait3A_91] : memref<39x128xi32, #tpu.memory_space<vmem>> -> memref<1x128xi32, #tpu.memory_space<vmem>>
    %dma_wait3A_93 = tpu.memref_squeeze %dma_wait3A_92 : memref<1x128xi32, #tpu.memory_space<vmem>> -> memref<128xi32, #tpu.memory_space<vmem>>
    %dma_wait3A_94 = arith.constant 0 : i32
    %dma_wait3A_95 = arith.constant 0 : i32
    %dma_wait3A_96 = tpu.memref_slice %arg13[%dma_wait3A_94, %dma_wait3A_95] : memref<10240x128xf32, #tpu.memory_space<vmem_shared>> -> memref<10240x128xf32, #tpu.memory_space<vmem_shared>>
    tpu.wait_indirect_dma semaphore(%arg17 : memref<!tpu.dma_semaphore, #tpu.memory_space<semaphore_mem>>) src(%arg12 : memref<128x128xf32, #tpu.memory_space<vmem>>) dst(%dma_wait3A_96 : memref<10240x128xf32, #tpu.memory_space<vmem_shared>>)
    %dma_wait3A_97 = arith.constant 38 : i32
    %dma_wait3A_98 = arith.constant 0 : i32
    %dma_wait3A_99 = tpu.memref_slice %arg7[%dma_wait3A_97, %dma_wait3A_98] : memref<39x128xi32, #tpu.memory_space<vmem>> -> memref<1x128xi32, #tpu.memory_space<vmem>>
    %dma_wait3A_100 = tpu.memref_squeeze %dma_wait3A_99 : memref<1x128xi32, #tpu.memory_space<vmem>> -> memref<128xi32, #tpu.memory_space<vmem>>
    %dma_wait3A_101 = arith.constant 0 : i32
    %dma_wait3A_102 = arith.constant 0 : i32
    %dma_wait3A_103 = tpu.memref_slice %arg2[%dma_wait3A_101, %dma_wait3A_102] : memref<10000x128xf32, #tpu.memory_space<hbm>> -> memref<10000x128xf32, #tpu.memory_space<hbm>>
    tpu.wait_indirect_dma semaphore(%arg14 : memref<!tpu.dma_semaphore, #tpu.memory_space<semaphore_mem>>) src(%dma_wait3A_103 : memref<10000x128xf32, #tpu.memory_space<hbm>>) dst(%arg11 : memref<128x128xf32, #tpu.memory_space<vmem>>)
    %dma_start3A_104 = arith.constant 38 : i32
    %dma_start3A_105 = arith.constant 0 : i32
    %dma_start3A_106 = tpu.memref_slice %arg8[%dma_start3A_104, %dma_start3A_105] : memref<39x128xi32, #tpu.memory_space<vmem>> -> memref<1x128xi32, #tpu.memory_space<vmem>>
    %dma_start3A_107 = tpu.memref_squeeze %dma_start3A_106 : memref<1x128xi32, #tpu.memory_space<vmem>> -> memref<128xi32, #tpu.memory_space<vmem>>
    %dma_start3A_108 = arith.constant 0 : i32
    %dma_start3A_109 = arith.constant 0 : i32
    %dma_start3A_110 = tpu.memref_slice %arg13[%dma_start3A_108, %dma_start3A_109] : memref<10240x128xf32, #tpu.memory_space<vmem_shared>> -> memref<10240x128xf32, #tpu.memory_space<vmem_shared>>
    tpu.enqueue_indirect_dma source(%arg11 : memref<128x128xf32, #tpu.memory_space<vmem>>) target(%dma_start3A_110 : memref<10240x128xf32, #tpu.memory_space<vmem_shared>>) offsets(%dma_start3A_107 : memref<128xi32, #tpu.memory_space<vmem>>) semaphore(%arg16 : memref<!tpu.dma_semaphore, #tpu.memory_space<semaphore_mem>>) {add = true}
    %dma_wait3A_111 = arith.constant 38 : i32
    %dma_wait3A_112 = arith.constant 0 : i32
    %dma_wait3A_113 = tpu.memref_slice %arg8[%dma_wait3A_111, %dma_wait3A_112] : memref<39x128xi32, #tpu.memory_space<vmem>> -> memref<1x128xi32, #tpu.memory_space<vmem>>
    %dma_wait3A_114 = tpu.memref_squeeze %dma_wait3A_113 : memref<1x128xi32, #tpu.memory_space<vmem>> -> memref<128xi32, #tpu.memory_space<vmem>>
    %dma_wait3A_115 = arith.constant 0 : i32
    %dma_wait3A_116 = arith.constant 0 : i32
    %dma_wait3A_117 = tpu.memref_slice %arg13[%dma_wait3A_115, %dma_wait3A_116] : memref<10240x128xf32, #tpu.memory_space<vmem_shared>> -> memref<10240x128xf32, #tpu.memory_space<vmem_shared>>
    tpu.wait_indirect_dma semaphore(%arg16 : memref<!tpu.dma_semaphore, #tpu.memory_space<semaphore_mem>>) src(%arg11 : memref<128x128xf32, #tpu.memory_space<vmem>>) dst(%dma_wait3A_117 : memref<10240x128xf32, #tpu.memory_space<vmem_shared>>)
    %add3A_118 = arith.constant 39 : i32
    %add3A_119 = arith.addi %add3A_4, %add3A_118 : i32
    %dma_start3A_120 = arith.constant 0 : i32
    %dma_start3A_121 = tpu.memref_slice %arg3[%add3A_119, %dma_start3A_120] : memref<2500x128xi32, #tpu.memory_space<hbm>> -> memref<39x128xi32, #tpu.memory_space<hbm>>
    %dma_start3A_122 = arith.constant 0 : i32
    %dma_start3A_123 = tpu.memref_slice %arg3[%add3A_119, %dma_start3A_122] : memref<2500x128xi32, #tpu.memory_space<hbm>> -> memref<39x128xi32, #tpu.memory_space<hbm>>
    tpu.enqueue_dma source(%dma_start3A_123 : memref<39x128xi32, #tpu.memory_space<hbm>>) target(%arg7 : memref<39x128xi32, #tpu.memory_space<vmem>>) target_semaphore(%arg14 : memref<!tpu.dma_semaphore, #tpu.memory_space<semaphore_mem>>)
    %add3A_124 = arith.constant 39 : i32
    %add3A_125 = arith.addi %add3A_4, %add3A_124 : i32
    %dma_start3A_126 = arith.constant 0 : i32
    %dma_start3A_127 = tpu.memref_slice %arg4[%add3A_125, %dma_start3A_126] : memref<2500x128xi32, #tpu.memory_space<hbm>> -> memref<39x128xi32, #tpu.memory_space<hbm>>
    %dma_start3A_128 = arith.constant 0 : i32
    %dma_start3A_129 = tpu.memref_slice %arg4[%add3A_125, %dma_start3A_128] : memref<2500x128xi32, #tpu.memory_space<hbm>> -> memref<39x128xi32, #tpu.memory_space<hbm>>
    tpu.enqueue_dma source(%dma_start3A_129 : memref<39x128xi32, #tpu.memory_space<hbm>>) target(%arg8 : memref<39x128xi32, #tpu.memory_space<vmem>>) target_semaphore(%arg15 : memref<!tpu.dma_semaphore, #tpu.memory_space<semaphore_mem>>)
    %add3A_130 = arith.constant 39 : i32
    %add3A_131 = arith.addi %add3A_4, %add3A_130 : i32
    %dma_wait3A_132 = arith.constant 0 : i32
    %dma_wait3A_133 = tpu.memref_slice %arg3[%add3A_131, %dma_wait3A_132] : memref<2500x128xi32, #tpu.memory_space<hbm>> -> memref<39x128xi32, #tpu.memory_space<hbm>>
    %dma_wait3A_134 = arith.constant 0 : i32
    %dma_wait3A_135 = tpu.memref_slice %arg3[%add3A_131, %dma_wait3A_134] : memref<2500x128xi32, #tpu.memory_space<hbm>> -> memref<39x128xi32, #tpu.memory_space<hbm>>
    tpu.wait_dma2 semaphore(%arg14 : memref<!tpu.dma_semaphore, #tpu.memory_space<semaphore_mem>>) src(%dma_wait3A_135 : memref<39x128xi32, #tpu.memory_space<hbm>>) dst(%arg7 : memref<39x128xi32, #tpu.memory_space<vmem>>)
    %add3A_136 = arith.constant 39 : i32
    %add3A_137 = arith.addi %add3A_4, %add3A_136 : i32
    %dma_wait3A_138 = arith.constant 0 : i32
    %dma_wait3A_139 = tpu.memref_slice %arg4[%add3A_137, %dma_wait3A_138] : memref<2500x128xi32, #tpu.memory_space<hbm>> -> memref<39x128xi32, #tpu.memory_space<hbm>>
    %dma_wait3A_140 = arith.constant 0 : i32
    %dma_wait3A_141 = tpu.memref_slice %arg4[%add3A_137, %dma_wait3A_140] : memref<2500x128xi32, #tpu.memory_space<hbm>> -> memref<39x128xi32, #tpu.memory_space<hbm>>
    tpu.wait_dma2 semaphore(%arg15 : memref<!tpu.dma_semaphore, #tpu.memory_space<semaphore_mem>>) src(%dma_wait3A_141 : memref<39x128xi32, #tpu.memory_space<hbm>>) dst(%arg8 : memref<39x128xi32, #tpu.memory_space<vmem>>)
    %dma_start3A_142 = arith.constant 0 : i32
    %dma_start3A_143 = arith.constant 0 : i32
    %dma_start3A_144 = tpu.memref_slice %arg7[%dma_start3A_142, %dma_start3A_143] : memref<39x128xi32, #tpu.memory_space<vmem>> -> memref<1x128xi32, #tpu.memory_space<vmem>>
    %dma_start3A_145 = tpu.memref_squeeze %dma_start3A_144 : memref<1x128xi32, #tpu.memory_space<vmem>> -> memref<128xi32, #tpu.memory_space<vmem>>
    %dma_start3A_146 = arith.constant 0 : i32
    %dma_start3A_147 = arith.constant 0 : i32
    %dma_start3A_148 = tpu.memref_slice %arg2[%dma_start3A_146, %dma_start3A_147] : memref<10000x128xf32, #tpu.memory_space<hbm>> -> memref<10000x128xf32, #tpu.memory_space<hbm>>
    tpu.enqueue_indirect_dma source(%dma_start3A_148 : memref<10000x128xf32, #tpu.memory_space<hbm>>) target(%arg11 : memref<128x128xf32, #tpu.memory_space<vmem>>) offsets(%dma_start3A_145 : memref<128xi32, #tpu.memory_space<vmem>>) semaphore(%arg14 : memref<!tpu.dma_semaphore, #tpu.memory_space<semaphore_mem>>)
    %dma_start3A_149 = arith.constant 1 : i32
    %dma_start3A_150 = arith.constant 0 : i32
    %dma_start3A_151 = tpu.memref_slice %arg7[%dma_start3A_149, %dma_start3A_150] : memref<39x128xi32, #tpu.memory_space<vmem>> -> memref<1x128xi32, #tpu.memory_space<vmem>>
    %dma_start3A_152 = tpu.memref_squeeze %dma_start3A_151 : memref<1x128xi32, #tpu.memory_space<vmem>> -> memref<128xi32, #tpu.memory_space<vmem>>
    %dma_start3A_153 = arith.constant 0 : i32
    %dma_start3A_154 = arith.constant 0 : i32
    %dma_start3A_155 = tpu.memref_slice %arg2[%dma_start3A_153, %dma_start3A_154] : memref<10000x128xf32, #tpu.memory_space<hbm>> -> memref<10000x128xf32, #tpu.memory_space<hbm>>
    tpu.enqueue_indirect_dma source(%dma_start3A_155 : memref<10000x128xf32, #tpu.memory_space<hbm>>) target(%arg12 : memref<128x128xf32, #tpu.memory_space<vmem>>) offsets(%dma_start3A_152 : memref<128xi32, #tpu.memory_space<vmem>>) semaphore(%arg15 : memref<!tpu.dma_semaphore, #tpu.memory_space<semaphore_mem>>)
    %scan3A_156 = arith.constant 0 : i32
    %scan3A_157 = arith.constant 18 : i32
    %scan3A_158 = arith.addi %scan3A_156, %scan3A_157 : i32
    %scan3A_159 = arith.constant 1 : i32
    scf.for %scan3A_237 = %scan3A_156 to %scan3A_158 step %scan3A_159  : i32 {
      %mul3A_238 = arith.constant 1 : i32
      %mul3A_239 = arith.muli %scan3A_237, %mul3A_238 : i32
      %add3A_240 = arith.constant 0 : i32
      %add3A_241 = arith.addi %add3A_240, %mul3A_239 : i32
      %mul3A_242 = arith.constant 2 : i32
      %mul3A_243 = arith.muli %mul3A_242, %add3A_241 : i32
      %mul3A_244 = arith.constant 2 : i32
      %mul3A_245 = arith.muli %mul3A_244, %add3A_241 : i32
      %add3A_246 = arith.constant 2 : i32
      %add3A_247 = arith.addi %mul3A_245, %add3A_246 : i32
      %dma_wait3A_248 = arith.constant 0 : i32
      %dma_wait3A_249 = tpu.memref_slice %arg7[%mul3A_243, %dma_wait3A_248] : memref<39x128xi32, #tpu.memory_space<vmem>> -> memref<1x128xi32, #tpu.memory_space<vmem>>
      %dma_wait3A_250 = tpu.memref_squeeze %dma_wait3A_249 : memref<1x128xi32, #tpu.memory_space<vmem>> -> memref<128xi32, #tpu.memory_space<vmem>>
      %dma_wait3A_251 = arith.constant 0 : i32
      %dma_wait3A_252 = arith.constant 0 : i32
      %dma_wait3A_253 = tpu.memref_slice %arg2[%dma_wait3A_251, %dma_wait3A_252] : memref<10000x128xf32, #tpu.memory_space<hbm>> -> memref<10000x128xf32, #tpu.memory_space<hbm>>
      tpu.wait_indirect_dma semaphore(%arg14 : memref<!tpu.dma_semaphore, #tpu.memory_space<semaphore_mem>>) src(%dma_wait3A_253 : memref<10000x128xf32, #tpu.memory_space<hbm>>) dst(%arg11 : memref<128x128xf32, #tpu.memory_space<vmem>>)
      %dma_start3A_254 = arith.constant 0 : i32
      %dma_start3A_255 = tpu.memref_slice %arg8[%mul3A_243, %dma_start3A_254] : memref<39x128xi32, #tpu.memory_space<vmem>> -> memref<1x128xi32, #tpu.memory_space<vmem>>
      %dma_start3A_256 = tpu.memref_squeeze %dma_start3A_255 : memref<1x128xi32, #tpu.memory_space<vmem>> -> memref<128xi32, #tpu.memory_space<vmem>>
      %dma_start3A_257 = arith.constant 0 : i32
      %dma_start3A_258 = arith.constant 0 : i32
      %dma_start3A_259 = tpu.memref_slice %arg13[%dma_start3A_257, %dma_start3A_258] : memref<10240x128xf32, #tpu.memory_space<vmem_shared>> -> memref<10240x128xf32, #tpu.memory_space<vmem_shared>>
      tpu.enqueue_indirect_dma source(%arg11 : memref<128x128xf32, #tpu.memory_space<vmem>>) target(%dma_start3A_259 : memref<10240x128xf32, #tpu.memory_space<vmem_shared>>) offsets(%dma_start3A_256 : memref<128xi32, #tpu.memory_space<vmem>>) semaphore(%arg16 : memref<!tpu.dma_semaphore, #tpu.memory_space<semaphore_mem>>) {add = true}
      %dma_wait3A_260 = arith.constant 0 : i32
      %dma_wait3A_261 = tpu.memref_slice %arg8[%mul3A_243, %dma_wait3A_260] : memref<39x128xi32, #tpu.memory_space<vmem>> -> memref<1x128xi32, #tpu.memory_space<vmem>>
      %dma_wait3A_262 = tpu.memref_squeeze %dma_wait3A_261 : memref<1x128xi32, #tpu.memory_space<vmem>> -> memref<128xi32, #tpu.memory_space<vmem>>
      %dma_wait3A_263 = arith.constant 0 : i32
      %dma_wait3A_264 = arith.constant 0 : i32
      %dma_wait3A_265 = tpu.memref_slice %arg13[%dma_wait3A_263, %dma_wait3A_264] : memref<10240x128xf32, #tpu.memory_space<vmem_shared>> -> memref<10240x128xf32, #tpu.memory_space<vmem_shared>>
      tpu.wait_indirect_dma semaphore(%arg16 : memref<!tpu.dma_semaphore, #tpu.memory_space<semaphore_mem>>) src(%arg11 : memref<128x128xf32, #tpu.memory_space<vmem>>) dst(%dma_wait3A_265 : memref<10240x128xf32, #tpu.memory_space<vmem_shared>>)
      %dma_start3A_266 = arith.constant 0 : i32
      %dma_start3A_267 = tpu.memref_slice %arg7[%add3A_247, %dma_start3A_266] : memref<39x128xi32, #tpu.memory_space<vmem>> -> memref<1x128xi32, #tpu.memory_space<vmem>>
      %dma_start3A_268 = tpu.memref_squeeze %dma_start3A_267 : memref<1x128xi32, #tpu.memory_space<vmem>> -> memref<128xi32, #tpu.memory_space<vmem>>
      %dma_start3A_269 = arith.constant 0 : i32
      %dma_start3A_270 = arith.constant 0 : i32
      %dma_start3A_271 = tpu.memref_slice %arg2[%dma_start3A_269, %dma_start3A_270] : memref<10000x128xf32, #tpu.memory_space<hbm>> -> memref<10000x128xf32, #tpu.memory_space<hbm>>
      tpu.enqueue_indirect_dma source(%dma_start3A_271 : memref<10000x128xf32, #tpu.memory_space<hbm>>) target(%arg11 : memref<128x128xf32, #tpu.memory_space<vmem>>) offsets(%dma_start3A_268 : memref<128xi32, #tpu.memory_space<vmem>>) semaphore(%arg14 : memref<!tpu.dma_semaphore, #tpu.memory_space<semaphore_mem>>)
      %mul3A_272 = arith.constant 2 : i32
      %mul3A_273 = arith.muli %mul3A_272, %add3A_241 : i32
      %add3A_274 = arith.constant 1 : i32
      %add3A_275 = arith.addi %mul3A_273, %add3A_274 : i32
      %mul3A_276 = arith.constant 2 : i32
      %mul3A_277 = arith.muli %mul3A_276, %add3A_241 : i32
      %add3A_278 = arith.constant 3 : i32
      %add3A_279 = arith.addi %mul3A_277, %add3A_278 : i32
      %dma_wait3A_280 = arith.constant 0 : i32
      %dma_wait3A_281 = tpu.memref_slice %arg7[%add3A_275, %dma_wait3A_280] : memref<39x128xi32, #tpu.memory_space<vmem>> -> memref<1x128xi32, #tpu.memory_space<vmem>>
      %dma_wait3A_282 = tpu.memref_squeeze %dma_wait3A_281 : memref<1x128xi32, #tpu.memory_space<vmem>> -> memref<128xi32, #tpu.memory_space<vmem>>
      %dma_wait3A_283 = arith.constant 0 : i32
      %dma_wait3A_284 = arith.constant 0 : i32
      %dma_wait3A_285 = tpu.memref_slice %arg2[%dma_wait3A_283, %dma_wait3A_284] : memref<10000x128xf32, #tpu.memory_space<hbm>> -> memref<10000x128xf32, #tpu.memory_space<hbm>>
      tpu.wait_indirect_dma semaphore(%arg15 : memref<!tpu.dma_semaphore, #tpu.memory_space<semaphore_mem>>) src(%dma_wait3A_285 : memref<10000x128xf32, #tpu.memory_space<hbm>>) dst(%arg12 : memref<128x128xf32, #tpu.memory_space<vmem>>)
      %dma_start3A_286 = arith.constant 0 : i32
      %dma_start3A_287 = tpu.memref_slice %arg8[%add3A_275, %dma_start3A_286] : memref<39x128xi32, #tpu.memory_space<vmem>> -> memref<1x128xi32, #tpu.memory_space<vmem>>
      %dma_start3A_288 = tpu.memref_squeeze %dma_start3A_287 : memref<1x128xi32, #tpu.memory_space<vmem>> -> memref<128xi32, #tpu.memory_space<vmem>>
      %dma_start3A_289 = arith.constant 0 : i32
      %dma_start3A_290 = arith.constant 0 : i32
      %dma_start3A_291 = tpu.memref_slice %arg13[%dma_start3A_289, %dma_start3A_290] : memref<10240x128xf32, #tpu.memory_space<vmem_shared>> -> memref<10240x128xf32, #tpu.memory_space<vmem_shared>>
      tpu.enqueue_indirect_dma source(%arg12 : memref<128x128xf32, #tpu.memory_space<vmem>>) target(%dma_start3A_291 : memref<10240x128xf32, #tpu.memory_space<vmem_shared>>) offsets(%dma_start3A_288 : memref<128xi32, #tpu.memory_space<vmem>>) semaphore(%arg17 : memref<!tpu.dma_semaphore, #tpu.memory_space<semaphore_mem>>) {add = true}
      %dma_wait3A_292 = arith.constant 0 : i32
      %dma_wait3A_293 = tpu.memref_slice %arg8[%add3A_275, %dma_wait3A_292] : memref<39x128xi32, #tpu.memory_space<vmem>> -> memref<1x128xi32, #tpu.memory_space<vmem>>
      %dma_wait3A_294 = tpu.memref_squeeze %dma_wait3A_293 : memref<1x128xi32, #tpu.memory_space<vmem>> -> memref<128xi32, #tpu.memory_space<vmem>>
      %dma_wait3A_295 = arith.constant 0 : i32
      %dma_wait3A_296 = arith.constant 0 : i32
      %dma_wait3A_297 = tpu.memref_slice %arg13[%dma_wait3A_295, %dma_wait3A_296] : memref<10240x128xf32, #tpu.memory_space<vmem_shared>> -> memref<10240x128xf32, #tpu.memory_space<vmem_shared>>
      tpu.wait_indirect_dma semaphore(%arg17 : memref<!tpu.dma_semaphore, #tpu.memory_space<semaphore_mem>>) src(%arg12 : memref<128x128xf32, #tpu.memory_space<vmem>>) dst(%dma_wait3A_297 : memref<10240x128xf32, #tpu.memory_space<vmem_shared>>)
      %dma_start3A_298 = arith.constant 0 : i32
      %dma_start3A_299 = tpu.memref_slice %arg7[%add3A_279, %dma_start3A_298] : memref<39x128xi32, #tpu.memory_space<vmem>> -> memref<1x128xi32, #tpu.memory_space<vmem>>
      %dma_start3A_300 = tpu.memref_squeeze %dma_start3A_299 : memref<1x128xi32, #tpu.memory_space<vmem>> -> memref<128xi32, #tpu.memory_space<vmem>>
      %dma_start3A_301 = arith.constant 0 : i32
      %dma_start3A_302 = arith.constant 0 : i32
      %dma_start3A_303 = tpu.memref_slice %arg2[%dma_start3A_301, %dma_start3A_302] : memref<10000x128xf32, #tpu.memory_space<hbm>> -> memref<10000x128xf32, #tpu.memory_space<hbm>>
      tpu.enqueue_indirect_dma source(%dma_start3A_303 : memref<10000x128xf32, #tpu.memory_space<hbm>>) target(%arg12 : memref<128x128xf32, #tpu.memory_space<vmem>>) offsets(%dma_start3A_300 : memref<128xi32, #tpu.memory_space<vmem>>) semaphore(%arg15 : memref<!tpu.dma_semaphore, #tpu.memory_space<semaphore_mem>>)
    }
    %scan3A_160 = arith.constant 18 : i32
    %dma_wait3A_161 = arith.constant 36 : i32
    %dma_wait3A_162 = arith.constant 0 : i32
    %dma_wait3A_163 = tpu.memref_slice %arg7[%dma_wait3A_161, %dma_wait3A_162] : memref<39x128xi32, #tpu.memory_space<vmem>> -> memref<1x128xi32, #tpu.memory_space<vmem>>
    %dma_wait3A_164 = tpu.memref_squeeze %dma_wait3A_163 : memref<1x128xi32, #tpu.memory_space<vmem>> -> memref<128xi32, #tpu.memory_space<vmem>>
    %dma_wait3A_165 = arith.constant 0 : i32
    %dma_wait3A_166 = arith.constant 0 : i32
    %dma_wait3A_167 = tpu.memref_slice %arg2[%dma_wait3A_165, %dma_wait3A_166] : memref<10000x128xf32, #tpu.memory_space<hbm>> -> memref<10000x128xf32, #tpu.memory_space<hbm>>
    tpu.wait_indirect_dma semaphore(%arg14 : memref<!tpu.dma_semaphore, #tpu.memory_space<semaphore_mem>>) src(%dma_wait3A_167 : memref<10000x128xf32, #tpu.memory_space<hbm>>) dst(%arg11 : memref<128x128xf32, #tpu.memory_space<vmem>>)
    %dma_start3A_168 = arith.constant 36 : i32
    %dma_start3A_169 = arith.constant 0 : i32
    %dma_start3A_170 = tpu.memref_slice %arg8[%dma_start3A_168, %dma_start3A_169] : memref<39x128xi32, #tpu.memory_space<vmem>> -> memref<1x128xi32, #tpu.memory_space<vmem>>
    %dma_start3A_171 = tpu.memref_squeeze %dma_start3A_170 : memref<1x128xi32, #tpu.memory_space<vmem>> -> memref<128xi32, #tpu.memory_space<vmem>>
    %dma_start3A_172 = arith.constant 0 : i32
    %dma_start3A_173 = arith.constant 0 : i32
    %dma_start3A_174 = tpu.memref_slice %arg13[%dma_start3A_172, %dma_start3A_173] : memref<10240x128xf32, #tpu.memory_space<vmem_shared>> -> memref<10240x128xf32, #tpu.memory_space<vmem_shared>>
    tpu.enqueue_indirect_dma source(%arg11 : memref<128x128xf32, #tpu.memory_space<vmem>>) target(%dma_start3A_174 : memref<10240x128xf32, #tpu.memory_space<vmem_shared>>) offsets(%dma_start3A_171 : memref<128xi32, #tpu.memory_space<vmem>>) semaphore(%arg16 : memref<!tpu.dma_semaphore, #tpu.memory_space<semaphore_mem>>) {add = true}
    %dma_wait3A_175 = arith.constant 36 : i32
    %dma_wait3A_176 = arith.constant 0 : i32
    %dma_wait3A_177 = tpu.memref_slice %arg8[%dma_wait3A_175, %dma_wait3A_176] : memref<39x128xi32, #tpu.memory_space<vmem>> -> memref<1x128xi32, #tpu.memory_space<vmem>>
    %dma_wait3A_178 = tpu.memref_squeeze %dma_wait3A_177 : memref<1x128xi32, #tpu.memory_space<vmem>> -> memref<128xi32, #tpu.memory_space<vmem>>
    %dma_wait3A_179 = arith.constant 0 : i32
    %dma_wait3A_180 = arith.constant 0 : i32
    %dma_wait3A_181 = tpu.memref_slice %arg13[%dma_wait3A_179, %dma_wait3A_180] : memref<10240x128xf32, #tpu.memory_space<vmem_shared>> -> memref<10240x128xf32, #tpu.memory_space<vmem_shared>>
    tpu.wait_indirect_dma semaphore(%arg16 : memref<!tpu.dma_semaphore, #tpu.memory_space<semaphore_mem>>) src(%arg11 : memref<128x128xf32, #tpu.memory_space<vmem>>) dst(%dma_wait3A_181 : memref<10240x128xf32, #tpu.memory_space<vmem_shared>>)
    %dma_start3A_182 = arith.constant 38 : i32
    %dma_start3A_183 = arith.constant 0 : i32
    %dma_start3A_184 = tpu.memref_slice %arg7[%dma_start3A_182, %dma_start3A_183] : memref<39x128xi32, #tpu.memory_space<vmem>> -> memref<1x128xi32, #tpu.memory_space<vmem>>
    %dma_start3A_185 = tpu.memref_squeeze %dma_start3A_184 : memref<1x128xi32, #tpu.memory_space<vmem>> -> memref<128xi32, #tpu.memory_space<vmem>>
    %dma_start3A_186 = arith.constant 0 : i32
    %dma_start3A_187 = arith.constant 0 : i32
    %dma_start3A_188 = tpu.memref_slice %arg2[%dma_start3A_186, %dma_start3A_187] : memref<10000x128xf32, #tpu.memory_space<hbm>> -> memref<10000x128xf32, #tpu.memory_space<hbm>>
    tpu.enqueue_indirect_dma source(%dma_start3A_188 : memref<10000x128xf32, #tpu.memory_space<hbm>>) target(%arg11 : memref<128x128xf32, #tpu.memory_space<vmem>>) offsets(%dma_start3A_185 : memref<128xi32, #tpu.memory_space<vmem>>) semaphore(%arg14 : memref<!tpu.dma_semaphore, #tpu.memory_space<semaphore_mem>>)
    %dma_wait3A_189 = arith.constant 37 : i32
    %dma_wait3A_190 = arith.constant 0 : i32
    %dma_wait3A_191 = tpu.memref_slice %arg7[%dma_wait3A_189, %dma_wait3A_190] : memref<39x128xi32, #tpu.memory_space<vmem>> -> memref<1x128xi32, #tpu.memory_space<vmem>>
    %dma_wait3A_192 = tpu.memref_squeeze %dma_wait3A_191 : memref<1x128xi32, #tpu.memory_space<vmem>> -> memref<128xi32, #tpu.memory_space<vmem>>
    %dma_wait3A_193 = arith.constant 0 : i32
    %dma_wait3A_194 = arith.constant 0 : i32
    %dma_wait3A_195 = tpu.memref_slice %arg2[%dma_wait3A_193, %dma_wait3A_194] : memref<10000x128xf32, #tpu.memory_space<hbm>> -> memref<10000x128xf32, #tpu.memory_space<hbm>>
    tpu.wait_indirect_dma semaphore(%arg15 : memref<!tpu.dma_semaphore, #tpu.memory_space<semaphore_mem>>) src(%dma_wait3A_195 : memref<10000x128xf32, #tpu.memory_space<hbm>>) dst(%arg12 : memref<128x128xf32, #tpu.memory_space<vmem>>)
    %dma_start3A_196 = arith.constant 37 : i32
    %dma_start3A_197 = arith.constant 0 : i32
    %dma_start3A_198 = tpu.memref_slice %arg8[%dma_start3A_196, %dma_start3A_197] : memref<39x128xi32, #tpu.memory_space<vmem>> -> memref<1x128xi32, #tpu.memory_space<vmem>>
    %dma_start3A_199 = tpu.memref_squeeze %dma_start3A_198 : memref<1x128xi32, #tpu.memory_space<vmem>> -> memref<128xi32, #tpu.memory_space<vmem>>
    %dma_start3A_200 = arith.constant 0 : i32
    %dma_start3A_201 = arith.constant 0 : i32
    %dma_start3A_202 = tpu.memref_slice %arg13[%dma_start3A_200, %dma_start3A_201] : memref<10240x128xf32, #tpu.memory_space<vmem_shared>> -> memref<10240x128xf32, #tpu.memory_space<vmem_shared>>
    tpu.enqueue_indirect_dma source(%arg12 : memref<128x128xf32, #tpu.memory_space<vmem>>) target(%dma_start3A_202 : memref<10240x128xf32, #tpu.memory_space<vmem_shared>>) offsets(%dma_start3A_199 : memref<128xi32, #tpu.memory_space<vmem>>) semaphore(%arg17 : memref<!tpu.dma_semaphore, #tpu.memory_space<semaphore_mem>>) {add = true}
    %dma_wait3A_203 = arith.constant 37 : i32
    %dma_wait3A_204 = arith.constant 0 : i32
    %dma_wait3A_205 = tpu.memref_slice %arg8[%dma_wait3A_203, %dma_wait3A_204] : memref<39x128xi32, #tpu.memory_space<vmem>> -> memref<1x128xi32, #tpu.memory_space<vmem>>
    %dma_wait3A_206 = tpu.memref_squeeze %dma_wait3A_205 : memref<1x128xi32, #tpu.memory_space<vmem>> -> memref<128xi32, #tpu.memory_space<vmem>>
    %dma_wait3A_207 = arith.constant 0 : i32
    %dma_wait3A_208 = arith.constant 0 : i32
    %dma_wait3A_209 = tpu.memref_slice %arg13[%dma_wait3A_207, %dma_wait3A_208] : memref<10240x128xf32, #tpu.memory_space<vmem_shared>> -> memref<10240x128xf32, #tpu.memory_space<vmem_shared>>
    tpu.wait_indirect_dma semaphore(%arg17 : memref<!tpu.dma_semaphore, #tpu.memory_space<semaphore_mem>>) src(%arg12 : memref<128x128xf32, #tpu.memory_space<vmem>>) dst(%dma_wait3A_209 : memref<10240x128xf32, #tpu.memory_space<vmem_shared>>)
    %dma_wait3A_210 = arith.constant 38 : i32
    %dma_wait3A_211 = arith.constant 0 : i32
    %dma_wait3A_212 = tpu.memref_slice %arg7[%dma_wait3A_210, %dma_wait3A_211] : memref<39x128xi32, #tpu.memory_space<vmem>> -> memref<1x128xi32, #tpu.memory_space<vmem>>
    %dma_wait3A_213 = tpu.memref_squeeze %dma_wait3A_212 : memref<1x128xi32, #tpu.memory_space<vmem>> -> memref<128xi32, #tpu.memory_space<vmem>>
    %dma_wait3A_214 = arith.constant 0 : i32
    %dma_wait3A_215 = arith.constant 0 : i32
    %dma_wait3A_216 = tpu.memref_slice %arg2[%dma_wait3A_214, %dma_wait3A_215] : memref<10000x128xf32, #tpu.memory_space<hbm>> -> memref<10000x128xf32, #tpu.memory_space<hbm>>
    tpu.wait_indirect_dma semaphore(%arg14 : memref<!tpu.dma_semaphore, #tpu.memory_space<semaphore_mem>>) src(%dma_wait3A_216 : memref<10000x128xf32, #tpu.memory_space<hbm>>) dst(%arg11 : memref<128x128xf32, #tpu.memory_space<vmem>>)
    %dma_start3A_217 = arith.constant 38 : i32
    %dma_start3A_218 = arith.constant 0 : i32
    %dma_start3A_219 = tpu.memref_slice %arg8[%dma_start3A_217, %dma_start3A_218] : memref<39x128xi32, #tpu.memory_space<vmem>> -> memref<1x128xi32, #tpu.memory_space<vmem>>
    %dma_start3A_220 = tpu.memref_squeeze %dma_start3A_219 : memref<1x128xi32, #tpu.memory_space<vmem>> -> memref<128xi32, #tpu.memory_space<vmem>>
    %dma_start3A_221 = arith.constant 0 : i32
    %dma_start3A_222 = arith.constant 0 : i32
    %dma_start3A_223 = tpu.memref_slice %arg13[%dma_start3A_221, %dma_start3A_222] : memref<10240x128xf32, #tpu.memory_space<vmem_shared>> -> memref<10240x128xf32, #tpu.memory_space<vmem_shared>>
    tpu.enqueue_indirect_dma source(%arg11 : memref<128x128xf32, #tpu.memory_space<vmem>>) target(%dma_start3A_223 : memref<10240x128xf32, #tpu.memory_space<vmem_shared>>) offsets(%dma_start3A_220 : memref<128xi32, #tpu.memory_space<vmem>>) semaphore(%arg16 : memref<!tpu.dma_semaphore, #tpu.memory_space<semaphore_mem>>) {add = true}
    %dma_wait3A_224 = arith.constant 38 : i32
    %dma_wait3A_225 = arith.constant 0 : i32
    %dma_wait3A_226 = tpu.memref_slice %arg8[%dma_wait3A_224, %dma_wait3A_225] : memref<39x128xi32, #tpu.memory_space<vmem>> -> memref<1x128xi32, #tpu.memory_space<vmem>>
    %dma_wait3A_227 = tpu.memref_squeeze %dma_wait3A_226 : memref<1x128xi32, #tpu.memory_space<vmem>> -> memref<128xi32, #tpu.memory_space<vmem>>
    %dma_wait3A_228 = arith.constant 0 : i32
    %dma_wait3A_229 = arith.constant 0 : i32
    %dma_wait3A_230 = tpu.memref_slice %arg13[%dma_wait3A_228, %dma_wait3A_229] : memref<10240x128xf32, #tpu.memory_space<vmem_shared>> -> memref<10240x128xf32, #tpu.memory_space<vmem_shared>>
    tpu.wait_indirect_dma semaphore(%arg16 : memref<!tpu.dma_semaphore, #tpu.memory_space<semaphore_mem>>) src(%arg11 : memref<128x128xf32, #tpu.memory_space<vmem>>) dst(%dma_wait3A_230 : memref<10240x128xf32, #tpu.memory_space<vmem_shared>>)
    %convert_element_type3A = arith.extui %lt3A_5 : i1 to i32
    %cond3A = arith.constant 0 : i32
    %cond3A_231 = arith.cmpi ne, %convert_element_type3A, %cond3A : i32
    scf.if %cond3A_231 {
      %add3A_237 = arith.constant 78 : i32
      %add3A_238 = arith.addi %add3A_4, %add3A_237 : i32
      "tpu.region"() ({
        %run_scoped3A = tpu.sem_alloc : memref<!tpu.dma_semaphore, #tpu.memory_space<semaphore_mem>>
        %dma_start3A_267 = arith.constant 0 : i32
        %dma_start3A_268 = tpu.memref_slice %arg3[%add3A_238, %dma_start3A_267] : memref<2500x128xi32, #tpu.memory_space<hbm>> -> memref<1x128xi32, #tpu.memory_space<hbm>>
        %dma_start3A_269 = arith.constant 0 : i32
        %dma_start3A_270 = tpu.memref_slice %arg3[%add3A_238, %dma_start3A_269] : memref<2500x128xi32, #tpu.memory_space<hbm>> -> memref<1x128xi32, #tpu.memory_space<hbm>>
        tpu.enqueue_dma source(%dma_start3A_270 : memref<1x128xi32, #tpu.memory_space<hbm>>) target(%arg9 : memref<1x128xi32, #tpu.memory_space<vmem>>) target_semaphore(%run_scoped3A : memref<!tpu.dma_semaphore, #tpu.memory_space<semaphore_mem>>)
        %dma_wait3A_271 = arith.constant 0 : i32
        %dma_wait3A_272 = tpu.memref_slice %arg3[%add3A_238, %dma_wait3A_271] : memref<2500x128xi32, #tpu.memory_space<hbm>> -> memref<1x128xi32, #tpu.memory_space<hbm>>
        %dma_wait3A_273 = arith.constant 0 : i32
        %dma_wait3A_274 = tpu.memref_slice %arg3[%add3A_238, %dma_wait3A_273] : memref<2500x128xi32, #tpu.memory_space<hbm>> -> memref<1x128xi32, #tpu.memory_space<hbm>>
        tpu.wait_dma2 semaphore(%run_scoped3A : memref<!tpu.dma_semaphore, #tpu.memory_space<semaphore_mem>>) src(%dma_wait3A_274 : memref<1x128xi32, #tpu.memory_space<hbm>>) dst(%arg9 : memref<1x128xi32, #tpu.memory_space<vmem>>)
        tpu.yield
      }) : () -> ()
      "tpu.region"() ({
        %run_scoped3A = tpu.sem_alloc : memref<!tpu.dma_semaphore, #tpu.memory_space<semaphore_mem>>
        %dma_start3A_267 = arith.constant 0 : i32
        %dma_start3A_268 = tpu.memref_slice %arg4[%add3A_238, %dma_start3A_267] : memref<2500x128xi32, #tpu.memory_space<hbm>> -> memref<1x128xi32, #tpu.memory_space<hbm>>
        %dma_start3A_269 = arith.constant 0 : i32
        %dma_start3A_270 = tpu.memref_slice %arg4[%add3A_238, %dma_start3A_269] : memref<2500x128xi32, #tpu.memory_space<hbm>> -> memref<1x128xi32, #tpu.memory_space<hbm>>
        tpu.enqueue_dma source(%dma_start3A_270 : memref<1x128xi32, #tpu.memory_space<hbm>>) target(%arg10 : memref<1x128xi32, #tpu.memory_space<vmem>>) target_semaphore(%run_scoped3A : memref<!tpu.dma_semaphore, #tpu.memory_space<semaphore_mem>>)
        %dma_wait3A_271 = arith.constant 0 : i32
        %dma_wait3A_272 = tpu.memref_slice %arg4[%add3A_238, %dma_wait3A_271] : memref<2500x128xi32, #tpu.memory_space<hbm>> -> memref<1x128xi32, #tpu.memory_space<hbm>>
        %dma_wait3A_273 = arith.constant 0 : i32
        %dma_wait3A_274 = tpu.memref_slice %arg4[%add3A_238, %dma_wait3A_273] : memref<2500x128xi32, #tpu.memory_space<hbm>> -> memref<1x128xi32, #tpu.memory_space<hbm>>
        tpu.wait_dma2 semaphore(%run_scoped3A : memref<!tpu.dma_semaphore, #tpu.memory_space<semaphore_mem>>) src(%dma_wait3A_274 : memref<1x128xi32, #tpu.memory_space<hbm>>) dst(%arg10 : memref<1x128xi32, #tpu.memory_space<vmem>>)
        tpu.yield
      }) : () -> ()
      %dma_start3A_239 = arith.constant 0 : i32
      %dma_start3A_240 = arith.constant 0 : i32
      %dma_start3A_241 = tpu.memref_slice %arg9[%dma_start3A_239, %dma_start3A_240] : memref<1x128xi32, #tpu.memory_space<vmem>> -> memref<1x128xi32, #tpu.memory_space<vmem>>
      %dma_start3A_242 = tpu.memref_squeeze %dma_start3A_241 : memref<1x128xi32, #tpu.memory_space<vmem>> -> memref<128xi32, #tpu.memory_space<vmem>>
      %dma_start3A_243 = arith.constant 0 : i32
      %dma_start3A_244 = arith.constant 0 : i32
      %dma_start3A_245 = tpu.memref_slice %arg2[%dma_start3A_243, %dma_start3A_244] : memref<10000x128xf32, #tpu.memory_space<hbm>> -> memref<10000x128xf32, #tpu.memory_space<hbm>>
      tpu.enqueue_indirect_dma source(%dma_start3A_245 : memref<10000x128xf32, #tpu.memory_space<hbm>>) target(%arg11 : memref<128x128xf32, #tpu.memory_space<vmem>>) offsets(%dma_start3A_242 : memref<128xi32, #tpu.memory_space<vmem>>) semaphore(%arg14 : memref<!tpu.dma_semaphore, #tpu.memory_space<semaphore_mem>>)
      %dma_wait3A_246 = arith.constant 0 : i32
      %dma_wait3A_247 = arith.constant 0 : i32
      %dma_wait3A_248 = tpu.memref_slice %arg9[%dma_wait3A_246, %dma_wait3A_247] : memref<1x128xi32, #tpu.memory_space<vmem>> -> memref<1x128xi32, #tpu.memory_space<vmem>>
      %dma_wait3A_249 = tpu.memref_squeeze %dma_wait3A_248 : memref<1x128xi32, #tpu.memory_space<vmem>> -> memref<128xi32, #tpu.memory_space<vmem>>
      %dma_wait3A_250 = arith.constant 0 : i32
      %dma_wait3A_251 = arith.constant 0 : i32
      %dma_wait3A_252 = tpu.memref_slice %arg2[%dma_wait3A_250, %dma_wait3A_251] : memref<10000x128xf32, #tpu.memory_space<hbm>> -> memref<10000x128xf32, #tpu.memory_space<hbm>>
      tpu.wait_indirect_dma semaphore(%arg14 : memref<!tpu.dma_semaphore, #tpu.memory_space<semaphore_mem>>) src(%dma_wait3A_252 : memref<10000x128xf32, #tpu.memory_space<hbm>>) dst(%arg11 : memref<128x128xf32, #tpu.memory_space<vmem>>)
      %dma_start3A_253 = arith.constant 0 : i32
      %dma_start3A_254 = arith.constant 0 : i32
      %dma_start3A_255 = tpu.memref_slice %arg10[%dma_start3A_253, %dma_start3A_254] : memref<1x128xi32, #tpu.memory_space<vmem>> -> memref<1x128xi32, #tpu.memory_space<vmem>>
      %dma_start3A_256 = tpu.memref_squeeze %dma_start3A_255 : memref<1x128xi32, #tpu.memory_space<vmem>> -> memref<128xi32, #tpu.memory_space<vmem>>
      %dma_start3A_257 = arith.constant 0 : i32
      %dma_start3A_258 = arith.constant 0 : i32
      %dma_start3A_259 = tpu.memref_slice %arg13[%dma_start3A_257, %dma_start3A_258] : memref<10240x128xf32, #tpu.memory_space<vmem_shared>> -> memref<10240x128xf32, #tpu.memory_space<vmem_shared>>
      tpu.enqueue_indirect_dma source(%arg11 : memref<128x128xf32, #tpu.memory_space<vmem>>) target(%dma_start3A_259 : memref<10240x128xf32, #tpu.memory_space<vmem_shared>>) offsets(%dma_start3A_256 : memref<128xi32, #tpu.memory_space<vmem>>) semaphore(%arg16 : memref<!tpu.dma_semaphore, #tpu.memory_space<semaphore_mem>>) {add = true}
      %dma_wait3A_260 = arith.constant 0 : i32
      %dma_wait3A_261 = arith.constant 0 : i32
      %dma_wait3A_262 = tpu.memref_slice %arg10[%dma_wait3A_260, %dma_wait3A_261] : memref<1x128xi32, #tpu.memory_space<vmem>> -> memref<1x128xi32, #tpu.memory_space<vmem>>
      %dma_wait3A_263 = tpu.memref_squeeze %dma_wait3A_262 : memref<1x128xi32, #tpu.memory_space<vmem>> -> memref<128xi32, #tpu.memory_space<vmem>>
      %dma_wait3A_264 = arith.constant 0 : i32
      %dma_wait3A_265 = arith.constant 0 : i32
      %dma_wait3A_266 = tpu.memref_slice %arg13[%dma_wait3A_264, %dma_wait3A_265] : memref<10240x128xf32, #tpu.memory_space<vmem_shared>> -> memref<10240x128xf32, #tpu.memory_space<vmem_shared>>
      tpu.wait_indirect_dma semaphore(%arg16 : memref<!tpu.dma_semaphore, #tpu.memory_space<semaphore_mem>>) src(%arg11 : memref<128x128xf32, #tpu.memory_space<vmem>>) dst(%dma_wait3A_266 : memref<10240x128xf32, #tpu.memory_space<vmem_shared>>)
    } else {
    }
    %barrier3A_232 = arith.constant 0 : index
    tpu.barrier barrier_id(%barrier3A_232)
    %mul3A_233 = arith.constant 640 : i32
    %mul3A_234 = arith.muli %arg1, %mul3A_233 : i32
    %mul3A_235 = arith.constant 640 : i32
    %mul3A_236 = arith.muli %arg1, %mul3A_235 : i32
    "tpu.region"() ({
      %run_scoped3A = tpu.sem_alloc : memref<!tpu.dma_semaphore, #tpu.memory_space<semaphore_mem>>
      %dma_start3A_237 = arith.constant 0 : i32
      %dma_start3A_238 = tpu.memref_slice %arg6[%arg0, %mul3A_236, %dma_start3A_237] : memref<2x10240x128xf32, #tpu.memory_space<hbm>> -> memref<1x640x128xf32, #tpu.memory_space<hbm>>
      %dma_start3A_239 = tpu.memref_squeeze %dma_start3A_238 : memref<1x640x128xf32, #tpu.memory_space<hbm>> -> memref<640x128xf32, #tpu.memory_space<hbm>>
      %dma_start3A_240 = arith.constant 0 : i32
      %dma_start3A_241 = tpu.memref_slice %arg13[%mul3A_234, %dma_start3A_240] : memref<10240x128xf32, #tpu.memory_space<vmem_shared>> -> memref<640x128xf32, #tpu.memory_space<vmem_shared>>
      tpu.enqueue_dma source(%dma_start3A_241 : memref<640x128xf32, #tpu.memory_space<vmem_shared>>) target(%dma_start3A_239 : memref<640x128xf32, #tpu.memory_space<hbm>>) target_semaphore(%run_scoped3A : memref<!tpu.dma_semaphore, #tpu.memory_space<semaphore_mem>>)
      %dma_wait3A_242 = arith.constant 0 : i32
      %dma_wait3A_243 = tpu.memref_slice %arg6[%arg0, %mul3A_236, %dma_wait3A_242] : memref<2x10240x128xf32, #tpu.memory_space<hbm>> -> memref<1x640x128xf32, #tpu.memory_space<hbm>>
      %dma_wait3A_244 = tpu.memref_squeeze %dma_wait3A_243 : memref<1x640x128xf32, #tpu.memory_space<hbm>> -> memref<640x128xf32, #tpu.memory_space<hbm>>
      %dma_wait3A_245 = arith.constant 0 : i32
      %dma_wait3A_246 = tpu.memref_slice %arg13[%mul3A_234, %dma_wait3A_245] : memref<10240x128xf32, #tpu.memory_space<vmem_shared>> -> memref<640x128xf32, #tpu.memory_space<vmem_shared>>
      tpu.wait_dma2 semaphore(%run_scoped3A : memref<!tpu.dma_semaphore, #tpu.memory_space<semaphore_mem>>) src(%dma_wait3A_246 : memref<640x128xf32, #tpu.memory_space<vmem_shared>>) dst(%dma_wait3A_244 : memref<640x128xf32, #tpu.memory_space<hbm>>)
      tpu.yield
    }) : () -> ()
    return
  }
}

module attributes {stable_mosaic.version = 14 : i64} {
  func.func @_edges_body(%arg0: memref<2x320000xi32, #tpu.memory_space<vmem>>, %arg1: memref<2500x128xi32, #tpu.memory_space<vmem>>, %arg2: memref<2500x128xi32, #tpu.memory_space<vmem>>) attributes {dimension_semantics = [], scalar_prefetch = 0 : i64, scratch_operands = 0 : i64, tpu.core_type = #tpu.core_type<tc>} {
    %get3A = arith.constant 0 : index
    %get3A_0 = arith.constant 0 : index
    %get3A_1 = vector.load %arg0[%get3A, %get3A_0] : memref<2x320000xi32, #tpu.memory_space<vmem>>, vector<1x320000xi32>
    %get3A_2 = vector.shape_cast %get3A_1 : vector<1x320000xi32> to vector<320000xi32>
    %reshape3A = vector.shape_cast %get3A_2 : vector<320000xi32> to vector<2500x128xi32>
    %swap3A = arith.constant 0 : index
    %swap3A_3 = arith.constant 0 : index
    %swap3A_4 = vector.load %arg1[%swap3A, %swap3A_3] : memref<2500x128xi32, #tpu.memory_space<vmem>>, vector<2500x128xi32>
    tpu.vector_store %arg1[%swap3A, %swap3A_3], %reshape3A {strides = array<i32>} : memref<2500x128xi32, #tpu.memory_space<vmem>>, vector<2500x128xi32>,
    %get3A_5 = arith.constant 1 : index
    %get3A_6 = arith.constant 0 : index
    %get3A_7 = vector.load %arg0[%get3A_5, %get3A_6] : memref<2x320000xi32, #tpu.memory_space<vmem>>, vector<1x320000xi32>
    %get3A_8 = vector.shape_cast %get3A_7 : vector<1x320000xi32> to vector<320000xi32>
    %reshape3A_9 = vector.shape_cast %get3A_8 : vector<320000xi32> to vector<2500x128xi32>
    %swap3A_10 = arith.constant 0 : index
    %swap3A_11 = arith.constant 0 : index
    %swap3A_12 = vector.load %arg2[%swap3A_10, %swap3A_11] : memref<2500x128xi32, #tpu.memory_space<vmem>>, vector<2500x128xi32>
    tpu.vector_store %arg2[%swap3A_10, %swap3A_11], %reshape3A_9 {strides = array<i32>} : memref<2500x128xi32, #tpu.memory_space<vmem>>, vector<2500x128xi32>,
    return
  }
}

module attributes {stable_mosaic.version = 14 : i64} {
  func.func @_tc1_body(%arg0: i32, %arg1: memref<5000x128xf32, #tpu.memory_space<vmem>>, %arg2: memref<128x128xf32, #tpu.memory_space<vmem>>, %arg3: memref<5000x64xf32, #tpu.memory_space<vmem>>, %arg4: memref<5000x64xf32, #tpu.memory_space<vmem>>) attributes {dimension_semantics = [#tpu.dimension_semantics<arbitrary>], iteration_bounds = array<i64: 2>, scalar_prefetch = 0 : i64, scratch_operands = 0 : i64, tpu.core_type = #tpu.core_type<tc>, window_params = [{transform_indices = @transform_0, window_bounds = array<i64: 5000, 128>}, {pipeline_mode = #tpu.pipeline_mode<synchronous>, transform_indices = @transform_1, window_bounds = array<i64: 128, 128>}, {transform_indices = @transform_2, window_bounds = array<i64: 5000, 64>}, {transform_indices = @transform_3, window_bounds = array<i64: 5000, 64>}]} {
    %get3A = arith.constant 0 : index
    %get3A_0 = arith.constant 0 : index
    %get3A_1 = vector.load %arg1[%get3A, %get3A_0] : memref<5000x128xf32, #tpu.memory_space<vmem>>, vector<5000x128xf32>
    %get3A_2 = arith.constant 0 : index
    %get3A_3 = arith.constant 0 : index
    %get3A_4 = vector.load %arg2[%get3A_2, %get3A_3] : memref<128x128xf32, #tpu.memory_space<vmem>>, vector<128x128xf32>
    %dot_general3A = arith.constant dense<0.000000e+00> : vector<5000x128xf32>
    %dot_general3A_5 = tpu.matmul %get3A_1, %get3A_4, %dot_general3A {dimension_numbers = #tpu.dot_dimension_numbers<[1], [0], [0], [1], [0, 0, 1, 1], [], []>, transpose_lhs_hint = false} : vector<5000x128xf32>, vector<128x128xf32>, vector<5000x128xf32> -> vector<5000x128xf32>
    %slice3A = vector.extract_strided_slice %dot_general3A_5 {offsets = [0, 0], sizes = [5000, 64], strides = [1, 1]} : vector<5000x128xf32> to vector<5000x64xf32>
    %swap3A = arith.constant 0 : index
    %swap3A_6 = arith.constant 0 : index
    %swap3A_7 = vector.load %arg3[%swap3A, %swap3A_6] : memref<5000x64xf32, #tpu.memory_space<vmem>>, vector<5000x64xf32>
    tpu.vector_store %arg3[%swap3A, %swap3A_6], %slice3A {strides = array<i32>} : memref<5000x64xf32, #tpu.memory_space<vmem>>, vector<5000x64xf32>,
    %slice3A_8 = vector.extract_strided_slice %dot_general3A_5 {offsets = [0, 64], sizes = [5000, 64], strides = [1, 1]} : vector<5000x128xf32> to vector<5000x64xf32>
    %swap3A_9 = arith.constant 0 : index
    %swap3A_10 = arith.constant 0 : index
    %swap3A_11 = vector.load %arg4[%swap3A_9, %swap3A_10] : memref<5000x64xf32, #tpu.memory_space<vmem>>, vector<5000x64xf32>
    tpu.vector_store %arg4[%swap3A_9, %swap3A_10], %slice3A_8 {strides = array<i32>} : memref<5000x64xf32, #tpu.memory_space<vmem>>, vector<5000x64xf32>,
    return
  }
  func.func @transform_0(%arg0: i32) -> (i32, i32) {
    %c0_i32 = arith.constant 0 : i32
    %c0_i32_0 = arith.constant 0 : i32
    return %arg0, %c0_i32 : i32, i32
  }
  func.func @transform_1(%arg0: i32) -> (i32, i32) {
    %c0_i32 = arith.constant 0 : i32
    %c0_i32_0 = arith.constant 0 : i32
    %c0_i32_1 = arith.constant 0 : i32
    return %c0_i32, %c0_i32_0 : i32, i32
  }
  func.func @transform_2(%arg0: i32) -> (i32, i32) {
    %c0_i32 = arith.constant 0 : i32
    %c0_i32_0 = arith.constant 0 : i32
    return %arg0, %c0_i32 : i32, i32
  }
  func.func @transform_3(%arg0: i32) -> (i32, i32) {
    %c0_i32 = arith.constant 0 : i32
    %c0_i32_0 = arith.constant 0 : i32
    return %arg0, %c0_i32 : i32, i32
  }
}

module attributes {stable_mosaic.version = 14 : i64} {
  func.func @_tc2_body(%arg0: i32, %arg1: memref<1x5000x64xf32, #tpu.memory_space<vmem>>, %arg2: memref<1x5000x64xf32, #tpu.memory_space<vmem>>, %arg3: memref<1x64xf32, #tpu.memory_space<vmem>>, %arg4: memref<5000x64xf32, #tpu.memory_space<vmem>>, %arg5: memref<64x128xf32, #tpu.memory_space<vmem>>, %arg6: memref<5000x64xf32, #tpu.memory_space<vmem>>, %arg7: memref<5000x128xf32, #tpu.memory_space<vmem>>) attributes {dimension_semantics = [#tpu.dimension_semantics<arbitrary>], iteration_bounds = array<i64: 2>, scalar_prefetch = 0 : i64, scratch_operands = 0 : i64, tpu.core_type = #tpu.core_type<tc>, window_params = [{transform_indices = @transform_0, window_bounds = array<i64: 1, 5000, 64>}, {transform_indices = @transform_1, window_bounds = array<i64: 1, 5000, 64>}, {pipeline_mode = #tpu.pipeline_mode<synchronous>, transform_indices = @transform_2, window_bounds = array<i64: 1, 64>}, {transform_indices = @transform_3, window_bounds = array<i64: 5000, 64>}, {pipeline_mode = #tpu.pipeline_mode<synchronous>, transform_indices = @transform_4, window_bounds = array<i64: 64, 128>}, {transform_indices = @transform_5, window_bounds = array<i64: 5000, 64>}, {transform_indices = @transform_6, window_bounds = array<i64: 5000, 128>}]} {
    %get3A = arith.constant 0 : index
    %get3A_0 = arith.constant 0 : index
    %get3A_1 = arith.constant 0 : index
    %get3A_2 = vector.load %arg1[%get3A, %get3A_0, %get3A_1] : memref<1x5000x64xf32, #tpu.memory_space<vmem>>, vector<1x5000x64xf32>
    %get3A_3 = vector.shape_cast %get3A_2 : vector<1x5000x64xf32> to vector<5000x64xf32>
    %get3A_4 = arith.constant 0 : index
    %get3A_5 = arith.constant 0 : index
    %get3A_6 = arith.constant 0 : index
    %get3A_7 = vector.load %arg2[%get3A_4, %get3A_5, %get3A_6] : memref<1x5000x64xf32, #tpu.memory_space<vmem>>, vector<1x5000x64xf32>
    %get3A_8 = vector.shape_cast %get3A_7 : vector<1x5000x64xf32> to vector<5000x64xf32>
    %add3A = arith.addf %get3A_3, %get3A_8 : vector<5000x64xf32>
    %get3A_9 = arith.constant 0 : index
    %get3A_10 = arith.constant 0 : index
    %get3A_11 = vector.load %arg3[%get3A_9, %get3A_10] : memref<1x64xf32, #tpu.memory_space<vmem>>, vector<1x64xf32>
    %add3A_12 = vector.broadcast %get3A_11 : vector<1x64xf32> to vector<5000x64xf32>
    %add3A_13 = arith.addf %add3A, %add3A_12 : vector<5000x64xf32>
    %get3A_14 = arith.constant 0 : index
    %get3A_15 = arith.constant 0 : index
    %get3A_16 = vector.load %arg4[%get3A_14, %get3A_15] : memref<5000x64xf32, #tpu.memory_space<vmem>>, vector<5000x64xf32>
    %add3A_17 = arith.addf %add3A_13, %get3A_16 : vector<5000x64xf32>
    %gt3A = arith.constant 0.000000e+00 : f32
    %gt3A_18 = vector.broadcast %gt3A : f32 to vector<5000x64xf32>
    %gt3A_19 = arith.cmpf ogt, %add3A_17, %gt3A_18 : vector<5000x64xf32>
    %exp3A = math.exp %add3A_17 : vector<5000x64xf32>
    %sub3A = arith.constant 1.000000e+00 : f32
    %sub3A_20 = vector.broadcast %sub3A : f32 to vector<5000x64xf32>
    %sub3A_21 = arith.subf %exp3A, %sub3A_20 : vector<5000x64xf32>
    %select_n3A = arith.select %gt3A_19, %add3A_17, %sub3A_21 : vector<5000x64xi1>, vector<5000x64xf32>
    %swap3A = arith.constant 0 : index
    %swap3A_22 = arith.constant 0 : index
    %swap3A_23 = vector.load %arg6[%swap3A, %swap3A_22] : memref<5000x64xf32, #tpu.memory_space<vmem>>, vector<5000x64xf32>
    tpu.vector_store %arg6[%swap3A, %swap3A_22], %select_n3A {strides = array<i32>} : memref<5000x64xf32, #tpu.memory_space<vmem>>, vector<5000x64xf32>,
    %get3A_24 = arith.constant 0 : index
    %get3A_25 = arith.constant 0 : index
    %get3A_26 = vector.load %arg5[%get3A_24, %get3A_25] : memref<64x128xf32, #tpu.memory_space<vmem>>, vector<64x128xf32>
    %dot_general3A = arith.constant dense<0.000000e+00> : vector<5000x128xf32>
    %dot_general3A_27 = tpu.matmul %select_n3A, %get3A_26, %dot_general3A {dimension_numbers = #tpu.dot_dimension_numbers<[1], [0], [0], [1], [0, 0, 1, 1], [], []>, transpose_lhs_hint = false} : vector<5000x64xf32>, vector<64x128xf32>, vector<5000x128xf32> -> vector<5000x128xf32>
    %swap3A_28 = arith.constant 0 : index
    %swap3A_29 = arith.constant 0 : index
    %swap3A_30 = vector.load %arg7[%swap3A_28, %swap3A_29] : memref<5000x128xf32, #tpu.memory_space<vmem>>, vector<5000x128xf32>
    tpu.vector_store %arg7[%swap3A_28, %swap3A_29], %dot_general3A_27 {strides = array<i32>} : memref<5000x128xf32, #tpu.memory_space<vmem>>, vector<5000x128xf32>,
    return
  }
  func.func @transform_0(%arg0: i32) -> (i32, i32, i32) {
    %c0_i32 = arith.constant 0 : i32
    %c0_i32_0 = arith.constant 0 : i32
    %c0_i32_1 = arith.constant 0 : i32
    return %c0_i32, %arg0, %c0_i32_0 : i32, i32, i32
  }
  func.func @transform_1(%arg0: i32) -> (i32, i32, i32) {
    %c1_i32 = arith.constant 1 : i32
    %c0_i32 = arith.constant 0 : i32
    %c0_i32_0 = arith.constant 0 : i32
    return %c1_i32, %arg0, %c0_i32 : i32, i32, i32
  }
  func.func @transform_2(%arg0: i32) -> (i32, i32) {
    %c0_i32 = arith.constant 0 : i32
    %c0_i32_0 = arith.constant 0 : i32
    %c0_i32_1 = arith.constant 0 : i32
    return %c0_i32, %c0_i32_0 : i32, i32
  }
  func.func @transform_3(%arg0: i32) -> (i32, i32) {
    %c0_i32 = arith.constant 0 : i32
    %c0_i32_0 = arith.constant 0 : i32
    return %arg0, %c0_i32 : i32, i32
  }
  func.func @transform_4(%arg0: i32) -> (i32, i32) {
    %c0_i32 = arith.constant 0 : i32
    %c0_i32_0 = arith.constant 0 : i32
    %c0_i32_1 = arith.constant 0 : i32
    return %c0_i32, %c0_i32_0 : i32, i32
  }
  func.func @transform_5(%arg0: i32) -> (i32, i32) {
    %c0_i32 = arith.constant 0 : i32
    %c0_i32_0 = arith.constant 0 : i32
    return %arg0, %c0_i32 : i32, i32
  }
  func.func @transform_6(%arg0: i32) -> (i32, i32) {
    %c0_i32 = arith.constant 0 : i32
    %c0_i32_0 = arith.constant 0 : i32
    return %arg0, %c0_i32 : i32, i32
  }
}

module attributes {stable_mosaic.version = 14 : i64} {
  func.func @_tc3_body(%arg0: i32, %arg1: memref<1x5000x64xf32, #tpu.memory_space<vmem>>, %arg2: memref<1x5000x64xf32, #tpu.memory_space<vmem>>, %arg3: memref<1x128xf32, #tpu.memory_space<vmem>>, %arg4: memref<5000x128xf32, #tpu.memory_space<vmem>>, %arg5: memref<64x128xf32, #tpu.memory_space<vmem>>, %arg6: memref<128x256xf32, #tpu.memory_space<vmem>>, %arg7: memref<5000x128xf32, #tpu.memory_space<vmem>>, %arg8: memref<5000x256xf32, #tpu.memory_space<vmem>>) attributes {dimension_semantics = [#tpu.dimension_semantics<arbitrary>], iteration_bounds = array<i64: 2>, scalar_prefetch = 0 : i64, scratch_operands = 0 : i64, tpu.core_type = #tpu.core_type<tc>, window_params = [{transform_indices = @transform_0, window_bounds = array<i64: 1, 5000, 64>}, {transform_indices = @transform_1, window_bounds = array<i64: 1, 5000, 64>}, {pipeline_mode = #tpu.pipeline_mode<synchronous>, transform_indices = @transform_2, window_bounds = array<i64: 1, 128>}, {transform_indices = @transform_3, window_bounds = array<i64: 5000, 128>}, {pipeline_mode = #tpu.pipeline_mode<synchronous>, transform_indices = @transform_4, window_bounds = array<i64: 64, 128>}, {pipeline_mode = #tpu.pipeline_mode<synchronous>, transform_indices = @transform_5, window_bounds = array<i64: 128, 256>}, {transform_indices = @transform_6, window_bounds = array<i64: 5000, 128>}, {transform_indices = @transform_7, window_bounds = array<i64: 5000, 256>}]} {
    %get3A = arith.constant 0 : index
    %get3A_0 = arith.constant 0 : index
    %get3A_1 = arith.constant 0 : index
    %get3A_2 = vector.load %arg1[%get3A, %get3A_0, %get3A_1] : memref<1x5000x64xf32, #tpu.memory_space<vmem>>, vector<1x5000x64xf32>
    %get3A_3 = vector.shape_cast %get3A_2 : vector<1x5000x64xf32> to vector<5000x64xf32>
    %get3A_4 = arith.constant 0 : index
    %get3A_5 = arith.constant 0 : index
    %get3A_6 = arith.constant 0 : index
    %get3A_7 = vector.load %arg2[%get3A_4, %get3A_5, %get3A_6] : memref<1x5000x64xf32, #tpu.memory_space<vmem>>, vector<1x5000x64xf32>
    %get3A_8 = vector.shape_cast %get3A_7 : vector<1x5000x64xf32> to vector<5000x64xf32>
    %add3A = arith.addf %get3A_3, %get3A_8 : vector<5000x64xf32>
    %get3A_9 = arith.constant 0 : index
    %get3A_10 = arith.constant 0 : index
    %get3A_11 = vector.load %arg5[%get3A_9, %get3A_10] : memref<64x128xf32, #tpu.memory_space<vmem>>, vector<64x128xf32>
    %dot_general3A = arith.constant dense<0.000000e+00> : vector<5000x128xf32>
    %dot_general3A_12 = tpu.matmul %add3A, %get3A_11, %dot_general3A {dimension_numbers = #tpu.dot_dimension_numbers<[1], [0], [0], [1], [0, 0, 1, 1], [], []>, transpose_lhs_hint = false} : vector<5000x64xf32>, vector<64x128xf32>, vector<5000x128xf32> -> vector<5000x128xf32>
    %get3A_13 = arith.constant 0 : index
    %get3A_14 = arith.constant 0 : index
    %get3A_15 = vector.load %arg3[%get3A_13, %get3A_14] : memref<1x128xf32, #tpu.memory_space<vmem>>, vector<1x128xf32>
    %add3A_16 = vector.broadcast %get3A_15 : vector<1x128xf32> to vector<5000x128xf32>
    %add3A_17 = arith.addf %dot_general3A_12, %add3A_16 : vector<5000x128xf32>
    %get3A_18 = arith.constant 0 : index
    %get3A_19 = arith.constant 0 : index
    %get3A_20 = vector.load %arg4[%get3A_18, %get3A_19] : memref<5000x128xf32, #tpu.memory_space<vmem>>, vector<5000x128xf32>
    %add3A_21 = arith.addf %add3A_17, %get3A_20 : vector<5000x128xf32>
    %gt3A = arith.constant 0.000000e+00 : f32
    %gt3A_22 = vector.broadcast %gt3A : f32 to vector<5000x128xf32>
    %gt3A_23 = arith.cmpf ogt, %add3A_21, %gt3A_22 : vector<5000x128xf32>
    %exp3A = math.exp %add3A_21 : vector<5000x128xf32>
    %sub3A = arith.constant 1.000000e+00 : f32
    %sub3A_24 = vector.broadcast %sub3A : f32 to vector<5000x128xf32>
    %sub3A_25 = arith.subf %exp3A, %sub3A_24 : vector<5000x128xf32>
    %select_n3A = arith.select %gt3A_23, %add3A_21, %sub3A_25 : vector<5000x128xi1>, vector<5000x128xf32>
    %swap3A = arith.constant 0 : index
    %swap3A_26 = arith.constant 0 : index
    %swap3A_27 = vector.load %arg7[%swap3A, %swap3A_26] : memref<5000x128xf32, #tpu.memory_space<vmem>>, vector<5000x128xf32>
    tpu.vector_store %arg7[%swap3A, %swap3A_26], %select_n3A {strides = array<i32>} : memref<5000x128xf32, #tpu.memory_space<vmem>>, vector<5000x128xf32>,
    %get3A_28 = arith.constant 0 : index
    %get3A_29 = arith.constant 0 : index
    %get3A_30 = vector.load %arg6[%get3A_28, %get3A_29] : memref<128x256xf32, #tpu.memory_space<vmem>>, vector<128x256xf32>
    %dot_general3A_31 = arith.constant dense<0.000000e+00> : vector<5000x256xf32>
    %dot_general3A_32 = tpu.matmul %select_n3A, %get3A_30, %dot_general3A_31 {dimension_numbers = #tpu.dot_dimension_numbers<[1], [0], [0], [1], [0, 0, 1, 1], [], []>, transpose_lhs_hint = false} : vector<5000x128xf32>, vector<128x256xf32>, vector<5000x256xf32> -> vector<5000x256xf32>
    %swap3A_33 = arith.constant 0 : index
    %swap3A_34 = arith.constant 0 : index
    %swap3A_35 = vector.load %arg8[%swap3A_33, %swap3A_34] : memref<5000x256xf32, #tpu.memory_space<vmem>>, vector<5000x256xf32>
    tpu.vector_store %arg8[%swap3A_33, %swap3A_34], %dot_general3A_32 {strides = array<i32>} : memref<5000x256xf32, #tpu.memory_space<vmem>>, vector<5000x256xf32>,
    return
  }
  func.func @transform_0(%arg0: i32) -> (i32, i32, i32) {
    %c0_i32 = arith.constant 0 : i32
    %c0_i32_0 = arith.constant 0 : i32
    %c0_i32_1 = arith.constant 0 : i32
    return %c0_i32, %arg0, %c0_i32_0 : i32, i32, i32
  }
  func.func @transform_1(%arg0: i32) -> (i32, i32, i32) {
    %c1_i32 = arith.constant 1 : i32
    %c0_i32 = arith.constant 0 : i32
    %c0_i32_0 = arith.constant 0 : i32
    return %c1_i32, %arg0, %c0_i32 : i32, i32, i32
  }
  func.func @transform_2(%arg0: i32) -> (i32, i32) {
    %c0_i32 = arith.constant 0 : i32
    %c0_i32_0 = arith.constant 0 : i32
    %c0_i32_1 = arith.constant 0 : i32
    return %c0_i32, %c0_i32_0 : i32, i32
  }
  func.func @transform_3(%arg0: i32) -> (i32, i32) {
    %c0_i32 = arith.constant 0 : i32
    %c0_i32_0 = arith.constant 0 : i32
    return %arg0, %c0_i32 : i32, i32
  }
  func.func @transform_4(%arg0: i32) -> (i32, i32) {
    %c0_i32 = arith.constant 0 : i32
    %c0_i32_0 = arith.constant 0 : i32
    %c0_i32_1 = arith.constant 0 : i32
    return %c0_i32, %c0_i32_0 : i32, i32
  }
  func.func @transform_5(%arg0: i32) -> (i32, i32) {
    %c0_i32 = arith.constant 0 : i32
    %c0_i32_0 = arith.constant 0 : i32
    %c0_i32_1 = arith.constant 0 : i32
    return %c0_i32, %c0_i32_0 : i32, i32
  }
  func.func @transform_6(%arg0: i32) -> (i32, i32) {
    %c0_i32 = arith.constant 0 : i32
    %c0_i32_0 = arith.constant 0 : i32
    return %arg0, %c0_i32 : i32, i32
  }
  func.func @transform_7(%arg0: i32) -> (i32, i32) {
    %c0_i32 = arith.constant 0 : i32
    %c0_i32_0 = arith.constant 0 : i32
    return %arg0, %c0_i32 : i32, i32
  }
}

module attributes {stable_mosaic.version = 14 : i64} {
  func.func @_tc4_body(%arg0: i32, %arg1: memref<1x5000x128xf32, #tpu.memory_space<vmem>>, %arg2: memref<1x5000x128xf32, #tpu.memory_space<vmem>>, %arg3: memref<1x256xf32, #tpu.memory_space<vmem>>, %arg4: memref<5000x256xf32, #tpu.memory_space<vmem>>, %arg5: memref<128x256xf32, #tpu.memory_space<vmem>>, %arg6: memref<1x1x5000xi32, #tpu.memory_space<vmem>>, %arg7: memref<256x128xf32, #tpu.memory_space<vmem>>, %arg8: memref<1x128xf32, #tpu.memory_space<vmem>>, %arg9: memref<128x128xf32, #tpu.memory_space<vmem>>, %arg10: memref<1x128xf32, #tpu.memory_space<vmem>>, %arg11: memref<128x128xf32, #tpu.memory_space<vmem>>, %arg12: memref<128x256xf32, #tpu.memory_space<vmem>>, %arg13: memref<128x1xf32, #tpu.memory_space<vmem>>) attributes {dimension_semantics = [#tpu.dimension_semantics<arbitrary>], iteration_bounds = array<i64: 2>, scalar_prefetch = 0 : i64, scratch_operands = 2 : i64, tpu.core_type = #tpu.core_type<tc>, window_params = [{transform_indices = @transform_0, window_bounds = array<i64: 1, 5000, 128>}, {transform_indices = @transform_1, window_bounds = array<i64: 1, 5000, 128>}, {pipeline_mode = #tpu.pipeline_mode<synchronous>, transform_indices = @transform_2, window_bounds = array<i64: 1, 256>}, {transform_indices = @transform_3, window_bounds = array<i64: 5000, 256>}, {pipeline_mode = #tpu.pipeline_mode<synchronous>, transform_indices = @transform_4, window_bounds = array<i64: 128, 256>}, {transform_indices = @transform_5, window_bounds = array<i64: 1, 1, 5000>}, {pipeline_mode = #tpu.pipeline_mode<synchronous>, transform_indices = @transform_6, window_bounds = array<i64: 256, 128>}, {pipeline_mode = #tpu.pipeline_mode<synchronous>, transform_indices = @transform_7, window_bounds = array<i64: 1, 128>}, {pipeline_mode = #tpu.pipeline_mode<synchronous>, transform_indices = @transform_8, window_bounds = array<i64: 128, 128>}, {pipeline_mode = #tpu.pipeline_mode<synchronous>, transform_indices = @transform_9, window_bounds = array<i64: 1, 128>}, {pipeline_mode = #tpu.pipeline_mode<synchronous>, transform_indices = @transform_10, window_bounds = array<i64: 128, 128>}]} {
    %get3A = arith.constant 0 : index
    %get3A_0 = arith.constant 0 : index
    %get3A_1 = arith.constant 0 : index
    %get3A_2 = vector.load %arg1[%get3A, %get3A_0, %get3A_1] : memref<1x5000x128xf32, #tpu.memory_space<vmem>>, vector<1x5000x128xf32>
    %get3A_3 = vector.shape_cast %get3A_2 : vector<1x5000x128xf32> to vector<5000x128xf32>
    %get3A_4 = arith.constant 0 : index
    %get3A_5 = arith.constant 0 : index
    %get3A_6 = arith.constant 0 : index
    %get3A_7 = vector.load %arg2[%get3A_4, %get3A_5, %get3A_6] : memref<1x5000x128xf32, #tpu.memory_space<vmem>>, vector<1x5000x128xf32>
    %get3A_8 = vector.shape_cast %get3A_7 : vector<1x5000x128xf32> to vector<5000x128xf32>
    %add3A = arith.addf %get3A_3, %get3A_8 : vector<5000x128xf32>
    %get3A_9 = arith.constant 0 : index
    %get3A_10 = arith.constant 0 : index
    %get3A_11 = vector.load %arg5[%get3A_9, %get3A_10] : memref<128x256xf32, #tpu.memory_space<vmem>>, vector<128x256xf32>
    %dot_general3A = arith.constant dense<0.000000e+00> : vector<5000x256xf32>
    %dot_general3A_12 = tpu.matmul %add3A, %get3A_11, %dot_general3A {dimension_numbers = #tpu.dot_dimension_numbers<[1], [0], [0], [1], [0, 0, 1, 1], [], []>, transpose_lhs_hint = false} : vector<5000x128xf32>, vector<128x256xf32>, vector<5000x256xf32> -> vector<5000x256xf32>
    %get3A_13 = arith.constant 0 : index
    %get3A_14 = arith.constant 0 : index
    %get3A_15 = vector.load %arg3[%get3A_13, %get3A_14] : memref<1x256xf32, #tpu.memory_space<vmem>>, vector<1x256xf32>
    %add3A_16 = vector.broadcast %get3A_15 : vector<1x256xf32> to vector<5000x256xf32>
    %add3A_17 = arith.addf %dot_general3A_12, %add3A_16 : vector<5000x256xf32>
    %get3A_18 = arith.constant 0 : index
    %get3A_19 = arith.constant 0 : index
    %get3A_20 = vector.load %arg4[%get3A_18, %get3A_19] : memref<5000x256xf32, #tpu.memory_space<vmem>>, vector<5000x256xf32>
    %add3A_21 = arith.addf %add3A_17, %get3A_20 : vector<5000x256xf32>
    %gt3A = arith.constant 0.000000e+00 : f32
    %gt3A_22 = vector.broadcast %gt3A : f32 to vector<5000x256xf32>
    %gt3A_23 = arith.cmpf ogt, %add3A_21, %gt3A_22 : vector<5000x256xf32>
    %exp3A = math.exp %add3A_21 : vector<5000x256xf32>
    %sub3A = arith.constant 1.000000e+00 : f32
    %sub3A_24 = vector.broadcast %sub3A : f32 to vector<5000x256xf32>
    %sub3A_25 = arith.subf %exp3A, %sub3A_24 : vector<5000x256xf32>
    %select_n3A = arith.select %gt3A_23, %add3A_21, %sub3A_25 : vector<5000x256xi1>, vector<5000x256xf32>
    %get3A_26 = arith.constant 0 : index
    %get3A_27 = arith.constant 0 : index
    %get3A_28 = arith.constant 0 : index
    %get3A_29 = vector.load %arg6[%get3A_26, %get3A_27, %get3A_28] : memref<1x1x5000xi32, #tpu.memory_space<vmem>>, vector<1x1x5000xi32>
    %get3A_30 = vector.shape_cast %get3A_29 : vector<1x1x5000xi32> to vector<5000xi32>
    %iota3A = tpu.iota {dimensions = array<i32: 0>} : vector<128x5000xi32>
    %broadcast_in_dim3A = vector.shape_cast %get3A_30 : vector<5000xi32> to vector<1x5000xi32>
    %eq3A = vector.broadcast %broadcast_in_dim3A : vector<1x5000xi32> to vector<128x5000xi32>
    %eq3A_31 = arith.cmpi eq, %iota3A, %eq3A : vector<128x5000xi32>
    %convert_element_type3A = arith.extui %eq3A_31 : vector<128x5000xi1> to vector<128x5000xi32>
    %convert_element_type3A_32 = arith.sitofp %convert_element_type3A : vector<128x5000xi32> to vector<128x5000xf32>
    %dot_general3A_33 = arith.constant dense<0.000000e+00> : vector<128x256xf32>
    %dot_general3A_34 = tpu.matmul %convert_element_type3A_32, %select_n3A, %dot_general3A_33 {dimension_numbers = #tpu.dot_dimension_numbers<[1], [0], [0], [1], [0, 0, 1, 1], [], []>, transpose_lhs_hint = false} : vector<128x5000xf32>, vector<5000x256xf32>, vector<128x256xf32> -> vector<128x256xf32>
    %reduce_sum3A = arith.constant dense<0.000000e+00> : vector<128xf32>
    %reduce_sum3A_35 = vector.multi_reduction <add>, %convert_element_type3A_32, %reduce_sum3A [1] : vector<128x5000xf32> to vector<128xf32>
    %broadcast_in_dim3A_36 = vector.shape_cast %reduce_sum3A_35 : vector<128xf32> to vector<128x1xf32>
    %eq3A_37 = arith.constant 0 : i32
    %eq3A_38 = arith.cmpi eq, %arg0, %eq3A_37 : i32
    %convert_element_type3A_39 = arith.extui %eq3A_38 : i1 to i32
    %cond3A = arith.constant 0 : i32
    %cond3A_40 = arith.cmpi ne, %convert_element_type3A_39, %cond3A : i32
    scf.if %cond3A_40 {
      %broadcast_in_dim3A_59 = arith.constant 0.000000e+00 : f32
      %broadcast_in_dim3A_60 = vector.broadcast %broadcast_in_dim3A_59 : f32 to vector<128x256xf32>
      %swap3A_61 = arith.constant 0 : index
      %swap3A_62 = arith.constant 0 : index
      %swap3A_63 = vector.load %arg12[%swap3A_61, %swap3A_62] : memref<128x256xf32, #tpu.memory_space<vmem>>, vector<128x256xf32>
      tpu.vector_store %arg12[%swap3A_61, %swap3A_62], %broadcast_in_dim3A_60 {strides = array<i32>} : memref<128x256xf32, #tpu.memory_space<vmem>>, vector<128x256xf32>,
      %broadcast_in_dim3A_64 = arith.constant 0.000000e+00 : f32
      %broadcast_in_dim3A_65 = vector.broadcast %broadcast_in_dim3A_64 : f32 to vector<128x1xf32>
      %swap3A_66 = arith.constant 0 : index
      %swap3A_67 = arith.constant 0 : index
      %swap3A_68 = vector.load %arg13[%swap3A_66, %swap3A_67] : memref<128x1xf32, #tpu.memory_space<vmem>>, vector<128x1xf32>
      tpu.vector_store %arg13[%swap3A_66, %swap3A_67], %broadcast_in_dim3A_65 {strides = array<i32>} : memref<128x1xf32, #tpu.memory_space<vmem>>, vector<128x1xf32>,
    } else {
    }
    %get3A_41 = arith.constant 0 : index
    %get3A_42 = arith.constant 0 : index
    %get3A_43 = vector.load %arg12[%get3A_41, %get3A_42] : memref<128x256xf32, #tpu.memory_space<vmem>>, vector<128x256xf32>
    %add3A_44 = arith.addf %get3A_43, %dot_general3A_34 : vector<128x256xf32>
    %swap3A = arith.constant 0 : index
    %swap3A_45 = arith.constant 0 : index
    %swap3A_46 = vector.load %arg12[%swap3A, %swap3A_45] : memref<128x256xf32, #tpu.memory_space<vmem>>, vector<128x256xf32>
    tpu.vector_store %arg12[%swap3A, %swap3A_45], %add3A_44 {strides = array<i32>} : memref<128x256xf32, #tpu.memory_space<vmem>>, vector<128x256xf32>,
    %get3A_47 = arith.constant 0 : index
    %get3A_48 = arith.constant 0 : index
    %get3A_49 = vector.load %arg13[%get3A_47, %get3A_48] : memref<128x1xf32, #tpu.memory_space<vmem>>, vector<128x1xf32>
    %add3A_50 = arith.addf %get3A_49, %broadcast_in_dim3A_36 : vector<128x1xf32>
    %swap3A_51 = arith.constant 0 : index
    %swap3A_52 = arith.constant 0 : index
    %swap3A_53 = vector.load %arg13[%swap3A_51, %swap3A_52] : memref<128x1xf32, #tpu.memory_space<vmem>>, vector<128x1xf32>
    tpu.vector_store %arg13[%swap3A_51, %swap3A_52], %add3A_50 {strides = array<i32>} : memref<128x1xf32, #tpu.memory_space<vmem>>, vector<128x1xf32>,
    %eq3A_54 = arith.constant 1 : i32
    %eq3A_55 = arith.cmpi eq, %arg0, %eq3A_54 : i32
    %convert_element_type3A_56 = arith.extui %eq3A_55 : i1 to i32
    %cond3A_57 = arith.constant 0 : i32
    %cond3A_58 = arith.cmpi ne, %convert_element_type3A_56, %cond3A_57 : i32
    scf.if %cond3A_58 {
      %get3A_59 = arith.constant 0 : index
      %get3A_60 = arith.constant 0 : index
      %get3A_61 = vector.load %arg13[%get3A_59, %get3A_60] : memref<128x1xf32, #tpu.memory_space<vmem>>, vector<128x1xf32>
      %max3A = arith.constant 1.000000e+00 : f32
      %max3A_62 = vector.broadcast %max3A : f32 to vector<128x1xf32>
      %max3A_63 = arith.maximumf %get3A_61, %max3A_62 : vector<128x1xf32>
      %get3A_64 = arith.constant 0 : index
      %get3A_65 = arith.constant 0 : index
      %get3A_66 = vector.load %arg12[%get3A_64, %get3A_65] : memref<128x256xf32, #tpu.memory_space<vmem>>, vector<128x256xf32>
      %div3A = vector.broadcast %max3A_63 : vector<128x1xf32> to vector<128x256xf32>
      %div3A_67 = arith.divf %get3A_66, %div3A : vector<128x256xf32>
      %get3A_68 = arith.constant 0 : index
      %get3A_69 = arith.constant 0 : index
      %get3A_70 = vector.load %arg7[%get3A_68, %get3A_69] : memref<256x128xf32, #tpu.memory_space<vmem>>, vector<256x128xf32>
      %dot_general3A_71 = arith.constant dense<0.000000e+00> : vector<128x128xf32>
      %dot_general3A_72 = tpu.matmul %div3A_67, %get3A_70, %dot_general3A_71 {dimension_numbers = #tpu.dot_dimension_numbers<[1], [0], [0], [1], [0, 0, 1, 1], [], []>, transpose_lhs_hint = false} : vector<128x256xf32>, vector<256x128xf32>, vector<128x128xf32> -> vector<128x128xf32>
      %get3A_73 = arith.constant 0 : index
      %get3A_74 = arith.constant 0 : index
      %get3A_75 = vector.load %arg8[%get3A_73, %get3A_74] : memref<1x128xf32, #tpu.memory_space<vmem>>, vector<1x128xf32>
      %add3A_76 = vector.broadcast %get3A_75 : vector<1x128xf32> to vector<128x128xf32>
      %add3A_77 = arith.addf %dot_general3A_72, %add3A_76 : vector<128x128xf32>
      %gt3A_78 = arith.constant 0.000000e+00 : f32
      %gt3A_79 = vector.broadcast %gt3A_78 : f32 to vector<128x128xf32>
      %gt3A_80 = arith.cmpf ogt, %add3A_77, %gt3A_79 : vector<128x128xf32>
      %exp3A_81 = math.exp %add3A_77 : vector<128x128xf32>
      %sub3A_82 = arith.constant 1.000000e+00 : f32
      %sub3A_83 = vector.broadcast %sub3A_82 : f32 to vector<128x128xf32>
      %sub3A_84 = arith.subf %exp3A_81, %sub3A_83 : vector<128x128xf32>
      %select_n3A_85 = arith.select %gt3A_80, %add3A_77, %sub3A_84 : vector<128x128xi1>, vector<128x128xf32>
      %get3A_86 = arith.constant 0 : index
      %get3A_87 = arith.constant 0 : index
      %get3A_88 = vector.load %arg9[%get3A_86, %get3A_87] : memref<128x128xf32, #tpu.memory_space<vmem>>, vector<128x128xf32>
      %dot_general3A_89 = arith.constant dense<0.000000e+00> : vector<128x128xf32>
      %dot_general3A_90 = tpu.matmul %select_n3A_85, %get3A_88, %dot_general3A_89 {dimension_numbers = #tpu.dot_dimension_numbers<[1], [0], [0], [1], [0, 0, 1, 1], [], []>, transpose_lhs_hint = false} : vector<128x128xf32>, vector<128x128xf32>, vector<128x128xf32> -> vector<128x128xf32>
      %get3A_91 = arith.constant 0 : index
      %get3A_92 = arith.constant 0 : index
      %get3A_93 = vector.load %arg10[%get3A_91, %get3A_92] : memref<1x128xf32, #tpu.memory_space<vmem>>, vector<1x128xf32>
      %add3A_94 = vector.broadcast %get3A_93 : vector<1x128xf32> to vector<128x128xf32>
      %add3A_95 = arith.addf %dot_general3A_90, %add3A_94 : vector<128x128xf32>
      %reduce_max3A = arith.constant dense<0xFF800000> : vector<128xf32>
      %reduce_max3A_96 = vector.multi_reduction <maximumf>, %add3A_95, %reduce_max3A [1] : vector<128x128xf32> to vector<128xf32>
      %broadcast_in_dim3A_97 = vector.shape_cast %reduce_max3A_96 : vector<128xf32> to vector<128x1xf32>
      %sub3A_98 = vector.broadcast %broadcast_in_dim3A_97 : vector<128x1xf32> to vector<128x128xf32>
      %sub3A_99 = arith.subf %add3A_95, %sub3A_98 : vector<128x128xf32>
      %exp3A_100 = math.exp %sub3A_99 : vector<128x128xf32>
      %reduce_sum3A_101 = arith.constant dense<0.000000e+00> : vector<128xf32>
      %reduce_sum3A_102 = vector.multi_reduction <add>, %exp3A_100, %reduce_sum3A_101 [1] : vector<128x128xf32> to vector<128xf32>
      %broadcast_in_dim3A_103 = vector.shape_cast %reduce_sum3A_102 : vector<128xf32> to vector<128x1xf32>
      %sub3A_104 = vector.broadcast %broadcast_in_dim3A_97 : vector<128x1xf32> to vector<128x128xf32>
      %sub3A_105 = arith.subf %add3A_95, %sub3A_104 : vector<128x128xf32>
      %log3A = math.log %broadcast_in_dim3A_103 : vector<128x1xf32>
      %sub3A_106 = vector.broadcast %log3A : vector<128x1xf32> to vector<128x128xf32>
      %sub3A_107 = arith.subf %sub3A_105, %sub3A_106 : vector<128x128xf32>
      %swap3A_108 = arith.constant 0 : index
      %swap3A_109 = arith.constant 0 : index
      %swap3A_110 = vector.load %arg11[%swap3A_108, %swap3A_109] : memref<128x128xf32, #tpu.memory_space<vmem>>, vector<128x128xf32>
      tpu.vector_store %arg11[%swap3A_108, %swap3A_109], %sub3A_107 {strides = array<i32>} : memref<128x128xf32, #tpu.memory_space<vmem>>, vector<128x128xf32>,
    } else {
    }
    return
  }
  func.func @transform_0(%arg0: i32) -> (i32, i32, i32) {
    %c0_i32 = arith.constant 0 : i32
    %c0_i32_0 = arith.constant 0 : i32
    %c0_i32_1 = arith.constant 0 : i32
    return %c0_i32, %arg0, %c0_i32_0 : i32, i32, i32
  }
  func.func @transform_1(%arg0: i32) -> (i32, i32, i32) {
    %c1_i32 = arith.constant 1 : i32
    %c0_i32 = arith.constant 0 : i32
    %c0_i32_0 = arith.constant 0 : i32
    return %c1_i32, %arg0, %c0_i32 : i32, i32, i32
  }
  func.func @transform_2(%arg0: i32) -> (i32, i32) {
    %c0_i32 = arith.constant 0 : i32
    %c0_i32_0 = arith.constant 0 : i32
    %c0_i32_1 = arith.constant 0 : i32
    return %c0_i32, %c0_i32_0 : i32, i32
  }
  func.func @transform_3(%arg0: i32) -> (i32, i32) {
    %c0_i32 = arith.constant 0 : i32
    %c0_i32_0 = arith.constant 0 : i32
    return %arg0, %c0_i32 : i32, i32
  }
  func.func @transform_4(%arg0: i32) -> (i32, i32) {
    %c0_i32 = arith.constant 0 : i32
    %c0_i32_0 = arith.constant 0 : i32
    %c0_i32_1 = arith.constant 0 : i32
    return %c0_i32, %c0_i32_0 : i32, i32
  }
  func.func @transform_5(%arg0: i32) -> (i32, i32, i32) {
    %c0_i32 = arith.constant 0 : i32
    %c0_i32_0 = arith.constant 0 : i32
    %c0_i32_1 = arith.constant 0 : i32
    return %arg0, %c0_i32, %c0_i32_0 : i32, i32, i32
  }
  func.func @transform_6(%arg0: i32) -> (i32, i32) {
    %c0_i32 = arith.constant 0 : i32
    %c0_i32_0 = arith.constant 0 : i32
    %c0_i32_1 = arith.constant 0 : i32
    return %c0_i32, %c0_i32_0 : i32, i32
  }
  func.func @transform_7(%arg0: i32) -> (i32, i32) {
    %c0_i32 = arith.constant 0 : i32
    %c0_i32_0 = arith.constant 0 : i32
    %c0_i32_1 = arith.constant 0 : i32
    return %c0_i32, %c0_i32_0 : i32, i32
  }
  func.func @transform_8(%arg0: i32) -> (i32, i32) {
    %c0_i32 = arith.constant 0 : i32
    %c0_i32_0 = arith.constant 0 : i32
    %c0_i32_1 = arith.constant 0 : i32
    return %c0_i32, %c0_i32_0 : i32, i32
  }
  func.func @transform_9(%arg0: i32) -> (i32, i32) {
    %c0_i32 = arith.constant 0 : i32
    %c0_i32_0 = arith.constant 0 : i32
    %c0_i32_1 = arith.constant 0 : i32
    return %c0_i32, %c0_i32_0 : i32, i32
  }
  func.func @transform_10(%arg0: i32) -> (i32, i32) {
    %c0_i32 = arith.constant 0 : i32
    %c0_i32_0 = arith.constant 0 : i32
    %c0_i32_1 = arith.constant 0 : i32
    return %c0_i32, %c0_i32_0 : i32, i32
  }
}

</mosaic_0001>

<sc_bundles>
// kernel: kernel.10.cloned.1.call-start
scs
__scs_entry_jumppad:
0x0: {  	(pc) =	sbr.rel $0x88, $3  }
0x1: {  	(tag) =	ssettag $0x0;
	lr =	simm.s32 $0x1  }
0x2: {  	[smem:$0x3F91] =	sst lr;
	_ =	strace $0xD0000000  }
0x3: {  	_ = 	snop  }
0x4: {  	_ = 	snop  }
0x5: {  	_ = 	snop  }
0x6: {  	_ = 	snop  }
0x7: {  	_ = 	snop  }
__scs_overlays_trampoline_lowered:
0x8: {  	[smem:$0x3FA0] =	sst s0  }
0x9: {  	[smem:$0x3FA1] =	sst s1  }
0xa: {  	[smem:$0x3FA2] =	sst s2  }
0xb: {  	[smem:$0x3FA3] =	sst s3  }
0xc: {  	[smem:$0x3FA4] =	sst s4  }
0xd: {  	[smem:$0x3FA5] =	sst s5  }
0xe: {  	[smem:$0x3FA6] =	sst s6  }
0xf: {  	[smem:$0x3FA7] =	sst s7  }
0x10: {  	[smem:$0x3FA8] =	sst s8  }
0x11: {  	[smem:$0x3FA9] =	sst s9;
	s0 =	simm.s32 @!p0 $0x0  }
0x12: {  	s1 =	sld [smem:$0x3F8F];
	s0 =	simm.s32 @p0 $0x1  }
0x13: {  	[smem:$0x3FAA] =	sst s0;
	s0 =	simm.s32 @!p1 $0x0  }
0x14: {  	s2 =	sld [smem:$0x3F8E];
	s0 =	simm.s32 @p1 $0x1  }
0x15: {  	[smem:$0x3FAB] =	sst s0;
	s0 =	simm.s32 @!p2 $0x0  }
0x16: {  	s3 =	sld [smem:$0x3FDB];
	s0 =	simm.s32 @p2 $0x1  }
0x17: {  	s4 =	simm.s32 $0x1BF5;
	[smem:$0x3FAD] =	sst s0  }
0x18: {  	s0 =	sld [smem:$0x3F90];
	_ =	swait.ge [sflag:s4], $0x0  }
0x19: {  	s7 =	sld [smem:$0x3F91]  }
0x1a: {  	s8 =	sadd.s32 $0xFFFFE003, lr  }
0x1b: {  	s9 =	sadd.s32 $0xFFFFFEF7, lr;
	s5 =	simm.s32 $0xFFFFFFFF;
	p2 =	slt.u32 s8, $0xFFFFF086  }
0x1c: {  	p1 =	slt.u32 s9, $0xF7A;
	s5 =	simm.s32 @!p2 $0x0  }
0x1d: {  	s5 =	simm.s32 @p1 $0x1;
	p0 =	seq.s32 s7, s2  }
0x1e: {  	s7 =	smul.u32 @!p0 $0xF7A, s2;
	p2 =	seq.s32 @!p0 s5, $0x0  }
0x1f: {  	s9 =	smul.u32 $0xF7A, s1;
	s8 =	simm.s32 @!p0 $0x1BF5;
	p2 =	por !p2, p0  }
0x20: {  	[sflag:s8] =	ssyncset.s32 @!p0 $0xFFFFF086;
	s6 =	sadd.s32 @!p0 s3, s7;
	s7 =	simm.s32 @!p0 $0x108  }
0x21: {  	s3 =	sadd.s32 s3, s9;
	s6 =	sadd.s32 @!p0 $0x88, s6;
	s7 =	simm.s32 @p2 $0x1082  }
0x22: {  	[simem:s7], [sflag:s8] =	dma.local @!p0 [hbm:s6], $0xF7A  }
0x23: {  	s9 =	sor.u32 $0xD0000000, s2;
	s6 =	simm.s32 $0x108;
	_ =	swait.ge @!p0 [sflag:s8], $0x0  }
0x24: {  	s3 =	sadd.s32 $0x88, s3;
	s6 =	simm.s32 @!p1 $0x1082;
	[sflag:s4] =	ssyncset.s32 $0xFFFFF086  }
0x25: {  	[simem:s6], [sflag:s4] =	dma.local [hbm:s3], $0xF7A  }
0x26: {  	[smem:$0x3F91] =	sst s1;
	(tag) =	ssettag s2;
	_ =	strace s9  }
0x27: {  	s1 =	sld [smem:$0x3FA1]  }
0x28: {  	s2 =	sld [smem:$0x3FA2]  }
0x29: {  	s4 =	sld [smem:$0x3FA4]  }
0x2a: {  	p0 =	seq.s32 s5, $0x0;
	s5 =	sld [smem:$0x3FA5]  }
0x2b: {  	s6 =	sld [smem:$0x3FA6]  }
0x2c: {  	s7 =	sld [smem:$0x3FA7]  }
0x2d: {  	s3 =	simm.s32 $0x108;
	s8 =	sld [smem:$0x3FA8]  }
0x2e: {  	s3 =	simm.s32 @!p0 $0x1082;
	s9 =	sld [smem:$0x3FA9]  }
0x2f: {  	lr =	sadd.s32 s0, s3;
	s0 =	sld [smem:$0x3FA0]  }
0x30: {  	s3 =	sld [smem:$0x3FA3]  }
0x31: {  	[smem:$0x3FAC] =	sst s10  }
0x32: {  	s10 =	sld [smem:$0x3FAA];
	_ =	sdelay $0x3  }
0x33: {  	p0 =	seq.s32 s10, $0x1;
	s10 =	sld [smem:$0x3FAC];
	_ =	sdelay $0x3  }
0x34: {  	[smem:$0x3FAC] =	sst s10  }
0x35: {  	s10 =	sld [smem:$0x3FAB];
	_ =	sdelay $0x3  }
0x36: {  	p1 =	seq.s32 s10, $0x1;
	s10 =	sld [smem:$0x3FAC];
	_ =	sdelay $0x3  }
0x37: {  	[smem:$0x3FAC] =	sst s10  }
0x38: {  	s10 =	sld [smem:$0x3FAD]  }
0x39: {  	_ = 	snop;
	(pc) =	sbr.ind lr, $3  }
0x3a: {  	_ = 	snop  }
0x3b: {  	_ = 	snop  }
0x3c: {  	p2 =	seq.s32 s10, $0x1;
	s10 =	sld [smem:$0x3FAC]  }
0x3d: {  	_ =	shalt  }
0x3e: {  	_ =	shalt  }
0x3f: {  	_ =	shalt  }
0x40: {  	_ =	shalt  }
0x41: {  	_ =	shalt  }
0x42: {  	_ =	shalt  }
0x43: {  	_ =	shalt  }
0x44: {  	_ =	shalt  }
0x45: {  	_ =	shalt  }
0x46: {  	_ =	shalt  }
0x47: {  	_ =	shalt  }
0x48: {  	_ =	shalt  }
0x49: {  	_ =	shalt  }
0x4a: {  	_ =	shalt  }
0x4b: {  	_ =	shalt  }
0x4c: {  	_ =	shalt  }
0x4d: {  	_ =	shalt  }
0x4e: {  	_ =	shalt  }
0x4f: {  	_ =	shalt  }
0x50: {  	_ =	shalt  }
0x51: {  	_ =	shalt  }
0x52: {  	_ =	shalt  }
0x53: {  	_ =	shalt  }
0x54: {  	_ =	shalt  }
0x55: {  	_ =	shalt  }
0x56: {  	_ =	shalt  }
0x57: {  	_ =	shalt  }
0x58: {  	_ =	shalt  }
0x59: {  	_ =	shalt  }
0x5a: {  	_ =	shalt  }
0x5b: {  	_ =	shalt  }
0x5c: {  	_ =	shalt  }
0x5d: {  	_ =	shalt  }
0x5e: {  	_ =	shalt  }
0x5f: {  	_ =	shalt  }
0x60: {  	_ =	shalt  }
0x61: {  	_ =	shalt  }
0x62: {  	_ =	shalt  }
0x63: {  	_ =	shalt  }
0x64: {  	_ =	shalt  }
0x65: {  	_ =	shalt  }
0x66: {  	_ =	shalt  }
0x67: {  	_ =	shalt  }
0x68: {  	_ =	shalt  }
0x69: {  	_ =	shalt  }
0x6a: {  	_ =	shalt  }
0x6b: {  	_ =	shalt  }
0x6c: {  	_ =	shalt  }
0x6d: {  	_ =	shalt  }
0x6e: {  	_ =	shalt  }
0x6f: {  	_ =	shalt  }
0x70: {  	_ =	shalt  }
0x71: {  	_ =	shalt  }
0x72: {  	_ =	shalt  }
0x73: {  	_ =	shalt  }
0x74: {  	_ =	shalt  }
0x75: {  	_ =	shalt  }
0x76: {  	_ =	shalt  }
0x77: {  	_ =	shalt  }
0x78: {  	_ =	shalt  }
0x79: {  	_ =	shalt  }
0x7a: {  	_ =	shalt  }
0x7b: {  	_ =	shalt  }
0x7c: {  	_ =	shalt  }
0x7d: {  	_ =	shalt  }
0x7e: {  	_ =	shalt  }
0x7f: {  	_ =	shalt  }
0x80: {  	_ =	shalt  }
0x81: {  	_ =	shalt  }
0x82: {  	_ =	shalt  }
0x83: {  	_ =	shalt  }
0x84: {  	_ =	shalt  }
0x85: {  	_ =	shalt  }
0x86: {  	_ =	shalt  }
0x87: {  	_ =	shalt  }
.Lfunc_end0:
.L_simem_size_0:
called_computation_lowered:
.L_overlay_start_0:
0x88: {  	s2 =	sld [smem:$0x3FD9]  }
0x89: {  	s3 =	sld [smem:$0x3FFE];
	_ =	sdelay $0x1  }
0x8a: {  	s1 =	srdreg.scid  }
0x8b: {  	s0 =	sand.u32 $0x1, s1  }
0x8c: {  	s16 =	sshll.u32 s0, $0xA;
	s2 =	sadd.s32 s3, s2  }
0x8d: {  	s2 =	sadd.s32 s2, s16  }
0x8e: {  	[smem:$0x3FB8] =	sst s2  }
0x8f: {  	_ = 	snop  }
0x90: {  	(tm) =	ssettm $0x1  }
0x91: {  	s17 =	sld [smem:$0x3FFB];
	_ =	sdelay $0x3  }
0x92: {  	_ =	strace s17  }
0x93: {  	s2 =	sld [smem:$0x3FFC];
	_ =	sdelay $0x3  }
0x94: {  	_ =	strace s2  }
0x95: {  	s2 =	sld [smem:$0x3FFD];
	_ =	sdelay $0x3  }
0x96: {  	_ =	strace s2  }
0x97: {  	_ =	strace $0x8FFFFFFF  }
0x98: {  	s18 =	sld [smem:$0x3FDB];
	_ =	sdelay $0x1  }
0x99: {  	s19 =	simm.s32 $_scs_section_size  }
0x9a: {  	s4 =	simm.s32 $_size__tile_overlayer_lowered;
	s5 =	simm.s32 $_tile_overlayer_lowered  }
0x9b: {  	s22 =	simm.s32 $0x1BFF;
	s21 =	sshll.u32 s5, $0x1;
	s2 =	sadd.s32 s19, s18  }
0x9c: {  	s6 =	simm.s32 $0x0;
	s20 =	sshll.u32 s4, $0x1;
	s4 =	sadd.s32 s21, s2  }
0x9d: {  	[timem:s6], [sflag:s22] =	dma.local [hbm:s4], s20  }
0x9e: {  	_ =	swait.ge [sflag:s22], s20  }
0x9f: {  	s3 =	ssub.s32 $0x0, s20;
	[sflag:s22] =	ssyncset.done $0x0  }
0xa0: {  	[sflag:s22] =	ssyncadd.s32 s3;
	_ =	sdelay $0x1  }
0xa1: {  	s23 =	simm.s32 $0x1B8B  }
0xa2: {  	_ =	swait.ge [sflag:s23], $0x1  }
0xa3: {  	[sflag:s23] =	ssyncset.done $0x0  }
0xa4: {  	s25 =	simm.s32 $0x1B8E;
	s24 =	sld [smem:$0x3FFE];
	[sflag:s23] =	ssyncadd.s32 $0xFFFFFFFF  }
0xa5: {  	s26 =	simm.s32 $execute0_lowered;
	[smem:$0x3FD2] =	sst s25  }
0xa6: {  	s4 =	sshll.u32 s26, $0x1;
	_ =	strace $0x80000046;
	[dreg:$0x1] =	wrdreg $0xFFFFFFFF  }
0xa7: {  	s28 =	simm.s32 $_size_execute0_lowered;
	s2 =	sadd.s32 s2, s4;
	[dreg:$0x0] =	wrdreg $0x0  }
0xa8: {  	s4 =	sshll.u32 s28, $0x1;
	[dreg:$0x2] =	wrdreg s2  }
0xa9: {  	[dreg:$0x3] =	wrdreg s4  }
0xaa: {  	[dreg:$0x4] =	wrdreg $0xC0  }
0xab: {  	_ =	task [dreg:s6], $0x5FFFF  }
0xac: {  	[dreg:$0x1] =	wrdreg $0xFFFFFFFF  }
0xad: {  	[dreg:$0x0] =	wrdreg $0x60  }
0xae: {  	[dreg:$0x2] =	wrdreg s24  }
0xaf: {  	[dreg:$0x3] =	wrdreg $0x8F000  }
0xb0: {  	[dreg:$0x4] =	wrdreg $0x9  }
0xb1: {  	_ =	task.clear_ibuf [dreg:s6], $0x5FFFF;
	_ =	strace $0x90000046  }
0xb2: {  	s29 =	simm.s32 $0x9;
	_ =	strace $0x80000048  }
0xb3: {  	_ =	swait.ge [sflag:s29], $0x1  }
0xb4: {  	[sflag:s29] =	ssyncadd.s32 $0xFFFFFFFF  }
0xb5: {  	_ =	strace $0x90000048  }
0xb6: {  	_ =	sfence  }
0xb7: {  	s30 =	sld [smem:$0x0];
	_ =	sdelay $0x2  }
0xb8: {  	s31 =	sshll.u32 s1, $0xD;
	s1 =	sshrl.u32 s1, $0x2  }
0xb9: {  	s3 =	sand.u32 $0x4000, s31;
	s1 =	sadd.s32 s1, s30  }
0xba: {  	s0 =	sor.u32 s3, s0;
	s1 =	sshll.u32 s1, $0x11  }
0xbb: {  	s0 =	sor.u32 s1, s0  }
0xbc: {  	s0 =	sadd.s32 $0x8F2B, s0  }
0xbd: {  	[sflag:s0] =	ssyncadd.remote.s32 $0x1  }
0xbe: {  	_ =	sfence.sel $0xFFFF  }
0xbf: {  	[dreg:$0x0] =	wrdreg $0xFFFFFFFF;
	(pc) =	sbr.abs _section_cstart, $3  }
0xc0: {  	[dreg:$0x1] =	wrdreg $0xFFFFFFFF  }
0xc1: {  	_ =	task.clear_ibuf [dreg:s6], $0x2FFFF;
	_ =	strace $0x9FFFFFFF  }
0xc2: {  	(tm) =	ssettm $0x7FFFFFFF  }
0xc3: {  	_ =	shalt  }
tec
execute0_lowered:
.L_overlay_start_1:
0x0: {  	(tag) =	ssettag $0x1  }
0x1: {  	s6 =	rddreg [dreg:$0x0]  }
0x2: {  	s1 =	rddreg [dreg:$0x1]  }
0x3: {  	s0 =	rddreg [dreg:$0x2]  }
0x4: {  	s3 =	simm.s32 $0x0;
	s4 =	srdreg.scid;
	s2 =	stileid.u32  }
0x5: {  	s16 =	simm.s32 $0x1;
	s17 =	simm.s32 $0x2;
	s18 =	simm.s32 $0x80  }
0x6: {  	s19 =	simm.s32 $0x4F00;
	s20 =	simm.s32 $0x6F00;
	s21 =	simm.s32 $0x3  }
0x7: {  	s22 =	simm.s32 $0x4;
	s24 =	simm.s32 $0x4D80;
	s25 =	simm.s32 $0x0  }
0x8: {  	[smem:$0x7FF] =	sst s3;
	s7 =	sand.u32 $0x1, s4;
	s4 =	sadd.s32 $0x17000, s6  }
0x9: {  	s8 =	smul.u32 $0xA000, s2;
	s9 =	sadd.s32 $0x3400, s6;
	s11 =	sadd.s32 $0xD200, s6  }
0xa: {  	s31 =	sshll.u32 s2, $0x6;
	_ =	strace $0x80000047;
	s5 =	sshll.u32 s7, $0x4  }
0xb: {  	s10 =	smul.u32 $0xA0000, s7;
	s7 =	ssub.s32 $0x2, s7;
	s23 =	sor.u32 s2, s5  }
0xc: {  	s5 =	sadd.s32 $0x2AA00, s6;
	s14 =	sshrl.u32 s7, $0x1;
	s15 =	sadd.s32 s8, s1  }
0xd: {  	s12 =	smul.u32 $0x4E, s23;
	s10 =	sadd.s32 s8, s10;
	s13 =	smin.u32 s23, $0x4  }
0xe: {  	s14 =	ssub.s32 s7, s14;
	s8 =	sor.u32 $0x1C05, s31;
	p0 =	sgt.u32 s23, $0x3  }
0xf: {  	s23 =	simm.s32 $0x4D00;
	s10 =	sshrl.u32 s10, $0x3;
	s12 =	sadd.s32 s13, s12  }
0x10: {  	s29 =	sadd.s32 s10, s6;
	s13 =	simm.s32 $0x2700;
	s30 =	sshll.u32 s12, $0x4  }
0x11: {  	s12 =	smax.u32 s14, $0x1;
	s14 =	sshrl.u32 s15, $0x3;
	s15 =	simm.s32 $0x5  }
0x12: {  	s6 =	sadd.s32 s9, s30;
	s7 =	sadd.s32 s11, s30;
	s10 =	sadd.s32 $0x4E0, s30  }
0x13: {  	s9 =	sadd.s32 s9, s10;
	s10 =	sadd.s32 s11, s10;
	s11 =	sadd.s32 $0x2BE00, s29  }
.LBB2_1:
0x14: {  	[tilespmem:s3], [sflag:$0x1] =	stream.linear.gather [hbm4b:s6+s3], $0x2700, $0x38;
	[tilespmem:$0x12F00] =	vst v63  }
0x15: {  	_ = 	snop  }
0x16: {  	[tilespmem:s13], [sflag:$0x2] =	stream.linear.gather [hbm4b:s7+s3], $0x2700, $0x38;
	[tilespmem:$0x12F00] =	vst v63  }
0x17: {  	[spmem:s14], [sflag:s8] =	dma.local [hbm:s5], $0x1400  }
0x18: {  	_ =	swait.ge [sflag:s15], $0x1400  }
0x19: {  	[sflag:s15] =	ssyncset.done $0x0  }
0x1a: {  	[sflag:s15] =	ssyncadd.s32 $0xFFFFEC00  }
0x1b: {  	_ =	swait.ge [sflag:s16], $0x2700  }
0x1c: {  	[sflag:s16] =	ssyncset.done $0x0  }
0x1d: {  	[sflag:s16] =	ssyncadd.s32 $0xFFFFD900  }
0x1e: {  	_ =	swait.ge [sflag:s17], $0x2700  }
0x1f: {  	[sflag:s17] =	ssyncset.done $0x0  }
0x20: {  	[sflag:s17] =	ssyncadd.s32 $0xFFFFD900  }
0x21: {  	[bflag:$0x0] =	sbarrier.arrive $0xFFFF  }
0x22: {  	[tilespmem:s19], [sflag:$0x1] =	stream.indirect.gather [hbm4b:s4+s18], $0x40, s3, s18, $0xb8;
	[tilespmem:$0x12F00] =	vst v63  }
0x23: {  	_ = 	snop  }
0x24: {  	[tilespmem:s20], [sflag:$0x2] =	stream.indirect.gather [hbm4b:s4+s18], $0x40, s18, s18, $0xb8;
	[tilespmem:$0x12F00] =	vst v63  }
0x25: {  	_ =	swait.ge [sflag:s16], $0x2000  }
0x26: {  	[sflag:s16] =	ssyncset.done $0x0  }
0x27: {  	s26 =	simm.s32 $0x2700;
	[sflag:s16] =	ssyncadd.s32 $0xFFFFE000  }
0x28: {  	[spmem:s1] =	stream.indirect.scatter.add.f32 [tilespmem:s19], [sflag:$0x3], $0x40, s26, s18, $0xb8;
	[tilespmem:$0x12F00] =	vst v63  }
0x29: {  	_ =	swait.ge [sflag:s21], $0x2000  }
0x2a: {  	[sflag:s21] =	ssyncset.done $0x0  }
0x2b: {  	s30 =	simm.s32 $0x100;
	[sflag:s21] =	ssyncadd.s32 $0xFFFFE000  }
0x2c: {  	[tilespmem:s19], [sflag:$0x1] =	stream.indirect.gather [hbm4b:s4+s18], $0x40, s30, s18, $0xb8;
	[tilespmem:$0x12F00] =	vst v63  }
0x2d: {  	_ =	swait.ge [sflag:s17], $0x2000  }
0x2e: {  	[sflag:s17] =	ssyncset.done $0x0  }
0x2f: {  	s31 =	simm.s32 $0x2780;
	[sflag:s17] =	ssyncadd.s32 $0xFFFFE000  }
0x30: {  	[spmem:s1] =	stream.indirect.scatter.add.f32 [tilespmem:s20], [sflag:$0x4], $0x40, s31, s18, $0xb8;
	[tilespmem:$0x12F00] =	vst v63  }
0x31: {  	_ =	swait.ge [sflag:s22], $0x2000  }
0x32: {  	[sflag:s22] =	ssyncset.done $0x0  }
0x33: {  	s28 =	simm.s32 $0x180;
	s26 =	simm.s32 $0x400;
	[sflag:s22] =	ssyncadd.s32 $0xFFFFE000  }
.LBB2_2:
0x34: {  	[tilespmem:s20], [sflag:$0x2] =	stream.indirect.gather [hbm4b:s4+s18], $0x40, s28, s18, $0xb8;
	[tilespmem:$0x12F00] =	vst v63  }
0x35: {  	s28 =	smov.u32 s26  }
0x36: {  	p1 =	sne.s32 s26, $0x9400;
	s26 =	sadd.s32 $0x400, s26;
	_ =	swait.ge [sflag:s16], $0x2000  }
0x37: {  	s28 =	sshra.s32 s28, $0x2;
	[sflag:s16] =	ssyncset.done $0x0  }
0x38: {  	s29 =	sadd.s32 $0x2700, s28;
	[sflag:s16] =	ssyncadd.s32 $0xFFFFE000  }
0x39: {  	[spmem:s1] =	stream.indirect.scatter.add.f32 [tilespmem:s19], [sflag:$0x3], $0x40, s29, s18, $0xb8;
	[tilespmem:$0x12F00] =	vst v63  }
0x3a: {  	_ =	swait.ge [sflag:s21], $0x2000  }
0x3b: {  	[sflag:s21] =	ssyncset.done $0x0  }
0x3c: {  	s29 =	sadd.s32 $0x100, s28;
	[sflag:s21] =	ssyncadd.s32 $0xFFFFE000  }
0x3d: {  	[tilespmem:s19], [sflag:$0x1] =	stream.indirect.gather [hbm4b:s4+s18], $0x40, s29, s18, $0xb8;
	[tilespmem:$0x12F00] =	vst v63  }
0x3e: {  	_ =	swait.ge [sflag:s17], $0x2000  }
0x3f: {  	[sflag:s17] =	ssyncset.done $0x0  }
.Ltmp0:
0x40: {  	s29 =	sadd.s32 $0x2780, s28;
	[sflag:s17] =	ssyncadd.s32 $0xFFFFE000;
	(pc) =	sbr.rel @p1 .LBB2_2-.Ltmp0, $4  }
0x41: {  	[spmem:s1] =	stream.indirect.scatter.add.f32 [tilespmem:s20], [sflag:$0x4], $0x40, s29, s18, $0xb8;
	[tilespmem:$0x12F00] =	vst v63  }
0x42: {  	_ =	swait.ge [sflag:s22], $0x2000  }
0x43: {  	[sflag:s22] =	ssyncset.done $0x0  }
0x44: {  	s28 =	sadd.s32 $0x180, s28;
	[sflag:s22] =	ssyncadd.s32 $0xFFFFE000  }
0x45: {  	[tilespmem:s20], [sflag:$0x2] =	stream.indirect.gather [hbm4b:s4+s18], $0x40, s28, s18, $0xb8;
	[tilespmem:$0x12F00] =	vst v63  }
0x46: {  	_ =	swait.ge [sflag:s16], $0x2000  }
0x47: {  	[sflag:s16] =	ssyncset.done $0x0  }
0x48: {  	[sflag:s16] =	ssyncadd.s32 $0xFFFFE000  }
0x49: {  	[spmem:s1] =	stream.indirect.scatter.add.f32 [tilespmem:s19], [sflag:$0x3], $0x40, s23, s18, $0xb8;
	[tilespmem:$0x12F00] =	vst v63  }
0x4a: {  	_ =	swait.ge [sflag:s21], $0x2000  }
0x4b: {  	[sflag:s21] =	ssyncset.done $0x0  }
0x4c: {  	[sflag:s21] =	ssyncadd.s32 $0xFFFFE000  }
0x4d: {  	_ =	swait.ge [sflag:s17], $0x2000  }
0x4e: {  	[sflag:s17] =	ssyncset.done $0x0  }
0x4f: {  	[sflag:s17] =	ssyncadd.s32 $0xFFFFE000  }
0x50: {  	[spmem:s1] =	stream.indirect.scatter.add.f32 [tilespmem:s20], [sflag:$0x4], $0x40, s24, s18, $0xb8;
	[tilespmem:$0x12F00] =	vst v63  }
0x51: {  	_ =	swait.ge [sflag:s22], $0x2000  }
0x52: {  	s26 =	simm.s32 @!p0 $0x0;
	[sflag:s22] =	ssyncset.done $0x0  }
0x53: {  	s28 =	simm.s32 @!p0 $0x4E00;
	s29 =	simm.s32 @!p0 $0x5;
	[sflag:s22] =	ssyncadd.s32 $0xFFFFE000  }
0x54: {  	[tilespmem:s28], [sflag:$0x5] =	stream.linear.gather @!p0 [hbm4b:s9+s26], $0x80, $0x38;
	[tilespmem:$0x12F00] =	vst v63  }
0x55: {  	_ =	swait.ge @!p0 [sflag:s29], $0x80  }
0x56: {  	[sflag:s29] =	ssyncset.done @!p0 $0x0  }
0x57: {  	s30 =	simm.s32 @!p0 $0x4E80;
	[sflag:s29] =	ssyncadd.s32 @!p0 $0xFFFFFF80  }
0x58: {  	[tilespmem:s30], [sflag:$0x5] =	stream.linear.gather @!p0 [hbm4b:s10+s26], $0x80, $0x38;
	[tilespmem:$0x12F00] =	vst v63  }
0x59: {  	_ =	swait.ge @!p0 [sflag:s29], $0x80  }
0x5a: {  	[sflag:s29] =	ssyncset.done @!p0 $0x0  }
0x5b: {  	s26 =	simm.s32 @!p0 $0x80;
	[sflag:s29] =	ssyncadd.s32 @!p0 $0xFFFFFF80;
	s29 =	simm.s32 @!p0 $0x4F00  }
0x5c: {  	[tilespmem:s29], [sflag:$0x1] =	stream.indirect.gather @!p0 [hbm4b:s4+s26], $0x40, s28, s26, $0xb8;
	[tilespmem:$0x12F00] =	vst v63  }
0x5d: {  	s28 =	simm.s32 @!p0 $0x1  }
0x5e: {  	_ =	swait.ge @!p0 [sflag:s28], $0x2000  }
0x5f: {  	[sflag:s28] =	ssyncset.done @!p0 $0x0  }
0x60: {  	[sflag:s28] =	ssyncadd.s32 @!p0 $0xFFFFE000  }
0x61: {  	[spmem:s1] =	stream.indirect.scatter.add.f32 @!p0 [tilespmem:s29], [sflag:$0x3], $0x40, s30, s26, $0xb8;
	[tilespmem:$0x12F00] =	vst v63  }
0x62: {  	s26 =	simm.s32 @!p0 $0x3  }
0x63: {  	_ =	swait.ge @!p0 [sflag:s26], $0x2000  }
0x64: {  	s25 =	sadd.s32 $0x1, s25;
	[sflag:s26] =	ssyncset.done @!p0 $0x0  }
0x65: {  	p1 =	sne.s32 s25, s12;
	[sflag:s26] =	ssyncadd.s32 @!p0 $0xFFFFE000  }
.Ltmp1:
0x66: {  	[bflag:$0x0] =	sbarrier.arrive $0xFFFF;
	(pc) =	sbr.rel @p1 .LBB2_1-.Ltmp1, $4  }
0x67: {  	[hbm:s11], [sflag:s8] =	dma.local [spmem:s14], $0x1400  }
0x68: {  	_ =	swait.ge [sflag:s15], $0x1400  }
0x69: {  	[sflag:s15] =	ssyncset.done $0x0  }
0x6a: {  	[sflag:s15] =	ssyncadd.s32 $0xFFFFEC00  }
0x6b: {  	_ =	sfence.sel $0x180000  }
0x6c: {  	[bflag:$0x0] =	sbarrier.arrive $0xFFFF  }
0x6d: {  	p0 =	sne.s32 s2, $0x0;
	_ =	strace $0x90000047  }
0x6e: {  	s0 =	sadd.s32 @!p0 $0x100000, s0;
	[bflag:$0x2] =	sbarrier.arrive $0xFFFF  }
0x6f: {  	[sflag:s0] =	ssyncadd.tile.s32 @!p0 $0x1;
	_ =	shalt  }
.Lfunc_end2:
_tile_overlayer_lowered:
.L_overlay_start_2:
0x70: {  	(tag) =	ssettag $0x2  }
0x71: {  	s0 =	rddreg [dreg:$0x0];
	s2 =	stileid.u32  }
0x72: {  	s1 =	rddreg [dreg:$0x1];
	p0 =	sne.s32 s2, $0x0  }
0x73: {  	s3 =	rddreg [dreg:$0x2];
	[bflag:$0x3] =	sbarrier.arrive $0xFFFF;
	s2 =	simm.s32 @!p0 $0x1C05  }
0x74: {  	[timem:s3], [sflag:s2] =	dma.local @!p0 [hbm:s0], s1  }
0x75: {  	s0 =	simm.s32 @!p0 $0x5  }
0x76: {  	_ =	swait.ge @!p0 [sflag:s0], s1  }
0x77: {  	s1 =	ssub.s32 @!p0 $0x0, s1;
	[sflag:s0] =	ssyncset.done @!p0 $0x0  }
0x78: {  	[sflag:s0] =	ssyncadd.s32 @!p0 s1  }
0x79: {  	[bflag:$0x3] =	sbarrier.arrive $0xFFFF  }
0x7a: {  	_ =	shalt  }

// kernel: kernel.13.cloned.1.call-start
scs
__scs_entry_jumppad:
0x0: {  	(pc) =	sbr.rel $0x88, $3  }
0x1: {  	(tag) =	ssettag $0x0;
	lr =	simm.s32 $0x1  }
0x2: {  	[smem:$0x3F91] =	sst lr;
	_ =	strace $0xD0000000  }
0x3: {  	_ = 	snop  }
0x4: {  	_ = 	snop  }
0x5: {  	_ = 	snop  }
0x6: {  	_ = 	snop  }
0x7: {  	_ = 	snop  }
__scs_overlays_trampoline_lowered:
0x8: {  	[smem:$0x3FA0] =	sst s0  }
0x9: {  	[smem:$0x3FA1] =	sst s1  }
0xa: {  	[smem:$0x3FA2] =	sst s2  }
0xb: {  	[smem:$0x3FA3] =	sst s3  }
0xc: {  	[smem:$0x3FA4] =	sst s4  }
0xd: {  	[smem:$0x3FA5] =	sst s5  }
0xe: {  	[smem:$0x3FA6] =	sst s6  }
0xf: {  	[smem:$0x3FA7] =	sst s7  }
0x10: {  	[smem:$0x3FA8] =	sst s8  }
0x11: {  	[smem:$0x3FA9] =	sst s9;
	s0 =	simm.s32 @!p0 $0x0  }
0x12: {  	s1 =	sld [smem:$0x3F8F];
	s0 =	simm.s32 @p0 $0x1  }
0x13: {  	[smem:$0x3FAA] =	sst s0;
	s0 =	simm.s32 @!p1 $0x0  }
0x14: {  	s2 =	sld [smem:$0x3F8E];
	s0 =	simm.s32 @p1 $0x1  }
0x15: {  	[smem:$0x3FAB] =	sst s0;
	s0 =	simm.s32 @!p2 $0x0  }
0x16: {  	s3 =	sld [smem:$0x3FDB];
	s0 =	simm.s32 @p2 $0x1  }
0x17: {  	s4 =	simm.s32 $0x1BF5;
	[smem:$0x3FAD] =	sst s0  }
0x18: {  	s0 =	sld [smem:$0x3F90];
	_ =	swait.ge [sflag:s4], $0x0  }
0x19: {  	s7 =	sld [smem:$0x3F91]  }
0x1a: {  	s8 =	sadd.s32 $0xFFFFE003, lr  }
0x1b: {  	s9 =	sadd.s32 $0xFFFFFEF7, lr;
	s5 =	simm.s32 $0xFFFFFFFF;
	p2 =	slt.u32 s8, $0xFFFFF086  }
0x1c: {  	p1 =	slt.u32 s9, $0xF7A;
	s5 =	simm.s32 @!p2 $0x0  }
0x1d: {  	s5 =	simm.s32 @p1 $0x1;
	p0 =	seq.s32 s7, s2  }
0x1e: {  	s7 =	smul.u32 @!p0 $0xF7A, s2;
	p2 =	seq.s32 @!p0 s5, $0x0  }
0x1f: {  	s9 =	smul.u32 $0xF7A, s1;
	s8 =	simm.s32 @!p0 $0x1BF5;
	p2 =	por !p2, p0  }
0x20: {  	[sflag:s8] =	ssyncset.s32 @!p0 $0xFFFFF086;
	s6 =	sadd.s32 @!p0 s3, s7;
	s7 =	simm.s32 @!p0 $0x108  }
0x21: {  	s3 =	sadd.s32 s3, s9;
	s6 =	sadd.s32 @!p0 $0x88, s6;
	s7 =	simm.s32 @p2 $0x1082  }
0x22: {  	[simem:s7], [sflag:s8] =	dma.local @!p0 [hbm:s6], $0xF7A  }
0x23: {  	s9 =	sor.u32 $0xD0000000, s2;
	s6 =	simm.s32 $0x108;
	_ =	swait.ge @!p0 [sflag:s8], $0x0  }
0x24: {  	s3 =	sadd.s32 $0x88, s3;
	s6 =	simm.s32 @!p1 $0x1082;
	[sflag:s4] =	ssyncset.s32 $0xFFFFF086  }
0x25: {  	[simem:s6], [sflag:s4] =	dma.local [hbm:s3], $0xF7A  }
0x26: {  	[smem:$0x3F91] =	sst s1;
	(tag) =	ssettag s2;
	_ =	strace s9  }
0x27: {  	s1 =	sld [smem:$0x3FA1]  }
0x28: {  	s2 =	sld [smem:$0x3FA2]  }
0x29: {  	s4 =	sld [smem:$0x3FA4]  }
0x2a: {  	p0 =	seq.s32 s5, $0x0;
	s5 =	sld [smem:$0x3FA5]  }
0x2b: {  	s6 =	sld [smem:$0x3FA6]  }
0x2c: {  	s7 =	sld [smem:$0x3FA7]  }
0x2d: {  	s3 =	simm.s32 $0x108;
	s8 =	sld [smem:$0x3FA8]  }
0x2e: {  	s3 =	simm.s32 @!p0 $0x1082;
	s9 =	sld [smem:$0x3FA9]  }
0x2f: {  	lr =	sadd.s32 s0, s3;
	s0 =	sld [smem:$0x3FA0]  }
0x30: {  	s3 =	sld [smem:$0x3FA3]  }
0x31: {  	[smem:$0x3FAC] =	sst s10  }
0x32: {  	s10 =	sld [smem:$0x3FAA];
	_ =	sdelay $0x3  }
0x33: {  	p0 =	seq.s32 s10, $0x1;
	s10 =	sld [smem:$0x3FAC];
	_ =	sdelay $0x3  }
0x34: {  	[smem:$0x3FAC] =	sst s10  }
0x35: {  	s10 =	sld [smem:$0x3FAB];
	_ =	sdelay $0x3  }
0x36: {  	p1 =	seq.s32 s10, $0x1;
	s10 =	sld [smem:$0x3FAC];
	_ =	sdelay $0x3  }
0x37: {  	[smem:$0x3FAC] =	sst s10  }
0x38: {  	s10 =	sld [smem:$0x3FAD]  }
0x39: {  	_ = 	snop;
	(pc) =	sbr.ind lr, $3  }
0x3a: {  	_ = 	snop  }
0x3b: {  	_ = 	snop  }
0x3c: {  	p2 =	seq.s32 s10, $0x1;
	s10 =	sld [smem:$0x3FAC]  }
0x3d: {  	_ =	shalt  }
0x3e: {  	_ =	shalt  }
0x3f: {  	_ =	shalt  }
0x40: {  	_ =	shalt  }
0x41: {  	_ =	shalt  }
0x42: {  	_ =	shalt  }
0x43: {  	_ =	shalt  }
0x44: {  	_ =	shalt  }
0x45: {  	_ =	shalt  }
0x46: {  	_ =	shalt  }
0x47: {  	_ =	shalt  }
0x48: {  	_ =	shalt  }
0x49: {  	_ =	shalt  }
0x4a: {  	_ =	shalt  }
0x4b: {  	_ =	shalt  }
0x4c: {  	_ =	shalt  }
0x4d: {  	_ =	shalt  }
0x4e: {  	_ =	shalt  }
0x4f: {  	_ =	shalt  }
0x50: {  	_ =	shalt  }
0x51: {  	_ =	shalt  }
0x52: {  	_ =	shalt  }
0x53: {  	_ =	shalt  }
0x54: {  	_ =	shalt  }
0x55: {  	_ =	shalt  }
0x56: {  	_ =	shalt  }
0x57: {  	_ =	shalt  }
0x58: {  	_ =	shalt  }
0x59: {  	_ =	shalt  }
0x5a: {  	_ =	shalt  }
0x5b: {  	_ =	shalt  }
0x5c: {  	_ =	shalt  }
0x5d: {  	_ =	shalt  }
0x5e: {  	_ =	shalt  }
0x5f: {  	_ =	shalt  }
0x60: {  	_ =	shalt  }
0x61: {  	_ =	shalt  }
0x62: {  	_ =	shalt  }
0x63: {  	_ =	shalt  }
0x64: {  	_ =	shalt  }
0x65: {  	_ =	shalt  }
0x66: {  	_ =	shalt  }
0x67: {  	_ =	shalt  }
0x68: {  	_ =	shalt  }
0x69: {  	_ =	shalt  }
0x6a: {  	_ =	shalt  }
0x6b: {  	_ =	shalt  }
0x6c: {  	_ =	shalt  }
0x6d: {  	_ =	shalt  }
0x6e: {  	_ =	shalt  }
0x6f: {  	_ =	shalt  }
0x70: {  	_ =	shalt  }
0x71: {  	_ =	shalt  }
0x72: {  	_ =	shalt  }
0x73: {  	_ =	shalt  }
0x74: {  	_ =	shalt  }
0x75: {  	_ =	shalt  }
0x76: {  	_ =	shalt  }
0x77: {  	_ =	shalt  }
0x78: {  	_ =	shalt  }
0x79: {  	_ =	shalt  }
0x7a: {  	_ =	shalt  }
0x7b: {  	_ =	shalt  }
0x7c: {  	_ =	shalt  }
0x7d: {  	_ =	shalt  }
0x7e: {  	_ =	shalt  }
0x7f: {  	_ =	shalt  }
0x80: {  	_ =	shalt  }
0x81: {  	_ =	shalt  }
0x82: {  	_ =	shalt  }
0x83: {  	_ =	shalt  }
0x84: {  	_ =	shalt  }
0x85: {  	_ =	shalt  }
0x86: {  	_ =	shalt  }
0x87: {  	_ =	shalt  }
.Lfunc_end0:
.L_simem_size_0:
called_computation.1_lowered:
.L_overlay_start_0:
0x88: {  	s2 =	sld [smem:$0x3FD9]  }
0x89: {  	s3 =	sld [smem:$0x3FFE];
	_ =	sdelay $0x1  }
0x8a: {  	s1 =	srdreg.scid  }
0x8b: {  	s0 =	sand.u32 $0x1, s1  }
0x8c: {  	s16 =	sshll.u32 s0, $0xA;
	s2 =	sadd.s32 s3, s2  }
0x8d: {  	s2 =	sadd.s32 s2, s16  }
0x8e: {  	[smem:$0x3FB8] =	sst s2  }
0x8f: {  	_ = 	snop  }
0x90: {  	(tm) =	ssettm $0x1  }
0x91: {  	s17 =	sld [smem:$0x3FFB];
	_ =	sdelay $0x3  }
0x92: {  	_ =	strace s17  }
0x93: {  	s2 =	sld [smem:$0x3FFC];
	_ =	sdelay $0x3  }
0x94: {  	_ =	strace s2  }
0x95: {  	s2 =	sld [smem:$0x3FFD];
	_ =	sdelay $0x3  }
0x96: {  	_ =	strace s2  }
0x97: {  	_ =	strace $0x8FFFFFFF  }
0x98: {  	s18 =	sld [smem:$0x3FDB];
	_ =	sdelay $0x1  }
0x99: {  	s19 =	simm.s32 $_scs_section_size  }
0x9a: {  	s4 =	simm.s32 $_size__tile_overlayer_lowered;
	s5 =	simm.s32 $_tile_overlayer_lowered  }
0x9b: {  	s22 =	simm.s32 $0x1BFF;
	s21 =	sshll.u32 s5, $0x1;
	s2 =	sadd.s32 s19, s18  }
0x9c: {  	s6 =	simm.s32 $0x0;
	s20 =	sshll.u32 s4, $0x1;
	s4 =	sadd.s32 s21, s2  }
0x9d: {  	[timem:s6], [sflag:s22] =	dma.local [hbm:s4], s20  }
0x9e: {  	_ =	swait.ge [sflag:s22], s20  }
0x9f: {  	s3 =	ssub.s32 $0x0, s20;
	[sflag:s22] =	ssyncset.done $0x0  }
0xa0: {  	[sflag:s22] =	ssyncadd.s32 s3;
	_ =	sdelay $0x1  }
0xa1: {  	s23 =	simm.s32 $0x1B8B  }
0xa2: {  	_ =	swait.ge [sflag:s23], $0x1  }
0xa3: {  	[sflag:s23] =	ssyncset.done $0x0  }
0xa4: {  	s25 =	simm.s32 $0x1B8E;
	s24 =	sld [smem:$0x3FFE];
	[sflag:s23] =	ssyncadd.s32 $0xFFFFFFFF  }
0xa5: {  	s26 =	simm.s32 $execute0_lowered;
	[smem:$0x3FD2] =	sst s25  }
0xa6: {  	s4 =	sshll.u32 s26, $0x1;
	_ =	strace $0x80000049;
	[dreg:$0x1] =	wrdreg $0xFFFFFFFF  }
0xa7: {  	s28 =	simm.s32 $_size_execute0_lowered;
	s2 =	sadd.s32 s2, s4;
	[dreg:$0x0] =	wrdreg $0x0  }
0xa8: {  	s4 =	sshll.u32 s28, $0x1;
	[dreg:$0x2] =	wrdreg s2  }
0xa9: {  	[dreg:$0x3] =	wrdreg s4  }
0xaa: {  	[dreg:$0x4] =	wrdreg $0xC0  }
0xab: {  	_ =	task [dreg:s6], $0x5FFFF  }
0xac: {  	[dreg:$0x1] =	wrdreg $0xFFFFFFFF  }
0xad: {  	[dreg:$0x0] =	wrdreg $0x60  }
0xae: {  	[dreg:$0x2] =	wrdreg s24  }
0xaf: {  	[dreg:$0x3] =	wrdreg $0x8F000  }
0xb0: {  	[dreg:$0x4] =	wrdreg $0x9  }
0xb1: {  	_ =	task.clear_ibuf [dreg:s6], $0x5FFFF;
	_ =	strace $0x90000049  }
0xb2: {  	s29 =	simm.s32 $0x9;
	_ =	strace $0x8000004B  }
0xb3: {  	_ =	swait.ge [sflag:s29], $0x1  }
0xb4: {  	[sflag:s29] =	ssyncadd.s32 $0xFFFFFFFF  }
0xb5: {  	_ =	strace $0x9000004B  }
0xb6: {  	_ =	sfence  }
0xb7: {  	s30 =	sld [smem:$0x0];
	_ =	sdelay $0x2  }
0xb8: {  	s31 =	sshll.u32 s1, $0xD;
	s1 =	sshrl.u32 s1, $0x2  }
0xb9: {  	s3 =	sand.u32 $0x4000, s31;
	s1 =	sadd.s32 s1, s30  }
0xba: {  	s0 =	sor.u32 s3, s0;
	s1 =	sshll.u32 s1, $0x11  }
0xbb: {  	s0 =	sor.u32 s1, s0  }
0xbc: {  	s0 =	sadd.s32 $0x8F2B, s0  }
0xbd: {  	[sflag:s0] =	ssyncadd.remote.s32 $0x1  }
0xbe: {  	_ =	sfence.sel $0xFFFF  }
0xbf: {  	[dreg:$0x0] =	wrdreg $0xFFFFFFFF;
	(pc) =	sbr.abs _section_cstart, $3  }
0xc0: {  	[dreg:$0x1] =	wrdreg $0xFFFFFFFF  }
0xc1: {  	_ =	task.clear_ibuf [dreg:s6], $0x2FFFF;
	_ =	strace $0x9FFFFFFF  }
0xc2: {  	(tm) =	ssettm $0x7FFFFFFF  }
0xc3: {  	_ =	shalt  }
tec
execute0_lowered:
.L_overlay_start_1:
0x0: {  	(tag) =	ssettag $0x1  }
0x1: {  	s6 =	rddreg [dreg:$0x0]  }
0x2: {  	s1 =	rddreg [dreg:$0x1]  }
0x3: {  	s0 =	rddreg [dreg:$0x2]  }
0x4: {  	s3 =	simm.s32 $0x0;
	s4 =	srdreg.scid;
	s2 =	stileid.u32  }
0x5: {  	s16 =	simm.s32 $0x1;
	s17 =	simm.s32 $0x2;
	s18 =	simm.s32 $0x80  }
0x6: {  	s19 =	simm.s32 $0x4F00;
	s20 =	simm.s32 $0x6F00;
	s21 =	simm.s32 $0x3  }
0x7: {  	s22 =	simm.s32 $0x4;
	s24 =	simm.s32 $0x4D80;
	s25 =	simm.s32 $0x0  }
0x8: {  	[smem:$0x7FF] =	sst s3;
	s7 =	sand.u32 $0x1, s4;
	s4 =	sadd.s32 $0x17000, s6  }
0x9: {  	s8 =	smul.u32 $0xA000, s2;
	s9 =	sadd.s32 $0x3400, s6;
	s11 =	sadd.s32 $0xD200, s6  }
0xa: {  	s31 =	sshll.u32 s2, $0x6;
	_ =	strace $0x8000004A;
	s5 =	sshll.u32 s7, $0x4  }
0xb: {  	s10 =	smul.u32 $0xA0000, s7;
	s7 =	ssub.s32 $0x2, s7;
	s23 =	sor.u32 s2, s5  }
0xc: {  	s5 =	sadd.s32 $0x2AA00, s6;
	s14 =	sshrl.u32 s7, $0x1;
	s15 =	sadd.s32 s8, s1  }
0xd: {  	s12 =	smul.u32 $0x4E, s23;
	s10 =	sadd.s32 s8, s10;
	s13 =	smin.u32 s23, $0x4  }
0xe: {  	s14 =	ssub.s32 s7, s14;
	s8 =	sor.u32 $0x1C05, s31;
	p0 =	sgt.u32 s23, $0x3  }
0xf: {  	s23 =	simm.s32 $0x4D00;
	s10 =	sshrl.u32 s10, $0x3;
	s12 =	sadd.s32 s13, s12  }
0x10: {  	s29 =	sadd.s32 s10, s6;
	s13 =	simm.s32 $0x2700;
	s30 =	sshll.u32 s12, $0x4  }
0x11: {  	s12 =	smax.u32 s14, $0x1;
	s14 =	sshrl.u32 s15, $0x3;
	s15 =	simm.s32 $0x5  }
0x12: {  	s6 =	sadd.s32 s9, s30;
	s7 =	sadd.s32 s11, s30;
	s10 =	sadd.s32 $0x4E0, s30  }
0x13: {  	s9 =	sadd.s32 s9, s10;
	s10 =	sadd.s32 s11, s10;
	s11 =	sadd.s32 $0x2BE00, s29  }
.LBB2_1:
0x14: {  	[tilespmem:s3], [sflag:$0x1] =	stream.linear.gather [hbm4b:s6+s3], $0x2700, $0x38;
	[tilespmem:$0x12F00] =	vst v63  }
0x15: {  	_ = 	snop  }
0x16: {  	[tilespmem:s13], [sflag:$0x2] =	stream.linear.gather [hbm4b:s7+s3], $0x2700, $0x38;
	[tilespmem:$0x12F00] =	vst v63  }
0x17: {  	[spmem:s14], [sflag:s8] =	dma.local [hbm:s5], $0x1400  }
0x18: {  	_ =	swait.ge [sflag:s15], $0x1400  }
0x19: {  	[sflag:s15] =	ssyncset.done $0x0  }
0x1a: {  	[sflag:s15] =	ssyncadd.s32 $0xFFFFEC00  }
0x1b: {  	_ =	swait.ge [sflag:s16], $0x2700  }
0x1c: {  	[sflag:s16] =	ssyncset.done $0x0  }
0x1d: {  	[sflag:s16] =	ssyncadd.s32 $0xFFFFD900  }
0x1e: {  	_ =	swait.ge [sflag:s17], $0x2700  }
0x1f: {  	[sflag:s17] =	ssyncset.done $0x0  }
0x20: {  	[sflag:s17] =	ssyncadd.s32 $0xFFFFD900  }
0x21: {  	[bflag:$0x0] =	sbarrier.arrive $0xFFFF  }
0x22: {  	[tilespmem:s19], [sflag:$0x1] =	stream.indirect.gather [hbm4b:s4+s18], $0x40, s3, s18, $0xb8;
	[tilespmem:$0x12F00] =	vst v63  }
0x23: {  	_ = 	snop  }
0x24: {  	[tilespmem:s20], [sflag:$0x2] =	stream.indirect.gather [hbm4b:s4+s18], $0x40, s18, s18, $0xb8;
	[tilespmem:$0x12F00] =	vst v63  }
0x25: {  	_ =	swait.ge [sflag:s16], $0x2000  }
0x26: {  	[sflag:s16] =	ssyncset.done $0x0  }
0x27: {  	s26 =	simm.s32 $0x2700;
	[sflag:s16] =	ssyncadd.s32 $0xFFFFE000  }
0x28: {  	[spmem:s1] =	stream.indirect.scatter.add.f32 [tilespmem:s19], [sflag:$0x3], $0x40, s26, s18, $0xb8;
	[tilespmem:$0x12F00] =	vst v63  }
0x29: {  	_ =	swait.ge [sflag:s21], $0x2000  }
0x2a: {  	[sflag:s21] =	ssyncset.done $0x0  }
0x2b: {  	s30 =	simm.s32 $0x100;
	[sflag:s21] =	ssyncadd.s32 $0xFFFFE000  }
0x2c: {  	[tilespmem:s19], [sflag:$0x1] =	stream.indirect.gather [hbm4b:s4+s18], $0x40, s30, s18, $0xb8;
	[tilespmem:$0x12F00] =	vst v63  }
0x2d: {  	_ =	swait.ge [sflag:s17], $0x2000  }
0x2e: {  	[sflag:s17] =	ssyncset.done $0x0  }
0x2f: {  	s31 =	simm.s32 $0x2780;
	[sflag:s17] =	ssyncadd.s32 $0xFFFFE000  }
0x30: {  	[spmem:s1] =	stream.indirect.scatter.add.f32 [tilespmem:s20], [sflag:$0x4], $0x40, s31, s18, $0xb8;
	[tilespmem:$0x12F00] =	vst v63  }
0x31: {  	_ =	swait.ge [sflag:s22], $0x2000  }
0x32: {  	[sflag:s22] =	ssyncset.done $0x0  }
0x33: {  	s28 =	simm.s32 $0x180;
	s26 =	simm.s32 $0x400;
	[sflag:s22] =	ssyncadd.s32 $0xFFFFE000  }
.LBB2_2:
0x34: {  	[tilespmem:s20], [sflag:$0x2] =	stream.indirect.gather [hbm4b:s4+s18], $0x40, s28, s18, $0xb8;
	[tilespmem:$0x12F00] =	vst v63  }
0x35: {  	s28 =	smov.u32 s26  }
0x36: {  	p1 =	sne.s32 s26, $0x9400;
	s26 =	sadd.s32 $0x400, s26;
	_ =	swait.ge [sflag:s16], $0x2000  }
0x37: {  	s28 =	sshra.s32 s28, $0x2;
	[sflag:s16] =	ssyncset.done $0x0  }
0x38: {  	s29 =	sadd.s32 $0x2700, s28;
	[sflag:s16] =	ssyncadd.s32 $0xFFFFE000  }
0x39: {  	[spmem:s1] =	stream.indirect.scatter.add.f32 [tilespmem:s19], [sflag:$0x3], $0x40, s29, s18, $0xb8;
	[tilespmem:$0x12F00] =	vst v63  }
0x3a: {  	_ =	swait.ge [sflag:s21], $0x2000  }
0x3b: {  	[sflag:s21] =	ssyncset.done $0x0  }
0x3c: {  	s29 =	sadd.s32 $0x100, s28;
	[sflag:s21] =	ssyncadd.s32 $0xFFFFE000  }
0x3d: {  	[tilespmem:s19], [sflag:$0x1] =	stream.indirect.gather [hbm4b:s4+s18], $0x40, s29, s18, $0xb8;
	[tilespmem:$0x12F00] =	vst v63  }
0x3e: {  	_ =	swait.ge [sflag:s17], $0x2000  }
0x3f: {  	[sflag:s17] =	ssyncset.done $0x0  }
.Ltmp0:
0x40: {  	s29 =	sadd.s32 $0x2780, s28;
	[sflag:s17] =	ssyncadd.s32 $0xFFFFE000;
	(pc) =	sbr.rel @p1 .LBB2_2-.Ltmp0, $4  }
0x41: {  	[spmem:s1] =	stream.indirect.scatter.add.f32 [tilespmem:s20], [sflag:$0x4], $0x40, s29, s18, $0xb8;
	[tilespmem:$0x12F00] =	vst v63  }
0x42: {  	_ =	swait.ge [sflag:s22], $0x2000  }
0x43: {  	[sflag:s22] =	ssyncset.done $0x0  }
0x44: {  	s28 =	sadd.s32 $0x180, s28;
	[sflag:s22] =	ssyncadd.s32 $0xFFFFE000  }
0x45: {  	[tilespmem:s20], [sflag:$0x2] =	stream.indirect.gather [hbm4b:s4+s18], $0x40, s28, s18, $0xb8;
	[tilespmem:$0x12F00] =	vst v63  }
0x46: {  	_ =	swait.ge [sflag:s16], $0x2000  }
0x47: {  	[sflag:s16] =	ssyncset.done $0x0  }
0x48: {  	[sflag:s16] =	ssyncadd.s32 $0xFFFFE000  }
0x49: {  	[spmem:s1] =	stream.indirect.scatter.add.f32 [tilespmem:s19], [sflag:$0x3], $0x40, s23, s18, $0xb8;
	[tilespmem:$0x12F00] =	vst v63  }
0x4a: {  	_ =	swait.ge [sflag:s21], $0x2000  }
0x4b: {  	[sflag:s21] =	ssyncset.done $0x0  }
0x4c: {  	[sflag:s21] =	ssyncadd.s32 $0xFFFFE000  }
0x4d: {  	_ =	swait.ge [sflag:s17], $0x2000  }
0x4e: {  	[sflag:s17] =	ssyncset.done $0x0  }
0x4f: {  	[sflag:s17] =	ssyncadd.s32 $0xFFFFE000  }
0x50: {  	[spmem:s1] =	stream.indirect.scatter.add.f32 [tilespmem:s20], [sflag:$0x4], $0x40, s24, s18, $0xb8;
	[tilespmem:$0x12F00] =	vst v63  }
0x51: {  	_ =	swait.ge [sflag:s22], $0x2000  }
0x52: {  	s26 =	simm.s32 @!p0 $0x0;
	[sflag:s22] =	ssyncset.done $0x0  }
0x53: {  	s28 =	simm.s32 @!p0 $0x4E00;
	s29 =	simm.s32 @!p0 $0x5;
	[sflag:s22] =	ssyncadd.s32 $0xFFFFE000  }
0x54: {  	[tilespmem:s28], [sflag:$0x5] =	stream.linear.gather @!p0 [hbm4b:s9+s26], $0x80, $0x38;
	[tilespmem:$0x12F00] =	vst v63  }
0x55: {  	_ =	swait.ge @!p0 [sflag:s29], $0x80  }
0x56: {  	[sflag:s29] =	ssyncset.done @!p0 $0x0  }
0x57: {  	s30 =	simm.s32 @!p0 $0x4E80;
	[sflag:s29] =	ssyncadd.s32 @!p0 $0xFFFFFF80  }
0x58: {  	[tilespmem:s30], [sflag:$0x5] =	stream.linear.gather @!p0 [hbm4b:s10+s26], $0x80, $0x38;
	[tilespmem:$0x12F00] =	vst v63  }
0x59: {  	_ =	swait.ge @!p0 [sflag:s29], $0x80  }
0x5a: {  	[sflag:s29] =	ssyncset.done @!p0 $0x0  }
0x5b: {  	s26 =	simm.s32 @!p0 $0x80;
	[sflag:s29] =	ssyncadd.s32 @!p0 $0xFFFFFF80;
	s29 =	simm.s32 @!p0 $0x4F00  }
0x5c: {  	[tilespmem:s29], [sflag:$0x1] =	stream.indirect.gather @!p0 [hbm4b:s4+s26], $0x40, s28, s26, $0xb8;
	[tilespmem:$0x12F00] =	vst v63  }
0x5d: {  	s28 =	simm.s32 @!p0 $0x1  }
0x5e: {  	_ =	swait.ge @!p0 [sflag:s28], $0x2000  }
0x5f: {  	[sflag:s28] =	ssyncset.done @!p0 $0x0  }
0x60: {  	[sflag:s28] =	ssyncadd.s32 @!p0 $0xFFFFE000  }
0x61: {  	[spmem:s1] =	stream.indirect.scatter.add.f32 @!p0 [tilespmem:s29], [sflag:$0x3], $0x40, s30, s26, $0xb8;
	[tilespmem:$0x12F00] =	vst v63  }
0x62: {  	s26 =	simm.s32 @!p0 $0x3  }
0x63: {  	_ =	swait.ge @!p0 [sflag:s26], $0x2000  }
0x64: {  	s25 =	sadd.s32 $0x1, s25;
	[sflag:s26] =	ssyncset.done @!p0 $0x0  }
0x65: {  	p1 =	sne.s32 s25, s12;
	[sflag:s26] =	ssyncadd.s32 @!p0 $0xFFFFE000  }
.Ltmp1:
0x66: {  	[bflag:$0x0] =	sbarrier.arrive $0xFFFF;
	(pc) =	sbr.rel @p1 .LBB2_1-.Ltmp1, $4  }
0x67: {  	[hbm:s11], [sflag:s8] =	dma.local [spmem:s14], $0x1400  }
0x68: {  	_ =	swait.ge [sflag:s15], $0x1400  }
0x69: {  	[sflag:s15] =	ssyncset.done $0x0  }
0x6a: {  	[sflag:s15] =	ssyncadd.s32 $0xFFFFEC00  }
0x6b: {  	_ =	sfence.sel $0x180000  }
0x6c: {  	[bflag:$0x0] =	sbarrier.arrive $0xFFFF  }
0x6d: {  	p0 =	sne.s32 s2, $0x0;
	_ =	strace $0x9000004A  }
0x6e: {  	s0 =	sadd.s32 @!p0 $0x100000, s0;
	[bflag:$0x2] =	sbarrier.arrive $0xFFFF  }
0x6f: {  	[sflag:s0] =	ssyncadd.tile.s32 @!p0 $0x1;
	_ =	shalt  }
.Lfunc_end2:
_tile_overlayer_lowered:
.L_overlay_start_2:
0x70: {  	(tag) =	ssettag $0x2  }
0x71: {  	s0 =	rddreg [dreg:$0x0];
	s2 =	stileid.u32  }
0x72: {  	s1 =	rddreg [dreg:$0x1];
	p0 =	sne.s32 s2, $0x0  }
0x73: {  	s3 =	rddreg [dreg:$0x2];
	[bflag:$0x3] =	sbarrier.arrive $0xFFFF;
	s2 =	simm.s32 @!p0 $0x1C05  }
0x74: {  	[timem:s3], [sflag:s2] =	dma.local @!p0 [hbm:s0], s1  }
0x75: {  	s0 =	simm.s32 @!p0 $0x5  }
0x76: {  	_ =	swait.ge @!p0 [sflag:s0], s1  }
0x77: {  	s1 =	ssub.s32 @!p0 $0x0, s1;
	[sflag:s0] =	ssyncset.done @!p0 $0x0  }
0x78: {  	[sflag:s0] =	ssyncadd.s32 @!p0 s1  }
0x79: {  	[bflag:$0x3] =	sbarrier.arrive $0xFFFF  }
0x7a: {  	_ =	shalt  }

// kernel: kernel.16.cloned.1.call-start
scs
__scs_entry_jumppad:
0x0: {  	(pc) =	sbr.rel $0x88, $3  }
0x1: {  	(tag) =	ssettag $0x0;
	lr =	simm.s32 $0x1  }
0x2: {  	[smem:$0x3F91] =	sst lr;
	_ =	strace $0xD0000000  }
0x3: {  	_ = 	snop  }
0x4: {  	_ = 	snop  }
0x5: {  	_ = 	snop  }
0x6: {  	_ = 	snop  }
0x7: {  	_ = 	snop  }
__scs_overlays_trampoline_lowered:
0x8: {  	[smem:$0x3FA0] =	sst s0  }
0x9: {  	[smem:$0x3FA1] =	sst s1  }
0xa: {  	[smem:$0x3FA2] =	sst s2  }
0xb: {  	[smem:$0x3FA3] =	sst s3  }
0xc: {  	[smem:$0x3FA4] =	sst s4  }
0xd: {  	[smem:$0x3FA5] =	sst s5  }
0xe: {  	[smem:$0x3FA6] =	sst s6  }
0xf: {  	[smem:$0x3FA7] =	sst s7  }
0x10: {  	[smem:$0x3FA8] =	sst s8  }
0x11: {  	[smem:$0x3FA9] =	sst s9;
	s0 =	simm.s32 @!p0 $0x0  }
0x12: {  	s1 =	sld [smem:$0x3F8F];
	s0 =	simm.s32 @p0 $0x1  }
0x13: {  	[smem:$0x3FAA] =	sst s0;
	s0 =	simm.s32 @!p1 $0x0  }
0x14: {  	s2 =	sld [smem:$0x3F8E];
	s0 =	simm.s32 @p1 $0x1  }
0x15: {  	[smem:$0x3FAB] =	sst s0;
	s0 =	simm.s32 @!p2 $0x0  }
0x16: {  	s3 =	sld [smem:$0x3FDB];
	s0 =	simm.s32 @p2 $0x1  }
0x17: {  	s4 =	simm.s32 $0x1BF5;
	[smem:$0x3FAD] =	sst s0  }
0x18: {  	s0 =	sld [smem:$0x3F90];
	_ =	swait.ge [sflag:s4], $0x0  }
0x19: {  	s7 =	sld [smem:$0x3F91]  }
0x1a: {  	s8 =	sadd.s32 $0xFFFFE003, lr  }
0x1b: {  	s9 =	sadd.s32 $0xFFFFFEF7, lr;
	s5 =	simm.s32 $0xFFFFFFFF;
	p2 =	slt.u32 s8, $0xFFFFF086  }
0x1c: {  	p1 =	slt.u32 s9, $0xF7A;
	s5 =	simm.s32 @!p2 $0x0  }
0x1d: {  	s5 =	simm.s32 @p1 $0x1;
	p0 =	seq.s32 s7, s2  }
0x1e: {  	s7 =	smul.u32 @!p0 $0xF7A, s2;
	p2 =	seq.s32 @!p0 s5, $0x0  }
0x1f: {  	s9 =	smul.u32 $0xF7A, s1;
	s8 =	simm.s32 @!p0 $0x1BF5;
	p2 =	por !p2, p0  }
0x20: {  	[sflag:s8] =	ssyncset.s32 @!p0 $0xFFFFF086;
	s6 =	sadd.s32 @!p0 s3, s7;
	s7 =	simm.s32 @!p0 $0x108  }
0x21: {  	s3 =	sadd.s32 s3, s9;
	s6 =	sadd.s32 @!p0 $0x88, s6;
	s7 =	simm.s32 @p2 $0x1082  }
0x22: {  	[simem:s7], [sflag:s8] =	dma.local @!p0 [hbm:s6], $0xF7A  }
0x23: {  	s9 =	sor.u32 $0xD0000000, s2;
	s6 =	simm.s32 $0x108;
	_ =	swait.ge @!p0 [sflag:s8], $0x0  }
0x24: {  	s3 =	sadd.s32 $0x88, s3;
	s6 =	simm.s32 @!p1 $0x1082;
	[sflag:s4] =	ssyncset.s32 $0xFFFFF086  }
0x25: {  	[simem:s6], [sflag:s4] =	dma.local [hbm:s3], $0xF7A  }
0x26: {  	[smem:$0x3F91] =	sst s1;
	(tag) =	ssettag s2;
	_ =	strace s9  }
0x27: {  	s1 =	sld [smem:$0x3FA1]  }
0x28: {  	s2 =	sld [smem:$0x3FA2]  }
0x29: {  	s4 =	sld [smem:$0x3FA4]  }
0x2a: {  	p0 =	seq.s32 s5, $0x0;
	s5 =	sld [smem:$0x3FA5]  }
0x2b: {  	s6 =	sld [smem:$0x3FA6]  }
0x2c: {  	s7 =	sld [smem:$0x3FA7]  }
0x2d: {  	s3 =	simm.s32 $0x108;
	s8 =	sld [smem:$0x3FA8]  }
0x2e: {  	s3 =	simm.s32 @!p0 $0x1082;
	s9 =	sld [smem:$0x3FA9]  }
0x2f: {  	lr =	sadd.s32 s0, s3;
	s0 =	sld [smem:$0x3FA0]  }
0x30: {  	s3 =	sld [smem:$0x3FA3]  }
0x31: {  	[smem:$0x3FAC] =	sst s10  }
0x32: {  	s10 =	sld [smem:$0x3FAA];
	_ =	sdelay $0x3  }
0x33: {  	p0 =	seq.s32 s10, $0x1;
	s10 =	sld [smem:$0x3FAC];
	_ =	sdelay $0x3  }
0x34: {  	[smem:$0x3FAC] =	sst s10  }
0x35: {  	s10 =	sld [smem:$0x3FAB];
	_ =	sdelay $0x3  }
0x36: {  	p1 =	seq.s32 s10, $0x1;
	s10 =	sld [smem:$0x3FAC];
	_ =	sdelay $0x3  }
0x37: {  	[smem:$0x3FAC] =	sst s10  }
0x38: {  	s10 =	sld [smem:$0x3FAD]  }
0x39: {  	_ = 	snop;
	(pc) =	sbr.ind lr, $3  }
0x3a: {  	_ = 	snop  }
0x3b: {  	_ = 	snop  }
0x3c: {  	p2 =	seq.s32 s10, $0x1;
	s10 =	sld [smem:$0x3FAC]  }
0x3d: {  	_ =	shalt  }
0x3e: {  	_ =	shalt  }
0x3f: {  	_ =	shalt  }
0x40: {  	_ =	shalt  }
0x41: {  	_ =	shalt  }
0x42: {  	_ =	shalt  }
0x43: {  	_ =	shalt  }
0x44: {  	_ =	shalt  }
0x45: {  	_ =	shalt  }
0x46: {  	_ =	shalt  }
0x47: {  	_ =	shalt  }
0x48: {  	_ =	shalt  }
0x49: {  	_ =	shalt  }
0x4a: {  	_ =	shalt  }
0x4b: {  	_ =	shalt  }
0x4c: {  	_ =	shalt  }
0x4d: {  	_ =	shalt  }
0x4e: {  	_ =	shalt  }
0x4f: {  	_ =	shalt  }
0x50: {  	_ =	shalt  }
0x51: {  	_ =	shalt  }
0x52: {  	_ =	shalt  }
0x53: {  	_ =	shalt  }
0x54: {  	_ =	shalt  }
0x55: {  	_ =	shalt  }
0x56: {  	_ =	shalt  }
0x57: {  	_ =	shalt  }
0x58: {  	_ =	shalt  }
0x59: {  	_ =	shalt  }
0x5a: {  	_ =	shalt  }
0x5b: {  	_ =	shalt  }
0x5c: {  	_ =	shalt  }
0x5d: {  	_ =	shalt  }
0x5e: {  	_ =	shalt  }
0x5f: {  	_ =	shalt  }
0x60: {  	_ =	shalt  }
0x61: {  	_ =	shalt  }
0x62: {  	_ =	shalt  }
0x63: {  	_ =	shalt  }
0x64: {  	_ =	shalt  }
0x65: {  	_ =	shalt  }
0x66: {  	_ =	shalt  }
0x67: {  	_ =	shalt  }
0x68: {  	_ =	shalt  }
0x69: {  	_ =	shalt  }
0x6a: {  	_ =	shalt  }
0x6b: {  	_ =	shalt  }
0x6c: {  	_ =	shalt  }
0x6d: {  	_ =	shalt  }
0x6e: {  	_ =	shalt  }
0x6f: {  	_ =	shalt  }
0x70: {  	_ =	shalt  }
0x71: {  	_ =	shalt  }
0x72: {  	_ =	shalt  }
0x73: {  	_ =	shalt  }
0x74: {  	_ =	shalt  }
0x75: {  	_ =	shalt  }
0x76: {  	_ =	shalt  }
0x77: {  	_ =	shalt  }
0x78: {  	_ =	shalt  }
0x79: {  	_ =	shalt  }
0x7a: {  	_ =	shalt  }
0x7b: {  	_ =	shalt  }
0x7c: {  	_ =	shalt  }
0x7d: {  	_ =	shalt  }
0x7e: {  	_ =	shalt  }
0x7f: {  	_ =	shalt  }
0x80: {  	_ =	shalt  }
0x81: {  	_ =	shalt  }
0x82: {  	_ =	shalt  }
0x83: {  	_ =	shalt  }
0x84: {  	_ =	shalt  }
0x85: {  	_ =	shalt  }
0x86: {  	_ =	shalt  }
0x87: {  	_ =	shalt  }
.Lfunc_end0:
.L_simem_size_0:
called_computation.2_lowered:
.L_overlay_start_0:
0x88: {  	s2 =	sld [smem:$0x3FD9]  }
0x89: {  	s3 =	sld [smem:$0x3FFE];
	_ =	sdelay $0x1  }
0x8a: {  	s1 =	srdreg.scid  }
0x8b: {  	s0 =	sand.u32 $0x1, s1  }
0x8c: {  	s16 =	sshll.u32 s0, $0xA;
	s2 =	sadd.s32 s3, s2  }
0x8d: {  	s2 =	sadd.s32 s2, s16  }
0x8e: {  	[smem:$0x3FB8] =	sst s2  }
0x8f: {  	_ = 	snop  }
0x90: {  	(tm) =	ssettm $0x1  }
0x91: {  	s17 =	sld [smem:$0x3FFB];
	_ =	sdelay $0x3  }
0x92: {  	_ =	strace s17  }
0x93: {  	s2 =	sld [smem:$0x3FFC];
	_ =	sdelay $0x3  }
0x94: {  	_ =	strace s2  }
0x95: {  	s2 =	sld [smem:$0x3FFD];
	_ =	sdelay $0x3  }
0x96: {  	_ =	strace s2  }
0x97: {  	_ =	strace $0x8FFFFFFF  }
0x98: {  	s18 =	sld [smem:$0x3FDB];
	_ =	sdelay $0x1  }
0x99: {  	s19 =	simm.s32 $_scs_section_size  }
0x9a: {  	s4 =	simm.s32 $_size__tile_overlayer_lowered;
	s5 =	simm.s32 $_tile_overlayer_lowered  }
0x9b: {  	s22 =	simm.s32 $0x1BFF;
	s21 =	sshll.u32 s5, $0x1;
	s2 =	sadd.s32 s19, s18  }
0x9c: {  	s6 =	simm.s32 $0x0;
	s20 =	sshll.u32 s4, $0x1;
	s4 =	sadd.s32 s21, s2  }
0x9d: {  	[timem:s6], [sflag:s22] =	dma.local [hbm:s4], s20  }
0x9e: {  	_ =	swait.ge [sflag:s22], s20  }
0x9f: {  	s3 =	ssub.s32 $0x0, s20;
	[sflag:s22] =	ssyncset.done $0x0  }
0xa0: {  	[sflag:s22] =	ssyncadd.s32 s3;
	_ =	sdelay $0x1  }
0xa1: {  	s23 =	simm.s32 $0x1B8B  }
0xa2: {  	_ =	swait.ge [sflag:s23], $0x1  }
0xa3: {  	[sflag:s23] =	ssyncset.done $0x0  }
0xa4: {  	s25 =	simm.s32 $0x1B8E;
	s24 =	sld [smem:$0x3FFE];
	[sflag:s23] =	ssyncadd.s32 $0xFFFFFFFF  }
0xa5: {  	s26 =	simm.s32 $execute0_lowered;
	[smem:$0x3FD2] =	sst s25  }
0xa6: {  	s4 =	sshll.u32 s26, $0x1;
	_ =	strace $0x8000004C;
	[dreg:$0x1] =	wrdreg $0xFFFFFFFF  }
0xa7: {  	s28 =	simm.s32 $_size_execute0_lowered;
	s2 =	sadd.s32 s2, s4;
	[dreg:$0x0] =	wrdreg $0x0  }
0xa8: {  	s4 =	sshll.u32 s28, $0x1;
	[dreg:$0x2] =	wrdreg s2  }
0xa9: {  	[dreg:$0x3] =	wrdreg s4  }
0xaa: {  	[dreg:$0x4] =	wrdreg $0xC0  }
0xab: {  	_ =	task [dreg:s6], $0x5FFFF  }
0xac: {  	[dreg:$0x1] =	wrdreg $0xFFFFFFFF  }
0xad: {  	[dreg:$0x0] =	wrdreg $0x60  }
0xae: {  	[dreg:$0x2] =	wrdreg s24  }
0xaf: {  	[dreg:$0x3] =	wrdreg $0xA8000  }
0xb0: {  	[dreg:$0x4] =	wrdreg $0x9  }
0xb1: {  	_ =	task.clear_ibuf [dreg:s6], $0x5FFFF;
	_ =	strace $0x9000004C  }
0xb2: {  	s29 =	simm.s32 $0x9;
	_ =	strace $0x8000004E  }
0xb3: {  	_ =	swait.ge [sflag:s29], $0x1  }
0xb4: {  	[sflag:s29] =	ssyncadd.s32 $0xFFFFFFFF  }
0xb5: {  	_ =	strace $0x9000004E  }
0xb6: {  	_ =	sfence  }
0xb7: {  	s30 =	sld [smem:$0x0];
	_ =	sdelay $0x2  }
0xb8: {  	s31 =	sshll.u32 s1, $0xD;
	s1 =	sshrl.u32 s1, $0x2  }
0xb9: {  	s3 =	sand.u32 $0x4000, s31;
	s1 =	sadd.s32 s1, s30  }
0xba: {  	s0 =	sor.u32 s3, s0;
	s1 =	sshll.u32 s1, $0x11  }
0xbb: {  	s0 =	sor.u32 s1, s0  }
0xbc: {  	s0 =	sadd.s32 $0x8F2B, s0  }
0xbd: {  	[sflag:s0] =	ssyncadd.remote.s32 $0x1  }
0xbe: {  	_ =	sfence.sel $0xFFFF  }
0xbf: {  	[dreg:$0x0] =	wrdreg $0xFFFFFFFF;
	(pc) =	sbr.abs _section_cstart, $3  }
0xc0: {  	[dreg:$0x1] =	wrdreg $0xFFFFFFFF  }
0xc1: {  	_ =	task.clear_ibuf [dreg:s6], $0x2FFFF;
	_ =	strace $0x9FFFFFFF  }
0xc2: {  	(tm) =	ssettm $0x7FFFFFFF  }
0xc3: {  	_ =	shalt  }
tec
execute0_lowered:
.L_overlay_start_1:
0x0: {  	(tag) =	ssettag $0x1  }
0x1: {  	s0 =	rddreg [dreg:$0x0]  }
0x2: {  	s1 =	rddreg [dreg:$0x1]  }
0x3: {  	s3 =	simm.s32 $0x0;
	s4 =	srdreg.scid;
	s2 =	stileid.u32  }
0x4: {  	s17 =	simm.s32 $0x5;
	s18 =	simm.s32 $0x1;
	s19 =	simm.s32 $0x2  }
0x5: {  	s20 =	simm.s32 $0x80;
	s21 =	simm.s32 $0x2800;
	s22 =	simm.s32 $0x6800  }
0x6: {  	s23 =	simm.s32 $0x3;
	s28 =	simm.s32 $0x2600;
	s29 =	simm.s32 $0x2680  }
0x7: {  	s30 =	simm.s32 $0x0;
	[smem:$0x7FF] =	sst s3;
	s6 =	sand.u32 $0x1, s4  }
0x8: {  	s8 =	smul.u32 $0x14000, s2;
	s4 =	sadd.s32 $0x17000, s0;
	s11 =	sadd.s32 $0x3400, s0  }
0x9: {  	s12 =	sadd.s32 $0xD200, s0;
	s24 =	sadd.s32 $0x3E200, s0;
	s31 =	sshll.u32 s2, $0x6  }
0xa: {  	_ =	strace $0x8000004D;
	s5 =	sshll.u32 s6, $0x4;
	s7 =	smul.u32 $0x140000, s6  }
0xb: {  	[dreg:$0x3] =	wrdreg s24;
	s6 =	ssub.s32 $0x2, s6;
	s24 =	simm.s32 $0x4  }
0xc: {  	s25 =	sor.u32 s2, s5;
	s26 =	sshrl.u32 s6, $0x1;
	s16 =	sadd.s32 s8, s1  }
0xd: {  	s9 =	smul.u32 $0x4E, s25;
	s7 =	sadd.s32 s8, s7;
	s10 =	smin.u32 s25, $0x4  }
0xe: {  	s14 =	ssub.s32 s6, s26;
	s8 =	sor.u32 $0x1C05, s31;
	s16 =	sshrl.u32 s16, $0x3  }
0xf: {  	p0 =	sgt.u32 s25, $0x3;
	s25 =	simm.s32 $0x2580;
	s9 =	sadd.s32 s10, s9  }
0x10: {  	s26 =	simm.s32 $0x1300;
	s7 =	sshrl.u32 s7, $0x3;
	s10 =	sshll.u32 s9, $0x4  }
0x11: {  	s14 =	smax.u32 s14, $0x1;
	s0 =	sadd.s32 s7, s0;
	s6 =	sadd.s32 s11, s10  }
0x12: {  	s7 =	sadd.s32 s12, s10;
	s13 =	sadd.s32 $0x270, s10;
	s15 =	sadd.s32 $0x4E0, s10  }
0x13: {  	s9 =	sadd.s32 s11, s13;
	s10 =	sadd.s32 s12, s13;
	s11 =	sadd.s32 s11, s15  }
0x14: {  	s12 =	sadd.s32 s12, s15;
	s13 =	sadd.s32 $0x40A00, s0;
	s15 =	simm.s32 $0x1380  }
.LBB2_1:
0x15: {  	[tilespmem:s3], [sflag:$0x1] =	stream.linear.gather [hbm4b:s6+s3], $0x1380, $0x38;
	[tilespmem:$0x1E800] =	vst v63  }
0x16: {  	s0 =	rddreg [dreg:$0x3]  }
0x17: {  	[tilespmem:s15], [sflag:$0x2] =	stream.linear.gather [hbm4b:s7+s3], $0x1380, $0x38;
	[tilespmem:$0x1E800] =	vst v63  }
0x18: {  	[spmem:s16], [sflag:s8] =	dma.local [hbm:s0], $0x2800  }
0x19: {  	_ =	swait.ge [sflag:s17], $0x2800  }
0x1a: {  	[sflag:s17] =	ssyncset.done $0x0  }
0x1b: {  	[sflag:s17] =	ssyncadd.s32 $0xFFFFD800  }
0x1c: {  	_ =	swait.ge [sflag:s18], $0x1380  }
0x1d: {  	[sflag:s18] =	ssyncset.done $0x0  }
0x1e: {  	[sflag:s18] =	ssyncadd.s32 $0xFFFFEC80  }
0x1f: {  	_ =	swait.ge [sflag:s19], $0x1380  }
0x20: {  	[sflag:s19] =	ssyncset.done $0x0  }
0x21: {  	[sflag:s19] =	ssyncadd.s32 $0xFFFFEC80  }
0x22: {  	[bflag:$0x0] =	sbarrier.arrive $0xFFFF  }
0x23: {  	[tilespmem:s21], [sflag:$0x1] =	stream.indirect.gather [hbm4b:s4+s20], $0x80, s3, s20, $0xb8;
	[tilespmem:$0x1E800] =	vst v63  }
0x24: {  	_ = 	snop  }
0x25: {  	[tilespmem:s22], [sflag:$0x2] =	stream.indirect.gather [hbm4b:s4+s20], $0x80, s20, s20, $0xb8;
	[tilespmem:$0x1E800] =	vst v63  }
0x26: {  	_ =	swait.ge [sflag:s18], $0x4000  }
0x27: {  	[sflag:s18] =	ssyncset.done $0x0  }
0x28: {  	s5 =	simm.s32 $0x1380;
	[sflag:s18] =	ssyncadd.s32 $0xFFFFC000  }
0x29: {  	[spmem:s1] =	stream.indirect.scatter.add.f32 [tilespmem:s21], [sflag:$0x3], $0x80, s5, s20, $0xb8;
	[tilespmem:$0x1E800] =	vst v63  }
0x2a: {  	_ =	swait.ge [sflag:s23], $0x4000  }
0x2b: {  	[sflag:s23] =	ssyncset.done $0x0  }
0x2c: {  	s2 =	simm.s32 $0x100;
	[sflag:s23] =	ssyncadd.s32 $0xFFFFC000  }
0x2d: {  	[tilespmem:s21], [sflag:$0x1] =	stream.indirect.gather [hbm4b:s4+s20], $0x80, s2, s20, $0xb8;
	[tilespmem:$0x1E800] =	vst v63  }
0x2e: {  	_ =	swait.ge [sflag:s19], $0x4000  }
0x2f: {  	[sflag:s19] =	ssyncset.done $0x0  }
0x30: {  	s5 =	simm.s32 $0x1400;
	[sflag:s19] =	ssyncadd.s32 $0xFFFFC000  }
0x31: {  	[spmem:s1] =	stream.indirect.scatter.add.f32 [tilespmem:s22], [sflag:$0x4], $0x80, s5, s20, $0xb8;
	[tilespmem:$0x1E800] =	vst v63  }
0x32: {  	_ =	swait.ge [sflag:s24], $0x4000  }
0x33: {  	[sflag:s24] =	ssyncset.done $0x0  }
0x34: {  	s31 =	simm.s32 $0x400;
	s0 =	simm.s32 $0x180;
	[sflag:s24] =	ssyncadd.s32 $0xFFFFC000  }
.LBB2_2:
0x35: {  	[tilespmem:s22], [sflag:$0x2] =	stream.indirect.gather [hbm4b:s4+s20], $0x80, s0, s20, $0xb8;
	[tilespmem:$0x1E800] =	vst v63  }
0x36: {  	s0 =	smov.u32 s31  }
0x37: {  	p1 =	sne.s32 s31, $0x4400;
	s31 =	sadd.s32 $0x400, s31;
	_ =	swait.ge [sflag:s18], $0x4000  }
0x38: {  	s0 =	sshra.s32 s0, $0x2;
	[sflag:s18] =	ssyncset.done $0x0  }
0x39: {  	s2 =	sadd.s32 $0x1380, s0;
	[sflag:s18] =	ssyncadd.s32 $0xFFFFC000  }
0x3a: {  	[spmem:s1] =	stream.indirect.scatter.add.f32 [tilespmem:s21], [sflag:$0x3], $0x80, s2, s20, $0xb8;
	[tilespmem:$0x1E800] =	vst v63  }
0x3b: {  	_ =	swait.ge [sflag:s23], $0x4000  }
0x3c: {  	[sflag:s23] =	ssyncset.done $0x0  }
0x3d: {  	s2 =	sadd.s32 $0x100, s0;
	[sflag:s23] =	ssyncadd.s32 $0xFFFFC000  }
0x3e: {  	[tilespmem:s21], [sflag:$0x1] =	stream.indirect.gather [hbm4b:s4+s20], $0x80, s2, s20, $0xb8;
	[tilespmem:$0x1E800] =	vst v63  }
0x3f: {  	_ =	swait.ge [sflag:s19], $0x4000  }
0x40: {  	[sflag:s19] =	ssyncset.done $0x0  }
.Ltmp0:
0x41: {  	s2 =	sadd.s32 $0x1400, s0;
	[sflag:s19] =	ssyncadd.s32 $0xFFFFC000;
	(pc) =	sbr.rel @p1 .LBB2_2-.Ltmp0, $4  }
0x42: {  	[spmem:s1] =	stream.indirect.scatter.add.f32 [tilespmem:s22], [sflag:$0x4], $0x80, s2, s20, $0xb8;
	[tilespmem:$0x1E800] =	vst v63  }
0x43: {  	_ =	swait.ge [sflag:s24], $0x4000  }
0x44: {  	[sflag:s24] =	ssyncset.done $0x0  }
0x45: {  	s0 =	sadd.s32 $0x180, s0;
	[sflag:s24] =	ssyncadd.s32 $0xFFFFC000  }
0x46: {  	[tilespmem:s22], [sflag:$0x2] =	stream.indirect.gather [hbm4b:s4+s20], $0x80, s0, s20, $0xb8;
	[tilespmem:$0x1E800] =	vst v63  }
0x47: {  	_ =	swait.ge [sflag:s18], $0x4000  }
0x48: {  	[sflag:s18] =	ssyncset.done $0x0  }
0x49: {  	[sflag:s18] =	ssyncadd.s32 $0xFFFFC000  }
0x4a: {  	[spmem:s1] =	stream.indirect.scatter.add.f32 [tilespmem:s21], [sflag:$0x3], $0x80, s25, s20, $0xb8;
	[tilespmem:$0x1E800] =	vst v63  }
0x4b: {  	_ =	swait.ge [sflag:s23], $0x4000  }
0x4c: {  	[sflag:s23] =	ssyncset.done $0x0  }
0x4d: {  	[sflag:s23] =	ssyncadd.s32 $0xFFFFC000  }
0x4e: {  	[tilespmem:s21], [sflag:$0x1] =	stream.indirect.gather [hbm4b:s4+s20], $0x80, s26, s20, $0xb8;
	[tilespmem:$0x1E800] =	vst v63  }
0x4f: {  	_ =	swait.ge [sflag:s19], $0x4000  }
0x50: {  	[sflag:s19] =	ssyncset.done $0x0  }
0x51: {  	[sflag:s19] =	ssyncadd.s32 $0xFFFFC000  }
0x52: {  	[spmem:s1] =	stream.indirect.scatter.add.f32 [tilespmem:s22], [sflag:$0x4], $0x80, s28, s20, $0xb8;
	[tilespmem:$0x1E800] =	vst v63  }
0x53: {  	_ =	swait.ge [sflag:s24], $0x4000  }
0x54: {  	[sflag:s24] =	ssyncset.done $0x0  }
0x55: {  	[sflag:s24] =	ssyncadd.s32 $0xFFFFC000  }
0x56: {  	_ =	swait.ge [sflag:s18], $0x4000  }
0x57: {  	[sflag:s18] =	ssyncset.done $0x0  }
0x58: {  	[sflag:s18] =	ssyncadd.s32 $0xFFFFC000  }
0x59: {  	[spmem:s1] =	stream.indirect.scatter.add.f32 [tilespmem:s21], [sflag:$0x3], $0x80, s29, s20, $0xb8;
	[tilespmem:$0x1E800] =	vst v63  }
0x5a: {  	_ =	swait.ge [sflag:s23], $0x4000  }
0x5b: {  	[sflag:s23] =	ssyncset.done $0x0  }
0x5c: {  	s2 =	simm.s32 $0x0;
	[sflag:s23] =	ssyncadd.s32 $0xFFFFC000  }
0x5d: {  	[tilespmem:s2], [sflag:$0x1] =	stream.linear.gather [hbm4b:s9+s2], $0x1380, $0x38;
	[tilespmem:$0x1E800] =	vst v63  }
0x5e: {  	_ = 	snop  }
0x5f: {  	[tilespmem:s15], [sflag:$0x2] =	stream.linear.gather [hbm4b:s10+s2], $0x1380, $0x38;
	[tilespmem:$0x1E800] =	vst v63  }
0x60: {  	_ =	swait.ge [sflag:s18], $0x1380  }
0x61: {  	[sflag:s18] =	ssyncset.done $0x0  }
0x62: {  	[sflag:s18] =	ssyncadd.s32 $0xFFFFEC80  }
0x63: {  	_ =	swait.ge [sflag:s19], $0x1380  }
0x64: {  	[sflag:s19] =	ssyncset.done $0x0  }
0x65: {  	[sflag:s19] =	ssyncadd.s32 $0xFFFFEC80  }
0x66: {  	[tilespmem:s21], [sflag:$0x1] =	stream.indirect.gather [hbm4b:s4+s20], $0x80, s2, s20, $0xb8;
	[tilespmem:$0x1E800] =	vst v63  }
0x67: {  	_ = 	snop  }
0x68: {  	[tilespmem:s22], [sflag:$0x2] =	stream.indirect.gather [hbm4b:s4+s20], $0x80, s20, s20, $0xb8;
	[tilespmem:$0x1E800] =	vst v63  }
0x69: {  	_ =	swait.ge [sflag:s18], $0x4000  }
0x6a: {  	[sflag:s18] =	ssyncset.done $0x0  }
0x6b: {  	s5 =	simm.s32 $0x1380;
	[sflag:s18] =	ssyncadd.s32 $0xFFFFC000  }
0x6c: {  	[spmem:s1] =	stream.indirect.scatter.add.f32 [tilespmem:s21], [sflag:$0x3], $0x80, s5, s20, $0xb8;
	[tilespmem:$0x1E800] =	vst v63  }
0x6d: {  	_ =	swait.ge [sflag:s23], $0x4000  }
0x6e: {  	[sflag:s23] =	ssyncset.done $0x0  }
0x6f: {  	s2 =	simm.s32 $0x100;
	[sflag:s23] =	ssyncadd.s32 $0xFFFFC000  }
0x70: {  	[tilespmem:s21], [sflag:$0x1] =	stream.indirect.gather [hbm4b:s4+s20], $0x80, s2, s20, $0xb8;
	[tilespmem:$0x1E800] =	vst v63  }
0x71: {  	_ =	swait.ge [sflag:s19], $0x4000  }
0x72: {  	[sflag:s19] =	ssyncset.done $0x0  }
0x73: {  	s5 =	simm.s32 $0x1400;
	[sflag:s19] =	ssyncadd.s32 $0xFFFFC000  }
0x74: {  	[spmem:s1] =	stream.indirect.scatter.add.f32 [tilespmem:s22], [sflag:$0x4], $0x80, s5, s20, $0xb8;
	[tilespmem:$0x1E800] =	vst v63  }
0x75: {  	_ =	swait.ge [sflag:s24], $0x4000  }
0x76: {  	[sflag:s24] =	ssyncset.done $0x0  }
0x77: {  	s31 =	simm.s32 $0x400;
	s0 =	simm.s32 $0x180;
	[sflag:s24] =	ssyncadd.s32 $0xFFFFC000  }
.LBB2_4:
0x78: {  	[tilespmem:s22], [sflag:$0x2] =	stream.indirect.gather [hbm4b:s4+s20], $0x80, s0, s20, $0xb8;
	[tilespmem:$0x1E800] =	vst v63  }
0x79: {  	s0 =	smov.u32 s31  }
0x7a: {  	p1 =	sne.s32 s31, $0x4400;
	s31 =	sadd.s32 $0x400, s31;
	_ =	swait.ge [sflag:s18], $0x4000  }
0x7b: {  	s0 =	sshra.s32 s0, $0x2;
	[sflag:s18] =	ssyncset.done $0x0  }
0x7c: {  	s2 =	sadd.s32 $0x1380, s0;
	[sflag:s18] =	ssyncadd.s32 $0xFFFFC000  }
0x7d: {  	[spmem:s1] =	stream.indirect.scatter.add.f32 [tilespmem:s21], [sflag:$0x3], $0x80, s2, s20, $0xb8;
	[tilespmem:$0x1E800] =	vst v63  }
0x7e: {  	_ =	swait.ge [sflag:s23], $0x4000  }
0x7f: {  	[sflag:s23] =	ssyncset.done $0x0  }
0x80: {  	s2 =	sadd.s32 $0x100, s0;
	[sflag:s23] =	ssyncadd.s32 $0xFFFFC000  }
0x81: {  	[tilespmem:s21], [sflag:$0x1] =	stream.indirect.gather [hbm4b:s4+s20], $0x80, s2, s20, $0xb8;
	[tilespmem:$0x1E800] =	vst v63  }
0x82: {  	_ =	swait.ge [sflag:s19], $0x4000  }
0x83: {  	[sflag:s19] =	ssyncset.done $0x0  }
.Ltmp1:
0x84: {  	s2 =	sadd.s32 $0x1400, s0;
	[sflag:s19] =	ssyncadd.s32 $0xFFFFC000;
	(pc) =	sbr.rel @p1 .LBB2_4-.Ltmp1, $4  }
0x85: {  	[spmem:s1] =	stream.indirect.scatter.add.f32 [tilespmem:s22], [sflag:$0x4], $0x80, s2, s20, $0xb8;
	[tilespmem:$0x1E800] =	vst v63  }
0x86: {  	_ =	swait.ge [sflag:s24], $0x4000  }
0x87: {  	[sflag:s24] =	ssyncset.done $0x0  }
0x88: {  	s0 =	sadd.s32 $0x180, s0;
	[sflag:s24] =	ssyncadd.s32 $0xFFFFC000  }
0x89: {  	[tilespmem:s22], [sflag:$0x2] =	stream.indirect.gather [hbm4b:s4+s20], $0x80, s0, s20, $0xb8;
	[tilespmem:$0x1E800] =	vst v63  }
0x8a: {  	_ =	swait.ge [sflag:s18], $0x4000  }
0x8b: {  	[sflag:s18] =	ssyncset.done $0x0  }
0x8c: {  	[sflag:s18] =	ssyncadd.s32 $0xFFFFC000  }
0x8d: {  	[spmem:s1] =	stream.indirect.scatter.add.f32 [tilespmem:s21], [sflag:$0x3], $0x80, s25, s20, $0xb8;
	[tilespmem:$0x1E800] =	vst v63  }
0x8e: {  	_ =	swait.ge [sflag:s23], $0x4000  }
0x8f: {  	[sflag:s23] =	ssyncset.done $0x0  }
0x90: {  	[sflag:s23] =	ssyncadd.s32 $0xFFFFC000  }
0x91: {  	[tilespmem:s21], [sflag:$0x1] =	stream.indirect.gather [hbm4b:s4+s20], $0x80, s26, s20, $0xb8;
	[tilespmem:$0x1E800] =	vst v63  }
0x92: {  	_ =	swait.ge [sflag:s19], $0x4000  }
0x93: {  	[sflag:s19] =	ssyncset.done $0x0  }
0x94: {  	[sflag:s19] =	ssyncadd.s32 $0xFFFFC000  }
0x95: {  	[spmem:s1] =	stream.indirect.scatter.add.f32 [tilespmem:s22], [sflag:$0x4], $0x80, s28, s20, $0xb8;
	[tilespmem:$0x1E800] =	vst v63  }
0x96: {  	_ =	swait.ge [sflag:s24], $0x4000  }
0x97: {  	[sflag:s24] =	ssyncset.done $0x0  }
0x98: {  	[sflag:s24] =	ssyncadd.s32 $0xFFFFC000  }
0x99: {  	_ =	swait.ge [sflag:s18], $0x4000  }
0x9a: {  	[sflag:s18] =	ssyncset.done $0x0  }
0x9b: {  	[sflag:s18] =	ssyncadd.s32 $0xFFFFC000  }
0x9c: {  	[spmem:s1] =	stream.indirect.scatter.add.f32 [tilespmem:s21], [sflag:$0x3], $0x80, s29, s20, $0xb8;
	[tilespmem:$0x1E800] =	vst v63  }
0x9d: {  	_ =	swait.ge [sflag:s23], $0x4000  }
0x9e: {  	s0 =	simm.s32 @!p0 $0x0;
	[sflag:s23] =	ssyncset.done $0x0  }
0x9f: {  	s2 =	simm.s32 @!p0 $0x2700;
	s31 =	simm.s32 @!p0 $0x5;
	[sflag:s23] =	ssyncadd.s32 $0xFFFFC000  }
0xa0: {  	[tilespmem:s2], [sflag:$0x5] =	stream.linear.gather @!p0 [hbm4b:s11+s0], $0x80, $0x38;
	[tilespmem:$0x1E800] =	vst v63  }
0xa1: {  	_ =	swait.ge @!p0 [sflag:s31], $0x80  }
0xa2: {  	[sflag:s31] =	ssyncset.done @!p0 $0x0  }
0xa3: {  	s5 =	simm.s32 @!p0 $0x2780;
	[sflag:s31] =	ssyncadd.s32 @!p0 $0xFFFFFF80  }
0xa4: {  	[tilespmem:s5], [sflag:$0x5] =	stream.linear.gather @!p0 [hbm4b:s12+s0], $0x80, $0x38;
	[tilespmem:$0x1E800] =	vst v63  }
0xa5: {  	_ =	swait.ge @!p0 [sflag:s31], $0x80  }
0xa6: {  	[sflag:s31] =	ssyncset.done @!p0 $0x0  }
0xa7: {  	s0 =	simm.s32 @!p0 $0x80;
	[sflag:s31] =	ssyncadd.s32 @!p0 $0xFFFFFF80;
	s31 =	simm.s32 @!p0 $0x2800  }
0xa8: {  	[tilespmem:s31], [sflag:$0x1] =	stream.indirect.gather @!p0 [hbm4b:s4+s0], $0x80, s2, s0, $0xb8;
	[tilespmem:$0x1E800] =	vst v63  }
0xa9: {  	s2 =	simm.s32 @!p0 $0x1  }
0xaa: {  	_ =	swait.ge @!p0 [sflag:s2], $0x4000  }
0xab: {  	[sflag:s2] =	ssyncset.done @!p0 $0x0  }
0xac: {  	[sflag:s2] =	ssyncadd.s32 @!p0 $0xFFFFC000  }
0xad: {  	[spmem:s1] =	stream.indirect.scatter.add.f32 @!p0 [tilespmem:s31], [sflag:$0x3], $0x80, s5, s0, $0xb8;
	[tilespmem:$0x1E800] =	vst v63  }
0xae: {  	s0 =	simm.s32 @!p0 $0x3  }
0xaf: {  	_ =	swait.ge @!p0 [sflag:s0], $0x4000  }
0xb0: {  	s30 =	sadd.s32 $0x1, s30;
	[sflag:s0] =	ssyncset.done @!p0 $0x0  }
0xb1: {  	p1 =	sne.s32 s30, s14;
	[sflag:s0] =	ssyncadd.s32 @!p0 $0xFFFFC000  }
.Ltmp2:
0xb2: {  	[bflag:$0x0] =	sbarrier.arrive $0xFFFF;
	(pc) =	sbr.rel @p1 .LBB2_1-.Ltmp2, $4  }
0xb3: {  	[hbm:s13], [sflag:s8] =	dma.local [spmem:s16], $0x2800  }
0xb4: {  	_ =	swait.ge [sflag:s17], $0x2800  }
0xb5: {  	[sflag:s17] =	ssyncset.done $0x0  }
0xb6: {  	[sflag:s17] =	ssyncadd.s32 $0xFFFFD800  }
0xb7: {  	_ =	sfence.sel $0x180000  }
0xb8: {  	[bflag:$0x0] =	sbarrier.arrive $0xFFFF  }
0xb9: {  	_ =	strace $0x9000004D  }
0xba: {  	s0 =	stileid.u32;
	[bflag:$0x2] =	sbarrier.arrive $0xFFFF  }
0xbb: {  	p0 =	sne.s32 s0, $0x0;
	s0 =	rddreg [dreg:$0x2]  }
0xbc: {  	s0 =	sadd.s32 @!p0 $0x100000, s0  }
0xbd: {  	[sflag:s0] =	ssyncadd.tile.s32 @!p0 $0x1;
	_ =	shalt  }
.Lfunc_end2:
_tile_overlayer_lowered:
.L_overlay_start_2:
0xbe: {  	(tag) =	ssettag $0x2  }
0xbf: {  	s0 =	rddreg [dreg:$0x0];
	s2 =	stileid.u32  }
0xc0: {  	s1 =	rddreg [dreg:$0x1];
	p0 =	sne.s32 s2, $0x0  }
0xc1: {  	s3 =	rddreg [dreg:$0x2];
	[bflag:$0x3] =	sbarrier.arrive $0xFFFF;
	s2 =	simm.s32 @!p0 $0x1C05  }
0xc2: {  	[timem:s3], [sflag:s2] =	dma.local @!p0 [hbm:s0], s1  }
0xc3: {  	s0 =	simm.s32 @!p0 $0x5  }
0xc4: {  	_ =	swait.ge @!p0 [sflag:s0], s1  }
0xc5: {  	s1 =	ssub.s32 @!p0 $0x0, s1;
	[sflag:s0] =	ssyncset.done @!p0 $0x0  }
0xc6: {  	[sflag:s0] =	ssyncadd.s32 @!p0 s1  }
0xc7: {  	[bflag:$0x3] =	sbarrier.arrive $0xFFFF  }
0xc8: {  	_ =	shalt  }

</sc_bundles>
